<compile_context>
chip_gen: v7x
topology: tpu7x:2x2x1
jax: 0.10.2.dev20260603
libtpu: 0.0.44.dev20260713+nightly
codegen_flags: <defaults>
</compile_context>

<pallas_src>
import functools

import jax
import jax.numpy as jnp
from jax import lax
from jax.experimental import pallas as pl
from jax.experimental.pallas import tpu as pltpu
from jax.experimental.pallas import tpu_sc as plsc

_TOPK = 5
_ROWS = 128
_COLS = 32768
_RB = 8
_GRID = _ROWS // _RB
_NCHUNK = _COLS // 128
_NEG = float("-inf")


def _stage1_body(x_ref, e_ref, c_ref):
    neg = jnp.full((_RB, 128), _NEG, dtype=jnp.float32)
    acc_e = jnp.zeros((_RB, 128), dtype=jnp.float32)
    t1, t2, t3, t4, t5 = neg, neg, neg, neg, neg
    for c in range(_NCHUNK):
        v = x_ref[:, c * 128:(c + 1) * 128]
        acc_e = acc_e + jnp.exp(v)
        m = jnp.maximum(t1, v); v = jnp.minimum(t1, v); t1 = m
        m = jnp.maximum(t2, v); v = jnp.minimum(t2, v); t2 = m
        m = jnp.maximum(t3, v); v = jnp.minimum(t3, v); t3 = m
        m = jnp.maximum(t4, v); v = jnp.minimum(t4, v); t4 = m
        t5 = jnp.maximum(t5, v)
    e_ref[...] = jnp.sum(acc_e, axis=1, keepdims=True)
    c_ref[...] = jnp.concatenate([t1, t2, t3, t4, t5], axis=1)


def _stage2_body(c_ref, e_ref, s_ref, o_ref):
    cur = c_ref[...]
    e_tot = e_ref[...]
    s_y = s_ref[...]
    zero = jnp.zeros((_ROWS, 1), dtype=jnp.float32)
    tot4, tot5, cum, t4val = zero, zero, zero, zero
    for _ in range(_TOPK):
        v = jnp.max(cur, axis=1, keepdims=True)
        eq = cur == v
        cnt = jnp.sum(eq.astype(jnp.float32), axis=1, keepdims=True)
        cnt = jnp.where(v > _NEG, cnt, zero)
        take4 = jnp.minimum(cnt, jnp.maximum(4.0 - cum, 0.0))
        take5 = jnp.minimum(cnt, jnp.maximum(5.0 - cum, 0.0))
        ev = jnp.exp(v)
        tot4 = tot4 + ev * take4
        tot5 = tot5 + ev * take5
        new_cum = cum + cnt
        is_r4 = (cum < 4.0) & (new_cum >= 4.0)
        t4val = t4val + jnp.where(is_r4, v, zero)
        cum = new_cum
        cur = jnp.where(eq, _NEG, cur)
    d = jnp.where(s_y >= t4val, tot5 - jnp.exp(s_y), tot4)
    loss = jnp.log(e_tot - d) - s_y
    o_ref[...] = jnp.mean(loss).reshape(1, 1)


def _sc_gather(x_flat, flat_idx):
    mesh = plsc.VectorSubcoreMesh(core_axis_name="c", subcore_axis_name="s")
    per = _ROWS // 16

    @functools.partial(
        pl.kernel,
        out_type=jax.ShapeDtypeStruct((_ROWS,), jnp.float32),
        mesh=mesh,
        scratch_types=[
            pltpu.VMEM((per,), jnp.int32),
            pltpu.VMEM((per,), jnp.float32),
            pltpu.SemaphoreType.DMA,
        ],
    )
    def gather_kernel(x_hbm, i_hbm, o_hbm, idx_v, val_v, sem):
        cid = lax.axis_index("c")
        sid = lax.axis_index("s")

        @pl.when(cid == 0)
        def _():
            base = sid * per
            pltpu.sync_copy(i_hbm.at[pl.ds(base, per)], idx_v)
            pltpu.async_copy(x_hbm.at[idx_v], val_v, sem).wait()
            pltpu.sync_copy(val_v, o_hbm.at[pl.ds(base, per)])

    return gather_kernel(x_flat, flat_idx)


def kernel(x, y):
    flat_idx = (jnp.arange(_ROWS, dtype=jnp.int32) * _COLS
                + y.astype(jnp.int32))
    s_y = _sc_gather(x.reshape(-1), flat_idx)

    e_tot, cand = pl.pallas_call(
        _stage1_body,
        grid=(_GRID,),
        in_specs=[pl.BlockSpec((_RB, _COLS), lambda i: (i, 0))],
        out_specs=[
            pl.BlockSpec((_RB, 1), lambda i: (i, 0)),
            pl.BlockSpec((_RB, 5 * 128), lambda i: (i, 0)),
        ],
        out_shape=[
            jax.ShapeDtypeStruct((_ROWS, 1), jnp.float32),
            jax.ShapeDtypeStruct((_ROWS, 5 * 128), jnp.float32),
        ],
    )(x)

    out = pl.pallas_call(
        _stage2_body,
        grid=(1,),
        in_specs=[
            pl.BlockSpec((_ROWS, 5 * 128), lambda i: (0, 0)),
            pl.BlockSpec((_ROWS, 1), lambda i: (0, 0)),
            pl.BlockSpec((_ROWS, 1), lambda i: (0, 0)),
        ],
        out_specs=pl.BlockSpec((1, 1), lambda i: (0, 0)),
        out_shape=jax.ShapeDtypeStruct((1, 1), jnp.float32),
    )(cand, e_tot, s_y.reshape(_ROWS, 1))

    return out.reshape(())

# --- scband reference (transcript-rebuilt; emitter-appended) ---
"""Pipeline reference for scband-cetop-kloss-30081950941414 (READ-ONLY COPY).

The authoritative reference and input builder live on the scoring server;
editing this copy changes nothing except your own understanding.
"""

import jax, jax.numpy as jnp
import numpy as np

K = 5

def setup_inputs(seed: int = 0) -> dict:
    key = jax.random.key(seed)
    k1, k2 = jax.random.split(key)
    x = jax.random.normal(k1, (128, 32768), dtype=jnp.float32)
    y = jax.random.randint(k2, (128,), 0, 32768)
    return {"x": x, "y": y}

def reference(x, y):
    B, m = x.shape
    # s_y = x.gather(-1, y.view(-1, 1))
    s_y = jnp.take_along_axis(x, y[:, None], axis=-1)
    a = x - s_y
    # x.scatter(-1, y.view(-1,1), float(max(x))) : overwrite target position with global max
    rows = jnp.arange(B)
    xs = x.at[rows, y].set(jnp.max(x))
    # torch.sort returns values ascending; we need the sorted indices
    sorted_index = jnp.argsort(xs, axis=-1)
    # gather bottom (m - k) entries of a according to sorted order of xs
    s_bottom = jnp.take_along_axis(a, sorted_index[:, : m - K], axis=-1)
    return jnp.mean(jnp.log(jnp.sum(jnp.exp(s_bottom), axis=-1) + 1.0))

if __name__ == "__main__":
    import jax
    _d = setup_inputs()
    print(jax.jit(kernel)(*tuple(_d.values())))

</pallas_src>

<mosaic_0001>
#map = affine_map<(d0, d1) -> (0)>
module attributes {stable_mosaic.version = 14 : i64} {
  func.func @gather_kernel(%arg0: i32, %arg1: i32, %arg2: memref<4194304xf32, #tpu.memory_space<hbm>>, %arg3: memref<128xi32, #tpu.memory_space<hbm>>, %arg4: memref<128xf32, #tpu.memory_space<hbm>>, %arg5: memref<8xi32, #tpu.memory_space<vmem>>, %arg6: memref<8xf32, #tpu.memory_space<vmem>>, %arg7: memref<!tpu.dma_semaphore, #tpu.memory_space<semaphore_mem>>) attributes {dimension_semantics = [#tpu.dimension_semantics<core_parallel>, #tpu.dimension_semantics<subcore_parallel>], iteration_bounds = array<i64: 2, 16>, scalar_prefetch = 0 : i64, scratch_operands = 3 : i64, tpu.core_type = #tpu.core_type<sc_vector_subcore>, window_params = [{transform_indices = #map}, {transform_indices = #map}, {transform_indices = #map}]} {
    %eq3A = arith.constant 0 : i32
    %eq3A_0 = arith.cmpi eq, %arg0, %eq3A : i32
    %convert_element_type3A = arith.extui %eq3A_0 : i1 to i32
    %cond3A = arith.constant 0 : i32
    %cond3A_1 = arith.cmpi ne, %convert_element_type3A, %cond3A : i32
    scf.if %cond3A_1 {
      %mul3A = arith.constant 8 : i32
      %mul3A_2 = arith.muli %arg1, %mul3A : i32
      "tpu.region"() ({
        %run_scoped3A = tpu.sem_alloc : memref<!tpu.dma_semaphore, #tpu.memory_space<semaphore_mem>>
        %dma_start3A_5 = tpu.memref_slice %arg3[%mul3A_2] : memref<128xi32, #tpu.memory_space<hbm>> -> memref<8xi32, #tpu.memory_space<hbm>>
        %dma_start3A_6 = tpu.memref_slice %arg3[%mul3A_2] : memref<128xi32, #tpu.memory_space<hbm>> -> memref<8xi32, #tpu.memory_space<hbm>>
        tpu.enqueue_dma source(%dma_start3A_6 : memref<8xi32, #tpu.memory_space<hbm>>) target(%arg5 : memref<8xi32, #tpu.memory_space<vmem>>) target_semaphore(%run_scoped3A : memref<!tpu.dma_semaphore, #tpu.memory_space<semaphore_mem>>)
        %dma_wait3A_7 = tpu.memref_slice %arg3[%mul3A_2] : memref<128xi32, #tpu.memory_space<hbm>> -> memref<8xi32, #tpu.memory_space<hbm>>
        %dma_wait3A_8 = tpu.memref_slice %arg3[%mul3A_2] : memref<128xi32, #tpu.memory_space<hbm>> -> memref<8xi32, #tpu.memory_space<hbm>>
        tpu.wait_dma2 semaphore(%run_scoped3A : memref<!tpu.dma_semaphore, #tpu.memory_space<semaphore_mem>>) src(%dma_wait3A_8 : memref<8xi32, #tpu.memory_space<hbm>>) dst(%arg5 : memref<8xi32, #tpu.memory_space<vmem>>)
        tpu.yield
      }) : () -> ()
      %dma_start3A = arith.constant 0 : i32
      %dma_start3A_3 = tpu.memref_slice %arg2[%dma_start3A] : memref<4194304xf32, #tpu.memory_space<hbm>> -> memref<4194304xf32, #tpu.memory_space<hbm>>
      tpu.enqueue_indirect_dma source(%dma_start3A_3 : memref<4194304xf32, #tpu.memory_space<hbm>>) target(%arg6 : memref<8xf32, #tpu.memory_space<vmem>>) offsets(%arg5 : memref<8xi32, #tpu.memory_space<vmem>>) semaphore(%arg7 : memref<!tpu.dma_semaphore, #tpu.memory_space<semaphore_mem>>)
      %dma_wait3A = arith.constant 0 : i32
      %dma_wait3A_4 = tpu.memref_slice %arg2[%dma_wait3A] : memref<4194304xf32, #tpu.memory_space<hbm>> -> memref<4194304xf32, #tpu.memory_space<hbm>>
      tpu.wait_indirect_dma semaphore(%arg7 : memref<!tpu.dma_semaphore, #tpu.memory_space<semaphore_mem>>) src(%dma_wait3A_4 : memref<4194304xf32, #tpu.memory_space<hbm>>) dst(%arg6 : memref<8xf32, #tpu.memory_space<vmem>>)
      "tpu.region"() ({
        %run_scoped3A = tpu.sem_alloc : memref<!tpu.dma_semaphore, #tpu.memory_space<semaphore_mem>>
        %dma_start3A_5 = tpu.memref_slice %arg4[%mul3A_2] : memref<128xf32, #tpu.memory_space<hbm>> -> memref<8xf32, #tpu.memory_space<hbm>>
        %dma_start3A_6 = tpu.memref_slice %arg4[%mul3A_2] : memref<128xf32, #tpu.memory_space<hbm>> -> memref<8xf32, #tpu.memory_space<hbm>>
        tpu.enqueue_dma source(%arg6 : memref<8xf32, #tpu.memory_space<vmem>>) target(%dma_start3A_6 : memref<8xf32, #tpu.memory_space<hbm>>) target_semaphore(%run_scoped3A : memref<!tpu.dma_semaphore, #tpu.memory_space<semaphore_mem>>)
        %dma_wait3A_7 = tpu.memref_slice %arg4[%mul3A_2] : memref<128xf32, #tpu.memory_space<hbm>> -> memref<8xf32, #tpu.memory_space<hbm>>
        %dma_wait3A_8 = tpu.memref_slice %arg4[%mul3A_2] : memref<128xf32, #tpu.memory_space<hbm>> -> memref<8xf32, #tpu.memory_space<hbm>>
        tpu.wait_dma2 semaphore(%run_scoped3A : memref<!tpu.dma_semaphore, #tpu.memory_space<semaphore_mem>>) src(%arg6 : memref<8xf32, #tpu.memory_space<vmem>>) dst(%dma_wait3A_8 : memref<8xf32, #tpu.memory_space<hbm>>)
        tpu.yield
      }) : () -> ()
    } else {
    }
    return
  }
}

module attributes {stable_mosaic.version = 14 : i64} {
  func.func @_stage2_body(%arg0: i32, %arg1: memref<128x640xf32, #tpu.memory_space<vmem>>, %arg2: memref<128x1xf32, #tpu.memory_space<vmem>>, %arg3: memref<128x1xf32, #tpu.memory_space<vmem>>, %arg4: memref<1x1xf32, #tpu.memory_space<vmem>>) attributes {dimension_semantics = [#tpu.dimension_semantics<arbitrary>], iteration_bounds = array<i64: 1>, scalar_prefetch = 0 : i64, scratch_operands = 0 : i64, tpu.core_type = #tpu.core_type<tc>, window_params = [{pipeline_mode = #tpu.pipeline_mode<synchronous>, transform_indices = @transform_0, window_bounds = array<i64: 128, 640>}, {pipeline_mode = #tpu.pipeline_mode<synchronous>, transform_indices = @transform_1, window_bounds = array<i64: 128, 1>}, {pipeline_mode = #tpu.pipeline_mode<synchronous>, transform_indices = @transform_2, window_bounds = array<i64: 128, 1>}, {pipeline_mode = #tpu.pipeline_mode<synchronous>, transform_indices = @transform_3, window_bounds = array<i64: 1, 1>}]} {
    %get3A = arith.constant 0 : index
    %get3A_0 = arith.constant 0 : index
    %get3A_1 = vector.load %arg1[%get3A, %get3A_0] : memref<128x640xf32, #tpu.memory_space<vmem>>, vector<128x640xf32>
    %get3A_2 = arith.constant 0 : index
    %get3A_3 = arith.constant 0 : index
    %get3A_4 = vector.load %arg2[%get3A_2, %get3A_3] : memref<128x1xf32, #tpu.memory_space<vmem>>, vector<128x1xf32>
    %get3A_5 = arith.constant 0 : index
    %get3A_6 = arith.constant 0 : index
    %get3A_7 = vector.load %arg3[%get3A_5, %get3A_6] : memref<128x1xf32, #tpu.memory_space<vmem>>, vector<128x1xf32>
    %broadcast_in_dim3A = arith.constant 0.000000e+00 : f32
    %broadcast_in_dim3A_8 = vector.broadcast %broadcast_in_dim3A : f32 to vector<128x1xf32>
    %reduce_max3A = arith.constant dense<0xFF800000> : vector<128xf32>
    %reduce_max3A_9 = vector.multi_reduction <maximumf>, %get3A_1, %reduce_max3A [1] : vector<128x640xf32> to vector<128xf32>
    %broadcast_in_dim3A_10 = vector.shape_cast %reduce_max3A_9 : vector<128xf32> to vector<128x1xf32>
    %eq3A = vector.broadcast %broadcast_in_dim3A_10 : vector<128x1xf32> to vector<128x640xf32>
    %eq3A_11 = arith.cmpf oeq, %get3A_1, %eq3A : vector<128x640xf32>
    %convert_element_type3A = arith.extui %eq3A_11 : vector<128x640xi1> to vector<128x640xi32>
    %convert_element_type3A_12 = arith.sitofp %convert_element_type3A : vector<128x640xi32> to vector<128x640xf32>
    %reduce_sum3A = arith.constant dense<0.000000e+00> : vector<128xf32>
    %reduce_sum3A_13 = vector.multi_reduction <add>, %convert_element_type3A_12, %reduce_sum3A [1] : vector<128x640xf32> to vector<128xf32>
    %broadcast_in_dim3A_14 = vector.shape_cast %reduce_sum3A_13 : vector<128xf32> to vector<128x1xf32>
    %gt3A = arith.constant 0xFF800000 : f32
    %gt3A_15 = vector.broadcast %gt3A : f32 to vector<128x1xf32>
    %gt3A_16 = arith.cmpf ogt, %broadcast_in_dim3A_10, %gt3A_15 : vector<128x1xf32>
    %select_n3A = arith.select %gt3A_16, %broadcast_in_dim3A_14, %broadcast_in_dim3A_8 : vector<128x1xi1>, vector<128x1xf32>
    %sub3A = arith.constant 4.000000e+00 : f32
    %sub3A_17 = vector.broadcast %sub3A : f32 to vector<128x1xf32>
    %sub3A_18 = arith.subf %sub3A_17, %broadcast_in_dim3A_8 : vector<128x1xf32>
    %max3A = arith.constant 0.000000e+00 : f32
    %max3A_19 = vector.broadcast %max3A : f32 to vector<128x1xf32>
    %max3A_20 = arith.maximumf %sub3A_18, %max3A_19 : vector<128x1xf32>
    %min3A = arith.minimumf %select_n3A, %max3A_20 : vector<128x1xf32>
    %sub3A_21 = arith.constant 5.000000e+00 : f32
    %sub3A_22 = vector.broadcast %sub3A_21 : f32 to vector<128x1xf32>
    %sub3A_23 = arith.subf %sub3A_22, %broadcast_in_dim3A_8 : vector<128x1xf32>
    %max3A_24 = arith.constant 0.000000e+00 : f32
    %max3A_25 = vector.broadcast %max3A_24 : f32 to vector<128x1xf32>
    %max3A_26 = arith.maximumf %sub3A_23, %max3A_25 : vector<128x1xf32>
    %min3A_27 = arith.minimumf %select_n3A, %max3A_26 : vector<128x1xf32>
    %exp3A = math.exp %broadcast_in_dim3A_10 : vector<128x1xf32>
    %mul3A = arith.mulf %exp3A, %min3A : vector<128x1xf32>
    %add3A = arith.addf %broadcast_in_dim3A_8, %mul3A : vector<128x1xf32>
    %mul3A_28 = arith.mulf %exp3A, %min3A_27 : vector<128x1xf32>
    %add3A_29 = arith.addf %broadcast_in_dim3A_8, %mul3A_28 : vector<128x1xf32>
    %add3A_30 = arith.addf %broadcast_in_dim3A_8, %select_n3A : vector<128x1xf32>
    %lt3A = arith.constant 4.000000e+00 : f32
    %lt3A_31 = vector.broadcast %lt3A : f32 to vector<128x1xf32>
    %lt3A_32 = arith.cmpf olt, %broadcast_in_dim3A_8, %lt3A_31 : vector<128x1xf32>
    %ge3A = arith.constant 4.000000e+00 : f32
    %ge3A_33 = vector.broadcast %ge3A : f32 to vector<128x1xf32>
    %ge3A_34 = arith.cmpf oge, %add3A_30, %ge3A_33 : vector<128x1xf32>
    %and3A = arith.andi %lt3A_32, %ge3A_34 : vector<128x1xi1>
    %select_n3A_35 = arith.select %and3A, %broadcast_in_dim3A_10, %broadcast_in_dim3A_8 : vector<128x1xi1>, vector<128x1xf32>
    %add3A_36 = arith.addf %broadcast_in_dim3A_8, %select_n3A_35 : vector<128x1xf32>
    %jit3A = arith.constant 0xFF800000 : f32
    %broadcast_in_dim3A_37 = vector.broadcast %jit3A : f32 to vector<128x640xf32>
    %select_n3A_38 = arith.select %eq3A_11, %broadcast_in_dim3A_37, %get3A_1 : vector<128x640xi1>, vector<128x640xf32>
    %reduce_max3A_39 = arith.constant dense<0xFF800000> : vector<128xf32>
    %reduce_max3A_40 = vector.multi_reduction <maximumf>, %select_n3A_38, %reduce_max3A_39 [1] : vector<128x640xf32> to vector<128xf32>
    %broadcast_in_dim3A_41 = vector.shape_cast %reduce_max3A_40 : vector<128xf32> to vector<128x1xf32>
    %eq3A_42 = vector.broadcast %broadcast_in_dim3A_41 : vector<128x1xf32> to vector<128x640xf32>
    %eq3A_43 = arith.cmpf oeq, %select_n3A_38, %eq3A_42 : vector<128x640xf32>
    %convert_element_type3A_44 = arith.extui %eq3A_43 : vector<128x640xi1> to vector<128x640xi32>
    %convert_element_type3A_45 = arith.sitofp %convert_element_type3A_44 : vector<128x640xi32> to vector<128x640xf32>
    %reduce_sum3A_46 = arith.constant dense<0.000000e+00> : vector<128xf32>
    %reduce_sum3A_47 = vector.multi_reduction <add>, %convert_element_type3A_45, %reduce_sum3A_46 [1] : vector<128x640xf32> to vector<128xf32>
    %broadcast_in_dim3A_48 = vector.shape_cast %reduce_sum3A_47 : vector<128xf32> to vector<128x1xf32>
    %gt3A_49 = arith.constant 0xFF800000 : f32
    %gt3A_50 = vector.broadcast %gt3A_49 : f32 to vector<128x1xf32>
    %gt3A_51 = arith.cmpf ogt, %broadcast_in_dim3A_41, %gt3A_50 : vector<128x1xf32>
    %select_n3A_52 = arith.select %gt3A_51, %broadcast_in_dim3A_48, %broadcast_in_dim3A_8 : vector<128x1xi1>, vector<128x1xf32>
    %sub3A_53 = arith.constant 4.000000e+00 : f32
    %sub3A_54 = vector.broadcast %sub3A_53 : f32 to vector<128x1xf32>
    %sub3A_55 = arith.subf %sub3A_54, %add3A_30 : vector<128x1xf32>
    %max3A_56 = arith.constant 0.000000e+00 : f32
    %max3A_57 = vector.broadcast %max3A_56 : f32 to vector<128x1xf32>
    %max3A_58 = arith.maximumf %sub3A_55, %max3A_57 : vector<128x1xf32>
    %min3A_59 = arith.minimumf %select_n3A_52, %max3A_58 : vector<128x1xf32>
    %sub3A_60 = arith.constant 5.000000e+00 : f32
    %sub3A_61 = vector.broadcast %sub3A_60 : f32 to vector<128x1xf32>
    %sub3A_62 = arith.subf %sub3A_61, %add3A_30 : vector<128x1xf32>
    %max3A_63 = arith.constant 0.000000e+00 : f32
    %max3A_64 = vector.broadcast %max3A_63 : f32 to vector<128x1xf32>
    %max3A_65 = arith.maximumf %sub3A_62, %max3A_64 : vector<128x1xf32>
    %min3A_66 = arith.minimumf %select_n3A_52, %max3A_65 : vector<128x1xf32>
    %exp3A_67 = math.exp %broadcast_in_dim3A_41 : vector<128x1xf32>
    %mul3A_68 = arith.mulf %exp3A_67, %min3A_59 : vector<128x1xf32>
    %add3A_69 = arith.addf %add3A, %mul3A_68 : vector<128x1xf32>
    %mul3A_70 = arith.mulf %exp3A_67, %min3A_66 : vector<128x1xf32>
    %add3A_71 = arith.addf %add3A_29, %mul3A_70 : vector<128x1xf32>
    %add3A_72 = arith.addf %add3A_30, %select_n3A_52 : vector<128x1xf32>
    %lt3A_73 = arith.constant 4.000000e+00 : f32
    %lt3A_74 = vector.broadcast %lt3A_73 : f32 to vector<128x1xf32>
    %lt3A_75 = arith.cmpf olt, %add3A_30, %lt3A_74 : vector<128x1xf32>
    %ge3A_76 = arith.constant 4.000000e+00 : f32
    %ge3A_77 = vector.broadcast %ge3A_76 : f32 to vector<128x1xf32>
    %ge3A_78 = arith.cmpf oge, %add3A_72, %ge3A_77 : vector<128x1xf32>
    %and3A_79 = arith.andi %lt3A_75, %ge3A_78 : vector<128x1xi1>
    %select_n3A_80 = arith.select %and3A_79, %broadcast_in_dim3A_41, %broadcast_in_dim3A_8 : vector<128x1xi1>, vector<128x1xf32>
    %add3A_81 = arith.addf %add3A_36, %select_n3A_80 : vector<128x1xf32>
    %jit3A_82 = arith.constant 0xFF800000 : f32
    %broadcast_in_dim3A_83 = vector.broadcast %jit3A_82 : f32 to vector<128x640xf32>
    %select_n3A_84 = arith.select %eq3A_43, %broadcast_in_dim3A_83, %select_n3A_38 : vector<128x640xi1>, vector<128x640xf32>
    %reduce_max3A_85 = arith.constant dense<0xFF800000> : vector<128xf32>
    %reduce_max3A_86 = vector.multi_reduction <maximumf>, %select_n3A_84, %reduce_max3A_85 [1] : vector<128x640xf32> to vector<128xf32>
    %broadcast_in_dim3A_87 = vector.shape_cast %reduce_max3A_86 : vector<128xf32> to vector<128x1xf32>
    %eq3A_88 = vector.broadcast %broadcast_in_dim3A_87 : vector<128x1xf32> to vector<128x640xf32>
    %eq3A_89 = arith.cmpf oeq, %select_n3A_84, %eq3A_88 : vector<128x640xf32>
    %convert_element_type3A_90 = arith.extui %eq3A_89 : vector<128x640xi1> to vector<128x640xi32>
    %convert_element_type3A_91 = arith.sitofp %convert_element_type3A_90 : vector<128x640xi32> to vector<128x640xf32>
    %reduce_sum3A_92 = arith.constant dense<0.000000e+00> : vector<128xf32>
    %reduce_sum3A_93 = vector.multi_reduction <add>, %convert_element_type3A_91, %reduce_sum3A_92 [1] : vector<128x640xf32> to vector<128xf32>
    %broadcast_in_dim3A_94 = vector.shape_cast %reduce_sum3A_93 : vector<128xf32> to vector<128x1xf32>
    %gt3A_95 = arith.constant 0xFF800000 : f32
    %gt3A_96 = vector.broadcast %gt3A_95 : f32 to vector<128x1xf32>
    %gt3A_97 = arith.cmpf ogt, %broadcast_in_dim3A_87, %gt3A_96 : vector<128x1xf32>
    %select_n3A_98 = arith.select %gt3A_97, %broadcast_in_dim3A_94, %broadcast_in_dim3A_8 : vector<128x1xi1>, vector<128x1xf32>
    %sub3A_99 = arith.constant 4.000000e+00 : f32
    %sub3A_100 = vector.broadcast %sub3A_99 : f32 to vector<128x1xf32>
    %sub3A_101 = arith.subf %sub3A_100, %add3A_72 : vector<128x1xf32>
    %max3A_102 = arith.constant 0.000000e+00 : f32
    %max3A_103 = vector.broadcast %max3A_102 : f32 to vector<128x1xf32>
    %max3A_104 = arith.maximumf %sub3A_101, %max3A_103 : vector<128x1xf32>
    %min3A_105 = arith.minimumf %select_n3A_98, %max3A_104 : vector<128x1xf32>
    %sub3A_106 = arith.constant 5.000000e+00 : f32
    %sub3A_107 = vector.broadcast %sub3A_106 : f32 to vector<128x1xf32>
    %sub3A_108 = arith.subf %sub3A_107, %add3A_72 : vector<128x1xf32>
    %max3A_109 = arith.constant 0.000000e+00 : f32
    %max3A_110 = vector.broadcast %max3A_109 : f32 to vector<128x1xf32>
    %max3A_111 = arith.maximumf %sub3A_108, %max3A_110 : vector<128x1xf32>
    %min3A_112 = arith.minimumf %select_n3A_98, %max3A_111 : vector<128x1xf32>
    %exp3A_113 = math.exp %broadcast_in_dim3A_87 : vector<128x1xf32>
    %mul3A_114 = arith.mulf %exp3A_113, %min3A_105 : vector<128x1xf32>
    %add3A_115 = arith.addf %add3A_69, %mul3A_114 : vector<128x1xf32>
    %mul3A_116 = arith.mulf %exp3A_113, %min3A_112 : vector<128x1xf32>
    %add3A_117 = arith.addf %add3A_71, %mul3A_116 : vector<128x1xf32>
    %add3A_118 = arith.addf %add3A_72, %select_n3A_98 : vector<128x1xf32>
    %lt3A_119 = arith.constant 4.000000e+00 : f32
    %lt3A_120 = vector.broadcast %lt3A_119 : f32 to vector<128x1xf32>
    %lt3A_121 = arith.cmpf olt, %add3A_72, %lt3A_120 : vector<128x1xf32>
    %ge3A_122 = arith.constant 4.000000e+00 : f32
    %ge3A_123 = vector.broadcast %ge3A_122 : f32 to vector<128x1xf32>
    %ge3A_124 = arith.cmpf oge, %add3A_118, %ge3A_123 : vector<128x1xf32>
    %and3A_125 = arith.andi %lt3A_121, %ge3A_124 : vector<128x1xi1>
    %select_n3A_126 = arith.select %and3A_125, %broadcast_in_dim3A_87, %broadcast_in_dim3A_8 : vector<128x1xi1>, vector<128x1xf32>
    %add3A_127 = arith.addf %add3A_81, %select_n3A_126 : vector<128x1xf32>
    %jit3A_128 = arith.constant 0xFF800000 : f32
    %broadcast_in_dim3A_129 = vector.broadcast %jit3A_128 : f32 to vector<128x640xf32>
    %select_n3A_130 = arith.select %eq3A_89, %broadcast_in_dim3A_129, %select_n3A_84 : vector<128x640xi1>, vector<128x640xf32>
    %reduce_max3A_131 = arith.constant dense<0xFF800000> : vector<128xf32>
    %reduce_max3A_132 = vector.multi_reduction <maximumf>, %select_n3A_130, %reduce_max3A_131 [1] : vector<128x640xf32> to vector<128xf32>
    %broadcast_in_dim3A_133 = vector.shape_cast %reduce_max3A_132 : vector<128xf32> to vector<128x1xf32>
    %eq3A_134 = vector.broadcast %broadcast_in_dim3A_133 : vector<128x1xf32> to vector<128x640xf32>
    %eq3A_135 = arith.cmpf oeq, %select_n3A_130, %eq3A_134 : vector<128x640xf32>
    %convert_element_type3A_136 = arith.extui %eq3A_135 : vector<128x640xi1> to vector<128x640xi32>
    %convert_element_type3A_137 = arith.sitofp %convert_element_type3A_136 : vector<128x640xi32> to vector<128x640xf32>
    %reduce_sum3A_138 = arith.constant dense<0.000000e+00> : vector<128xf32>
    %reduce_sum3A_139 = vector.multi_reduction <add>, %convert_element_type3A_137, %reduce_sum3A_138 [1] : vector<128x640xf32> to vector<128xf32>
    %broadcast_in_dim3A_140 = vector.shape_cast %reduce_sum3A_139 : vector<128xf32> to vector<128x1xf32>
    %gt3A_141 = arith.constant 0xFF800000 : f32
    %gt3A_142 = vector.broadcast %gt3A_141 : f32 to vector<128x1xf32>
    %gt3A_143 = arith.cmpf ogt, %broadcast_in_dim3A_133, %gt3A_142 : vector<128x1xf32>
    %select_n3A_144 = arith.select %gt3A_143, %broadcast_in_dim3A_140, %broadcast_in_dim3A_8 : vector<128x1xi1>, vector<128x1xf32>
    %sub3A_145 = arith.constant 4.000000e+00 : f32
    %sub3A_146 = vector.broadcast %sub3A_145 : f32 to vector<128x1xf32>
    %sub3A_147 = arith.subf %sub3A_146, %add3A_118 : vector<128x1xf32>
    %max3A_148 = arith.constant 0.000000e+00 : f32
    %max3A_149 = vector.broadcast %max3A_148 : f32 to vector<128x1xf32>
    %max3A_150 = arith.maximumf %sub3A_147, %max3A_149 : vector<128x1xf32>
    %min3A_151 = arith.minimumf %select_n3A_144, %max3A_150 : vector<128x1xf32>
    %sub3A_152 = arith.constant 5.000000e+00 : f32
    %sub3A_153 = vector.broadcast %sub3A_152 : f32 to vector<128x1xf32>
    %sub3A_154 = arith.subf %sub3A_153, %add3A_118 : vector<128x1xf32>
    %max3A_155 = arith.constant 0.000000e+00 : f32
    %max3A_156 = vector.broadcast %max3A_155 : f32 to vector<128x1xf32>
    %max3A_157 = arith.maximumf %sub3A_154, %max3A_156 : vector<128x1xf32>
    %min3A_158 = arith.minimumf %select_n3A_144, %max3A_157 : vector<128x1xf32>
    %exp3A_159 = math.exp %broadcast_in_dim3A_133 : vector<128x1xf32>
    %mul3A_160 = arith.mulf %exp3A_159, %min3A_151 : vector<128x1xf32>
    %add3A_161 = arith.addf %add3A_115, %mul3A_160 : vector<128x1xf32>
    %mul3A_162 = arith.mulf %exp3A_159, %min3A_158 : vector<128x1xf32>
    %add3A_163 = arith.addf %add3A_117, %mul3A_162 : vector<128x1xf32>
    %add3A_164 = arith.addf %add3A_118, %select_n3A_144 : vector<128x1xf32>
    %lt3A_165 = arith.constant 4.000000e+00 : f32
    %lt3A_166 = vector.broadcast %lt3A_165 : f32 to vector<128x1xf32>
    %lt3A_167 = arith.cmpf olt, %add3A_118, %lt3A_166 : vector<128x1xf32>
    %ge3A_168 = arith.constant 4.000000e+00 : f32
    %ge3A_169 = vector.broadcast %ge3A_168 : f32 to vector<128x1xf32>
    %ge3A_170 = arith.cmpf oge, %add3A_164, %ge3A_169 : vector<128x1xf32>
    %and3A_171 = arith.andi %lt3A_167, %ge3A_170 : vector<128x1xi1>
    %select_n3A_172 = arith.select %and3A_171, %broadcast_in_dim3A_133, %broadcast_in_dim3A_8 : vector<128x1xi1>, vector<128x1xf32>
    %add3A_173 = arith.addf %add3A_127, %select_n3A_172 : vector<128x1xf32>
    %jit3A_174 = arith.constant 0xFF800000 : f32
    %broadcast_in_dim3A_175 = vector.broadcast %jit3A_174 : f32 to vector<128x640xf32>
    %select_n3A_176 = arith.select %eq3A_135, %broadcast_in_dim3A_175, %select_n3A_130 : vector<128x640xi1>, vector<128x640xf32>
    %reduce_max3A_177 = arith.constant dense<0xFF800000> : vector<128xf32>
    %reduce_max3A_178 = vector.multi_reduction <maximumf>, %select_n3A_176, %reduce_max3A_177 [1] : vector<128x640xf32> to vector<128xf32>
    %broadcast_in_dim3A_179 = vector.shape_cast %reduce_max3A_178 : vector<128xf32> to vector<128x1xf32>
    %eq3A_180 = vector.broadcast %broadcast_in_dim3A_179 : vector<128x1xf32> to vector<128x640xf32>
    %eq3A_181 = arith.cmpf oeq, %select_n3A_176, %eq3A_180 : vector<128x640xf32>
    %convert_element_type3A_182 = arith.extui %eq3A_181 : vector<128x640xi1> to vector<128x640xi32>
    %convert_element_type3A_183 = arith.sitofp %convert_element_type3A_182 : vector<128x640xi32> to vector<128x640xf32>
    %reduce_sum3A_184 = arith.constant dense<0.000000e+00> : vector<128xf32>
    %reduce_sum3A_185 = vector.multi_reduction <add>, %convert_element_type3A_183, %reduce_sum3A_184 [1] : vector<128x640xf32> to vector<128xf32>
    %broadcast_in_dim3A_186 = vector.shape_cast %reduce_sum3A_185 : vector<128xf32> to vector<128x1xf32>
    %gt3A_187 = arith.constant 0xFF800000 : f32
    %gt3A_188 = vector.broadcast %gt3A_187 : f32 to vector<128x1xf32>
    %gt3A_189 = arith.cmpf ogt, %broadcast_in_dim3A_179, %gt3A_188 : vector<128x1xf32>
    %select_n3A_190 = arith.select %gt3A_189, %broadcast_in_dim3A_186, %broadcast_in_dim3A_8 : vector<128x1xi1>, vector<128x1xf32>
    %sub3A_191 = arith.constant 4.000000e+00 : f32
    %sub3A_192 = vector.broadcast %sub3A_191 : f32 to vector<128x1xf32>
    %sub3A_193 = arith.subf %sub3A_192, %add3A_164 : vector<128x1xf32>
    %max3A_194 = arith.constant 0.000000e+00 : f32
    %max3A_195 = vector.broadcast %max3A_194 : f32 to vector<128x1xf32>
    %max3A_196 = arith.maximumf %sub3A_193, %max3A_195 : vector<128x1xf32>
    %min3A_197 = arith.minimumf %select_n3A_190, %max3A_196 : vector<128x1xf32>
    %sub3A_198 = arith.constant 5.000000e+00 : f32
    %sub3A_199 = vector.broadcast %sub3A_198 : f32 to vector<128x1xf32>
    %sub3A_200 = arith.subf %sub3A_199, %add3A_164 : vector<128x1xf32>
    %max3A_201 = arith.constant 0.000000e+00 : f32
    %max3A_202 = vector.broadcast %max3A_201 : f32 to vector<128x1xf32>
    %max3A_203 = arith.maximumf %sub3A_200, %max3A_202 : vector<128x1xf32>
    %min3A_204 = arith.minimumf %select_n3A_190, %max3A_203 : vector<128x1xf32>
    %exp3A_205 = math.exp %broadcast_in_dim3A_179 : vector<128x1xf32>
    %mul3A_206 = arith.mulf %exp3A_205, %min3A_197 : vector<128x1xf32>
    %add3A_207 = arith.addf %add3A_161, %mul3A_206 : vector<128x1xf32>
    %mul3A_208 = arith.mulf %exp3A_205, %min3A_204 : vector<128x1xf32>
    %add3A_209 = arith.addf %add3A_163, %mul3A_208 : vector<128x1xf32>
    %add3A_210 = arith.addf %add3A_164, %select_n3A_190 : vector<128x1xf32>
    %lt3A_211 = arith.constant 4.000000e+00 : f32
    %lt3A_212 = vector.broadcast %lt3A_211 : f32 to vector<128x1xf32>
    %lt3A_213 = arith.cmpf olt, %add3A_164, %lt3A_212 : vector<128x1xf32>
    %ge3A_214 = arith.constant 4.000000e+00 : f32
    %ge3A_215 = vector.broadcast %ge3A_214 : f32 to vector<128x1xf32>
    %ge3A_216 = arith.cmpf oge, %add3A_210, %ge3A_215 : vector<128x1xf32>
    %and3A_217 = arith.andi %lt3A_213, %ge3A_216 : vector<128x1xi1>
    %select_n3A_218 = arith.select %and3A_217, %broadcast_in_dim3A_179, %broadcast_in_dim3A_8 : vector<128x1xi1>, vector<128x1xf32>
    %add3A_219 = arith.addf %add3A_173, %select_n3A_218 : vector<128x1xf32>
    %ge3A_220 = arith.cmpf oge, %get3A_7, %add3A_219 : vector<128x1xf32>
    %exp3A_221 = math.exp %get3A_7 : vector<128x1xf32>
    %sub3A_222 = arith.subf %add3A_209, %exp3A_221 : vector<128x1xf32>
    %select_n3A_223 = arith.select %ge3A_220, %sub3A_222, %add3A_207 : vector<128x1xi1>, vector<128x1xf32>
    %sub3A_224 = arith.subf %get3A_4, %select_n3A_223 : vector<128x1xf32>
    %log3A = math.log %sub3A_224 : vector<128x1xf32>
    %sub3A_225 = arith.subf %log3A, %get3A_7 : vector<128x1xf32>
    %reduce_sum3A_226 = vector.shape_cast %sub3A_225 : vector<128x1xf32> to vector<1x128x1xf32>
    %reduce_sum3A_227 = arith.constant dense<0.000000e+00> : vector<1xf32>
    %reduce_sum3A_228 = vector.multi_reduction <add>, %reduce_sum3A_226, %reduce_sum3A_227 [1, 2] : vector<1x128x1xf32> to vector<1xf32>
    %reduce_sum3A_229 = vector.shape_cast %reduce_sum3A_228 : vector<1xf32> to vector<1x1x1xf32>
    %reduce_sum3A_230 = vector.extract %reduce_sum3A_229[0, 0, 0] : f32 from vector<1x1x1xf32>
    %div3A = arith.constant 1.280000e+02 : f32
    %div3A_231 = arith.divf %reduce_sum3A_230, %div3A : f32
    %reshape3A = vector.broadcast %div3A_231 : f32 to vector<1x1xf32>
    %swap3A = arith.constant 0 : index
    %swap3A_232 = arith.constant 0 : index
    %swap3A_233 = vector.load %arg4[%swap3A, %swap3A_232] : memref<1x1xf32, #tpu.memory_space<vmem>>, vector<1x1xf32>
    tpu.vector_store %arg4[%swap3A, %swap3A_232], %reshape3A {strides = array<i32>} : memref<1x1xf32, #tpu.memory_space<vmem>>, vector<1x1xf32>,
    return
  }
  func.func @transform_0(%arg0: i32) -> (i32, i32) {
    %c0_i32 = arith.constant 0 : i32
    %c0_i32_0 = arith.constant 0 : i32
    %c0_i32_1 = arith.constant 0 : i32
    return %c0_i32, %c0_i32_0 : i32, i32
  }
  func.func @transform_1(%arg0: i32) -> (i32, i32) {
    %c0_i32 = arith.constant 0 : i32
    %c0_i32_0 = arith.constant 0 : i32
    %c0_i32_1 = arith.constant 0 : i32
    return %c0_i32, %c0_i32_0 : i32, i32
  }
  func.func @transform_2(%arg0: i32) -> (i32, i32) {
    %c0_i32 = arith.constant 0 : i32
    %c0_i32_0 = arith.constant 0 : i32
    %c0_i32_1 = arith.constant 0 : i32
    return %c0_i32, %c0_i32_0 : i32, i32
  }
  func.func @transform_3(%arg0: i32) -> (i32, i32) {
    %c0_i32 = arith.constant 0 : i32
    %c0_i32_0 = arith.constant 0 : i32
    %c0_i32_1 = arith.constant 0 : i32
    return %c0_i32, %c0_i32_0 : i32, i32
  }
}

module attributes {stable_mosaic.version = 14 : i64} {
  func.func @_stage1_body(%arg0: i32, %arg1: memref<8x32768xf32, #tpu.memory_space<vmem>>, %arg2: memref<8x1xf32, #tpu.memory_space<vmem>>, %arg3: memref<8x640xf32, #tpu.memory_space<vmem>>) attributes {dimension_semantics = [#tpu.dimension_semantics<arbitrary>], iteration_bounds = array<i64: 16>, scalar_prefetch = 0 : i64, scratch_operands = 0 : i64, tpu.core_type = #tpu.core_type<tc>, window_params = [{transform_indices = @transform_0, window_bounds = array<i64: 8, 32768>}, {transform_indices = @transform_1, window_bounds = array<i64: 8, 1>}, {transform_indices = @transform_2, window_bounds = array<i64: 8, 640>}]} {
    %broadcast_in_dim3A = arith.constant 0xFF800000 : f32
    %broadcast_in_dim3A_0 = vector.broadcast %broadcast_in_dim3A : f32 to vector<8x128xf32>
    %broadcast_in_dim3A_1 = arith.constant 0.000000e+00 : f32
    %broadcast_in_dim3A_2 = vector.broadcast %broadcast_in_dim3A_1 : f32 to vector<8x128xf32>
    %get3A = arith.constant 0 : index
    %get3A_3 = arith.constant 0 : index
    %get3A_4 = vector.load %arg1[%get3A, %get3A_3] : memref<8x32768xf32, #tpu.memory_space<vmem>>, vector<8x128xf32>
    %exp3A = math.exp %get3A_4 : vector<8x128xf32>
    %add3A = arith.addf %broadcast_in_dim3A_2, %exp3A : vector<8x128xf32>
    %max3A = arith.maximumf %broadcast_in_dim3A_0, %get3A_4 : vector<8x128xf32>
    %min3A = arith.minimumf %broadcast_in_dim3A_0, %get3A_4 : vector<8x128xf32>
    %max3A_5 = arith.maximumf %broadcast_in_dim3A_0, %min3A : vector<8x128xf32>
    %min3A_6 = arith.minimumf %broadcast_in_dim3A_0, %min3A : vector<8x128xf32>
    %max3A_7 = arith.maximumf %broadcast_in_dim3A_0, %min3A_6 : vector<8x128xf32>
    %min3A_8 = arith.minimumf %broadcast_in_dim3A_0, %min3A_6 : vector<8x128xf32>
    %max3A_9 = arith.maximumf %broadcast_in_dim3A_0, %min3A_8 : vector<8x128xf32>
    %min3A_10 = arith.minimumf %broadcast_in_dim3A_0, %min3A_8 : vector<8x128xf32>
    %max3A_11 = arith.maximumf %broadcast_in_dim3A_0, %min3A_10 : vector<8x128xf32>
    %get3A_12 = arith.constant 0 : index
    %get3A_13 = arith.constant 128 : index
    %get3A_14 = vector.load %arg1[%get3A_12, %get3A_13] : memref<8x32768xf32, #tpu.memory_space<vmem>>, vector<8x128xf32>
    %exp3A_15 = math.exp %get3A_14 : vector<8x128xf32>
    %add3A_16 = arith.addf %add3A, %exp3A_15 : vector<8x128xf32>
    %max3A_17 = arith.maximumf %max3A, %get3A_14 : vector<8x128xf32>
    %min3A_18 = arith.minimumf %max3A, %get3A_14 : vector<8x128xf32>
    %max3A_19 = arith.maximumf %max3A_5, %min3A_18 : vector<8x128xf32>
    %min3A_20 = arith.minimumf %max3A_5, %min3A_18 : vector<8x128xf32>
    %max3A_21 = arith.maximumf %max3A_7, %min3A_20 : vector<8x128xf32>
    %min3A_22 = arith.minimumf %max3A_7, %min3A_20 : vector<8x128xf32>
    %max3A_23 = arith.maximumf %max3A_9, %min3A_22 : vector<8x128xf32>
    %min3A_24 = arith.minimumf %max3A_9, %min3A_22 : vector<8x128xf32>
    %max3A_25 = arith.maximumf %max3A_11, %min3A_24 : vector<8x128xf32>
    %get3A_26 = arith.constant 0 : index
    %get3A_27 = arith.constant 256 : index
    %get3A_28 = vector.load %arg1[%get3A_26, %get3A_27] : memref<8x32768xf32, #tpu.memory_space<vmem>>, vector<8x128xf32>
    %exp3A_29 = math.exp %get3A_28 : vector<8x128xf32>
    %add3A_30 = arith.addf %add3A_16, %exp3A_29 : vector<8x128xf32>
    %max3A_31 = arith.maximumf %max3A_17, %get3A_28 : vector<8x128xf32>
    %min3A_32 = arith.minimumf %max3A_17, %get3A_28 : vector<8x128xf32>
    %max3A_33 = arith.maximumf %max3A_19, %min3A_32 : vector<8x128xf32>
    %min3A_34 = arith.minimumf %max3A_19, %min3A_32 : vector<8x128xf32>
    %max3A_35 = arith.maximumf %max3A_21, %min3A_34 : vector<8x128xf32>
    %min3A_36 = arith.minimumf %max3A_21, %min3A_34 : vector<8x128xf32>
    %max3A_37 = arith.maximumf %max3A_23, %min3A_36 : vector<8x128xf32>
    %min3A_38 = arith.minimumf %max3A_23, %min3A_36 : vector<8x128xf32>
    %max3A_39 = arith.maximumf %max3A_25, %min3A_38 : vector<8x128xf32>
    %get3A_40 = arith.constant 0 : index
    %get3A_41 = arith.constant 384 : index
    %get3A_42 = vector.load %arg1[%get3A_40, %get3A_41] : memref<8x32768xf32, #tpu.memory_space<vmem>>, vector<8x128xf32>
    %exp3A_43 = math.exp %get3A_42 : vector<8x128xf32>
    %add3A_44 = arith.addf %add3A_30, %exp3A_43 : vector<8x128xf32>
    %max3A_45 = arith.maximumf %max3A_31, %get3A_42 : vector<8x128xf32>
    %min3A_46 = arith.minimumf %max3A_31, %get3A_42 : vector<8x128xf32>
    %max3A_47 = arith.maximumf %max3A_33, %min3A_46 : vector<8x128xf32>
    %min3A_48 = arith.minimumf %max3A_33, %min3A_46 : vector<8x128xf32>
    %max3A_49 = arith.maximumf %max3A_35, %min3A_48 : vector<8x128xf32>
    %min3A_50 = arith.minimumf %max3A_35, %min3A_48 : vector<8x128xf32>
    %max3A_51 = arith.maximumf %max3A_37, %min3A_50 : vector<8x128xf32>
    %min3A_52 = arith.minimumf %max3A_37, %min3A_50 : vector<8x128xf32>
    %max3A_53 = arith.maximumf %max3A_39, %min3A_52 : vector<8x128xf32>
    %get3A_54 = arith.constant 0 : index
    %get3A_55 = arith.constant 512 : index
    %get3A_56 = vector.load %arg1[%get3A_54, %get3A_55] : memref<8x32768xf32, #tpu.memory_space<vmem>>, vector<8x128xf32>
    %exp3A_57 = math.exp %get3A_56 : vector<8x128xf32>
    %add3A_58 = arith.addf %add3A_44, %exp3A_57 : vector<8x128xf32>
    %max3A_59 = arith.maximumf %max3A_45, %get3A_56 : vector<8x128xf32>
    %min3A_60 = arith.minimumf %max3A_45, %get3A_56 : vector<8x128xf32>
    %max3A_61 = arith.maximumf %max3A_47, %min3A_60 : vector<8x128xf32>
    %min3A_62 = arith.minimumf %max3A_47, %min3A_60 : vector<8x128xf32>
    %max3A_63 = arith.maximumf %max3A_49, %min3A_62 : vector<8x128xf32>
    %min3A_64 = arith.minimumf %max3A_49, %min3A_62 : vector<8x128xf32>
    %max3A_65 = arith.maximumf %max3A_51, %min3A_64 : vector<8x128xf32>
    %min3A_66 = arith.minimumf %max3A_51, %min3A_64 : vector<8x128xf32>
    %max3A_67 = arith.maximumf %max3A_53, %min3A_66 : vector<8x128xf32>
    %get3A_68 = arith.constant 0 : index
    %get3A_69 = arith.constant 640 : index
    %get3A_70 = vector.load %arg1[%get3A_68, %get3A_69] : memref<8x32768xf32, #tpu.memory_space<vmem>>, vector<8x128xf32>
    %exp3A_71 = math.exp %get3A_70 : vector<8x128xf32>
    %add3A_72 = arith.addf %add3A_58, %exp3A_71 : vector<8x128xf32>
    %max3A_73 = arith.maximumf %max3A_59, %get3A_70 : vector<8x128xf32>
    %min3A_74 = arith.minimumf %max3A_59, %get3A_70 : vector<8x128xf32>
    %max3A_75 = arith.maximumf %max3A_61, %min3A_74 : vector<8x128xf32>
    %min3A_76 = arith.minimumf %max3A_61, %min3A_74 : vector<8x128xf32>
    %max3A_77 = arith.maximumf %max3A_63, %min3A_76 : vector<8x128xf32>
    %min3A_78 = arith.minimumf %max3A_63, %min3A_76 : vector<8x128xf32>
    %max3A_79 = arith.maximumf %max3A_65, %min3A_78 : vector<8x128xf32>
    %min3A_80 = arith.minimumf %max3A_65, %min3A_78 : vector<8x128xf32>
    %max3A_81 = arith.maximumf %max3A_67, %min3A_80 : vector<8x128xf32>
    %get3A_82 = arith.constant 0 : index
    %get3A_83 = arith.constant 768 : index
    %get3A_84 = vector.load %arg1[%get3A_82, %get3A_83] : memref<8x32768xf32, #tpu.memory_space<vmem>>, vector<8x128xf32>
    %exp3A_85 = math.exp %get3A_84 : vector<8x128xf32>
    %add3A_86 = arith.addf %add3A_72, %exp3A_85 : vector<8x128xf32>
    %max3A_87 = arith.maximumf %max3A_73, %get3A_84 : vector<8x128xf32>
    %min3A_88 = arith.minimumf %max3A_73, %get3A_84 : vector<8x128xf32>
    %max3A_89 = arith.maximumf %max3A_75, %min3A_88 : vector<8x128xf32>
    %min3A_90 = arith.minimumf %max3A_75, %min3A_88 : vector<8x128xf32>
    %max3A_91 = arith.maximumf %max3A_77, %min3A_90 : vector<8x128xf32>
    %min3A_92 = arith.minimumf %max3A_77, %min3A_90 : vector<8x128xf32>
    %max3A_93 = arith.maximumf %max3A_79, %min3A_92 : vector<8x128xf32>
    %min3A_94 = arith.minimumf %max3A_79, %min3A_92 : vector<8x128xf32>
    %max3A_95 = arith.maximumf %max3A_81, %min3A_94 : vector<8x128xf32>
    %get3A_96 = arith.constant 0 : index
    %get3A_97 = arith.constant 896 : index
    %get3A_98 = vector.load %arg1[%get3A_96, %get3A_97] : memref<8x32768xf32, #tpu.memory_space<vmem>>, vector<8x128xf32>
    %exp3A_99 = math.exp %get3A_98 : vector<8x128xf32>
    %add3A_100 = arith.addf %add3A_86, %exp3A_99 : vector<8x128xf32>
    %max3A_101 = arith.maximumf %max3A_87, %get3A_98 : vector<8x128xf32>
    %min3A_102 = arith.minimumf %max3A_87, %get3A_98 : vector<8x128xf32>
    %max3A_103 = arith.maximumf %max3A_89, %min3A_102 : vector<8x128xf32>
    %min3A_104 = arith.minimumf %max3A_89, %min3A_102 : vector<8x128xf32>
    %max3A_105 = arith.maximumf %max3A_91, %min3A_104 : vector<8x128xf32>
    %min3A_106 = arith.minimumf %max3A_91, %min3A_104 : vector<8x128xf32>
    %max3A_107 = arith.maximumf %max3A_93, %min3A_106 : vector<8x128xf32>
    %min3A_108 = arith.minimumf %max3A_93, %min3A_106 : vector<8x128xf32>
    %max3A_109 = arith.maximumf %max3A_95, %min3A_108 : vector<8x128xf32>
    %get3A_110 = arith.constant 0 : index
    %get3A_111 = arith.constant 1024 : index
    %get3A_112 = vector.load %arg1[%get3A_110, %get3A_111] : memref<8x32768xf32, #tpu.memory_space<vmem>>, vector<8x128xf32>
    %exp3A_113 = math.exp %get3A_112 : vector<8x128xf32>
    %add3A_114 = arith.addf %add3A_100, %exp3A_113 : vector<8x128xf32>
    %max3A_115 = arith.maximumf %max3A_101, %get3A_112 : vector<8x128xf32>
    %min3A_116 = arith.minimumf %max3A_101, %get3A_112 : vector<8x128xf32>
    %max3A_117 = arith.maximumf %max3A_103, %min3A_116 : vector<8x128xf32>
    %min3A_118 = arith.minimumf %max3A_103, %min3A_116 : vector<8x128xf32>
    %max3A_119 = arith.maximumf %max3A_105, %min3A_118 : vector<8x128xf32>
    %min3A_120 = arith.minimumf %max3A_105, %min3A_118 : vector<8x128xf32>
    %max3A_121 = arith.maximumf %max3A_107, %min3A_120 : vector<8x128xf32>
    %min3A_122 = arith.minimumf %max3A_107, %min3A_120 : vector<8x128xf32>
    %max3A_123 = arith.maximumf %max3A_109, %min3A_122 : vector<8x128xf32>
    %get3A_124 = arith.constant 0 : index
    %get3A_125 = arith.constant 1152 : index
    %get3A_126 = vector.load %arg1[%get3A_124, %get3A_125] : memref<8x32768xf32, #tpu.memory_space<vmem>>, vector<8x128xf32>
    %exp3A_127 = math.exp %get3A_126 : vector<8x128xf32>
    %add3A_128 = arith.addf %add3A_114, %exp3A_127 : vector<8x128xf32>
    %max3A_129 = arith.maximumf %max3A_115, %get3A_126 : vector<8x128xf32>
    %min3A_130 = arith.minimumf %max3A_115, %get3A_126 : vector<8x128xf32>
    %max3A_131 = arith.maximumf %max3A_117, %min3A_130 : vector<8x128xf32>
    %min3A_132 = arith.minimumf %max3A_117, %min3A_130 : vector<8x128xf32>
    %max3A_133 = arith.maximumf %max3A_119, %min3A_132 : vector<8x128xf32>
    %min3A_134 = arith.minimumf %max3A_119, %min3A_132 : vector<8x128xf32>
    %max3A_135 = arith.maximumf %max3A_121, %min3A_134 : vector<8x128xf32>
    %min3A_136 = arith.minimumf %max3A_121, %min3A_134 : vector<8x128xf32>
    %max3A_137 = arith.maximumf %max3A_123, %min3A_136 : vector<8x128xf32>
    %get3A_138 = arith.constant 0 : index
    %get3A_139 = arith.constant 1280 : index
    %get3A_140 = vector.load %arg1[%get3A_138, %get3A_139] : memref<8x32768xf32, #tpu.memory_space<vmem>>, vector<8x128xf32>
    %exp3A_141 = math.exp %get3A_140 : vector<8x128xf32>
    %add3A_142 = arith.addf %add3A_128, %exp3A_141 : vector<8x128xf32>
    %max3A_143 = arith.maximumf %max3A_129, %get3A_140 : vector<8x128xf32>
    %min3A_144 = arith.minimumf %max3A_129, %get3A_140 : vector<8x128xf32>
    %max3A_145 = arith.maximumf %max3A_131, %min3A_144 : vector<8x128xf32>
    %min3A_146 = arith.minimumf %max3A_131, %min3A_144 : vector<8x128xf32>
    %max3A_147 = arith.maximumf %max3A_133, %min3A_146 : vector<8x128xf32>
    %min3A_148 = arith.minimumf %max3A_133, %min3A_146 : vector<8x128xf32>
    %max3A_149 = arith.maximumf %max3A_135, %min3A_148 : vector<8x128xf32>
    %min3A_150 = arith.minimumf %max3A_135, %min3A_148 : vector<8x128xf32>
    %max3A_151 = arith.maximumf %max3A_137, %min3A_150 : vector<8x128xf32>
    %get3A_152 = arith.constant 0 : index
    %get3A_153 = arith.constant 1408 : index
    %get3A_154 = vector.load %arg1[%get3A_152, %get3A_153] : memref<8x32768xf32, #tpu.memory_space<vmem>>, vector<8x128xf32>
    %exp3A_155 = math.exp %get3A_154 : vector<8x128xf32>
    %add3A_156 = arith.addf %add3A_142, %exp3A_155 : vector<8x128xf32>
    %max3A_157 = arith.maximumf %max3A_143, %get3A_154 : vector<8x128xf32>
    %min3A_158 = arith.minimumf %max3A_143, %get3A_154 : vector<8x128xf32>
    %max3A_159 = arith.maximumf %max3A_145, %min3A_158 : vector<8x128xf32>
    %min3A_160 = arith.minimumf %max3A_145, %min3A_158 : vector<8x128xf32>
    %max3A_161 = arith.maximumf %max3A_147, %min3A_160 : vector<8x128xf32>
    %min3A_162 = arith.minimumf %max3A_147, %min3A_160 : vector<8x128xf32>
    %max3A_163 = arith.maximumf %max3A_149, %min3A_162 : vector<8x128xf32>
    %min3A_164 = arith.minimumf %max3A_149, %min3A_162 : vector<8x128xf32>
    %max3A_165 = arith.maximumf %max3A_151, %min3A_164 : vector<8x128xf32>
    %get3A_166 = arith.constant 0 : index
    %get3A_167 = arith.constant 1536 : index
    %get3A_168 = vector.load %arg1[%get3A_166, %get3A_167] : memref<8x32768xf32, #tpu.memory_space<vmem>>, vector<8x128xf32>
    %exp3A_169 = math.exp %get3A_168 : vector<8x128xf32>
    %add3A_170 = arith.addf %add3A_156, %exp3A_169 : vector<8x128xf32>
    %max3A_171 = arith.maximumf %max3A_157, %get3A_168 : vector<8x128xf32>
    %min3A_172 = arith.minimumf %max3A_157, %get3A_168 : vector<8x128xf32>
    %max3A_173 = arith.maximumf %max3A_159, %min3A_172 : vector<8x128xf32>
    %min3A_174 = arith.minimumf %max3A_159, %min3A_172 : vector<8x128xf32>
    %max3A_175 = arith.maximumf %max3A_161, %min3A_174 : vector<8x128xf32>
    %min3A_176 = arith.minimumf %max3A_161, %min3A_174 : vector<8x128xf32>
    %max3A_177 = arith.maximumf %max3A_163, %min3A_176 : vector<8x128xf32>
    %min3A_178 = arith.minimumf %max3A_163, %min3A_176 : vector<8x128xf32>
    %max3A_179 = arith.maximumf %max3A_165, %min3A_178 : vector<8x128xf32>
    %get3A_180 = arith.constant 0 : index
    %get3A_181 = arith.constant 1664 : index
    %get3A_182 = vector.load %arg1[%get3A_180, %get3A_181] : memref<8x32768xf32, #tpu.memory_space<vmem>>, vector<8x128xf32>
    %exp3A_183 = math.exp %get3A_182 : vector<8x128xf32>
    %add3A_184 = arith.addf %add3A_170, %exp3A_183 : vector<8x128xf32>
    %max3A_185 = arith.maximumf %max3A_171, %get3A_182 : vector<8x128xf32>
    %min3A_186 = arith.minimumf %max3A_171, %get3A_182 : vector<8x128xf32>
    %max3A_187 = arith.maximumf %max3A_173, %min3A_186 : vector<8x128xf32>
    %min3A_188 = arith.minimumf %max3A_173, %min3A_186 : vector<8x128xf32>
    %max3A_189 = arith.maximumf %max3A_175, %min3A_188 : vector<8x128xf32>
    %min3A_190 = arith.minimumf %max3A_175, %min3A_188 : vector<8x128xf32>
    %max3A_191 = arith.maximumf %max3A_177, %min3A_190 : vector<8x128xf32>
    %min3A_192 = arith.minimumf %max3A_177, %min3A_190 : vector<8x128xf32>
    %max3A_193 = arith.maximumf %max3A_179, %min3A_192 : vector<8x128xf32>
    %get3A_194 = arith.constant 0 : index
    %get3A_195 = arith.constant 1792 : index
    %get3A_196 = vector.load %arg1[%get3A_194, %get3A_195] : memref<8x32768xf32, #tpu.memory_space<vmem>>, vector<8x128xf32>
    %exp3A_197 = math.exp %get3A_196 : vector<8x128xf32>
    %add3A_198 = arith.addf %add3A_184, %exp3A_197 : vector<8x128xf32>
    %max3A_199 = arith.maximumf %max3A_185, %get3A_196 : vector<8x128xf32>
    %min3A_200 = arith.minimumf %max3A_185, %get3A_196 : vector<8x128xf32>
    %max3A_201 = arith.maximumf %max3A_187, %min3A_200 : vector<8x128xf32>
    %min3A_202 = arith.minimumf %max3A_187, %min3A_200 : vector<8x128xf32>
    %max3A_203 = arith.maximumf %max3A_189, %min3A_202 : vector<8x128xf32>
    %min3A_204 = arith.minimumf %max3A_189, %min3A_202 : vector<8x128xf32>
    %max3A_205 = arith.maximumf %max3A_191, %min3A_204 : vector<8x128xf32>
    %min3A_206 = arith.minimumf %max3A_191, %min3A_204 : vector<8x128xf32>
    %max3A_207 = arith.maximumf %max3A_193, %min3A_206 : vector<8x128xf32>
    %get3A_208 = arith.constant 0 : index
    %get3A_209 = arith.constant 1920 : index
    %get3A_210 = vector.load %arg1[%get3A_208, %get3A_209] : memref<8x32768xf32, #tpu.memory_space<vmem>>, vector<8x128xf32>
    %exp3A_211 = math.exp %get3A_210 : vector<8x128xf32>
    %add3A_212 = arith.addf %add3A_198, %exp3A_211 : vector<8x128xf32>
    %max3A_213 = arith.maximumf %max3A_199, %get3A_210 : vector<8x128xf32>
    %min3A_214 = arith.minimumf %max3A_199, %get3A_210 : vector<8x128xf32>
    %max3A_215 = arith.maximumf %max3A_201, %min3A_214 : vector<8x128xf32>
    %min3A_216 = arith.minimumf %max3A_201, %min3A_214 : vector<8x128xf32>
    %max3A_217 = arith.maximumf %max3A_203, %min3A_216 : vector<8x128xf32>
    %min3A_218 = arith.minimumf %max3A_203, %min3A_216 : vector<8x128xf32>
    %max3A_219 = arith.maximumf %max3A_205, %min3A_218 : vector<8x128xf32>
    %min3A_220 = arith.minimumf %max3A_205, %min3A_218 : vector<8x128xf32>
    %max3A_221 = arith.maximumf %max3A_207, %min3A_220 : vector<8x128xf32>
    %get3A_222 = arith.constant 0 : index
    %get3A_223 = arith.constant 2048 : index
    %get3A_224 = vector.load %arg1[%get3A_222, %get3A_223] : memref<8x32768xf32, #tpu.memory_space<vmem>>, vector<8x128xf32>
    %exp3A_225 = math.exp %get3A_224 : vector<8x128xf32>
    %add3A_226 = arith.addf %add3A_212, %exp3A_225 : vector<8x128xf32>
    %max3A_227 = arith.maximumf %max3A_213, %get3A_224 : vector<8x128xf32>
    %min3A_228 = arith.minimumf %max3A_213, %get3A_224 : vector<8x128xf32>
    %max3A_229 = arith.maximumf %max3A_215, %min3A_228 : vector<8x128xf32>
    %min3A_230 = arith.minimumf %max3A_215, %min3A_228 : vector<8x128xf32>
    %max3A_231 = arith.maximumf %max3A_217, %min3A_230 : vector<8x128xf32>
    %min3A_232 = arith.minimumf %max3A_217, %min3A_230 : vector<8x128xf32>
    %max3A_233 = arith.maximumf %max3A_219, %min3A_232 : vector<8x128xf32>
    %min3A_234 = arith.minimumf %max3A_219, %min3A_232 : vector<8x128xf32>
    %max3A_235 = arith.maximumf %max3A_221, %min3A_234 : vector<8x128xf32>
    %get3A_236 = arith.constant 0 : index
    %get3A_237 = arith.constant 2176 : index
    %get3A_238 = vector.load %arg1[%get3A_236, %get3A_237] : memref<8x32768xf32, #tpu.memory_space<vmem>>, vector<8x128xf32>
    %exp3A_239 = math.exp %get3A_238 : vector<8x128xf32>
    %add3A_240 = arith.addf %add3A_226, %exp3A_239 : vector<8x128xf32>
    %max3A_241 = arith.maximumf %max3A_227, %get3A_238 : vector<8x128xf32>
    %min3A_242 = arith.minimumf %max3A_227, %get3A_238 : vector<8x128xf32>
    %max3A_243 = arith.maximumf %max3A_229, %min3A_242 : vector<8x128xf32>
    %min3A_244 = arith.minimumf %max3A_229, %min3A_242 : vector<8x128xf32>
    %max3A_245 = arith.maximumf %max3A_231, %min3A_244 : vector<8x128xf32>
    %min3A_246 = arith.minimumf %max3A_231, %min3A_244 : vector<8x128xf32>
    %max3A_247 = arith.maximumf %max3A_233, %min3A_246 : vector<8x128xf32>
    %min3A_248 = arith.minimumf %max3A_233, %min3A_246 : vector<8x128xf32>
    %max3A_249 = arith.maximumf %max3A_235, %min3A_248 : vector<8x128xf32>
    %get3A_250 = arith.constant 0 : index
    %get3A_251 = arith.constant 2304 : index
    %get3A_252 = vector.load %arg1[%get3A_250, %get3A_251] : memref<8x32768xf32, #tpu.memory_space<vmem>>, vector<8x128xf32>
    %exp3A_253 = math.exp %get3A_252 : vector<8x128xf32>
    %add3A_254 = arith.addf %add3A_240, %exp3A_253 : vector<8x128xf32>
    %max3A_255 = arith.maximumf %max3A_241, %get3A_252 : vector<8x128xf32>
    %min3A_256 = arith.minimumf %max3A_241, %get3A_252 : vector<8x128xf32>
    %max3A_257 = arith.maximumf %max3A_243, %min3A_256 : vector<8x128xf32>
    %min3A_258 = arith.minimumf %max3A_243, %min3A_256 : vector<8x128xf32>
    %max3A_259 = arith.maximumf %max3A_245, %min3A_258 : vector<8x128xf32>
    %min3A_260 = arith.minimumf %max3A_245, %min3A_258 : vector<8x128xf32>
    %max3A_261 = arith.maximumf %max3A_247, %min3A_260 : vector<8x128xf32>
    %min3A_262 = arith.minimumf %max3A_247, %min3A_260 : vector<8x128xf32>
    %max3A_263 = arith.maximumf %max3A_249, %min3A_262 : vector<8x128xf32>
    %get3A_264 = arith.constant 0 : index
    %get3A_265 = arith.constant 2432 : index
    %get3A_266 = vector.load %arg1[%get3A_264, %get3A_265] : memref<8x32768xf32, #tpu.memory_space<vmem>>, vector<8x128xf32>
    %exp3A_267 = math.exp %get3A_266 : vector<8x128xf32>
    %add3A_268 = arith.addf %add3A_254, %exp3A_267 : vector<8x128xf32>
    %max3A_269 = arith.maximumf %max3A_255, %get3A_266 : vector<8x128xf32>
    %min3A_270 = arith.minimumf %max3A_255, %get3A_266 : vector<8x128xf32>
    %max3A_271 = arith.maximumf %max3A_257, %min3A_270 : vector<8x128xf32>
    %min3A_272 = arith.minimumf %max3A_257, %min3A_270 : vector<8x128xf32>
    %max3A_273 = arith.maximumf %max3A_259, %min3A_272 : vector<8x128xf32>
    %min3A_274 = arith.minimumf %max3A_259, %min3A_272 : vector<8x128xf32>
    %max3A_275 = arith.maximumf %max3A_261, %min3A_274 : vector<8x128xf32>
    %min3A_276 = arith.minimumf %max3A_261, %min3A_274 : vector<8x128xf32>
    %max3A_277 = arith.maximumf %max3A_263, %min3A_276 : vector<8x128xf32>
    %get3A_278 = arith.constant 0 : index
    %get3A_279 = arith.constant 2560 : index
    %get3A_280 = vector.load %arg1[%get3A_278, %get3A_279] : memref<8x32768xf32, #tpu.memory_space<vmem>>, vector<8x128xf32>
    %exp3A_281 = math.exp %get3A_280 : vector<8x128xf32>
    %add3A_282 = arith.addf %add3A_268, %exp3A_281 : vector<8x128xf32>
    %max3A_283 = arith.maximumf %max3A_269, %get3A_280 : vector<8x128xf32>
    %min3A_284 = arith.minimumf %max3A_269, %get3A_280 : vector<8x128xf32>
    %max3A_285 = arith.maximumf %max3A_271, %min3A_284 : vector<8x128xf32>
    %min3A_286 = arith.minimumf %max3A_271, %min3A_284 : vector<8x128xf32>
    %max3A_287 = arith.maximumf %max3A_273, %min3A_286 : vector<8x128xf32>
    %min3A_288 = arith.minimumf %max3A_273, %min3A_286 : vector<8x128xf32>
    %max3A_289 = arith.maximumf %max3A_275, %min3A_288 : vector<8x128xf32>
    %min3A_290 = arith.minimumf %max3A_275, %min3A_288 : vector<8x128xf32>
    %max3A_291 = arith.maximumf %max3A_277, %min3A_290 : vector<8x128xf32>
    %get3A_292 = arith.constant 0 : index
    %get3A_293 = arith.constant 2688 : index
    %get3A_294 = vector.load %arg1[%get3A_292, %get3A_293] : memref<8x32768xf32, #tpu.memory_space<vmem>>, vector<8x128xf32>
    %exp3A_295 = math.exp %get3A_294 : vector<8x128xf32>
    %add3A_296 = arith.addf %add3A_282, %exp3A_295 : vector<8x128xf32>
    %max3A_297 = arith.maximumf %max3A_283, %get3A_294 : vector<8x128xf32>
    %min3A_298 = arith.minimumf %max3A_283, %get3A_294 : vector<8x128xf32>
    %max3A_299 = arith.maximumf %max3A_285, %min3A_298 : vector<8x128xf32>
    %min3A_300 = arith.minimumf %max3A_285, %min3A_298 : vector<8x128xf32>
    %max3A_301 = arith.maximumf %max3A_287, %min3A_300 : vector<8x128xf32>
    %min3A_302 = arith.minimumf %max3A_287, %min3A_300 : vector<8x128xf32>
    %max3A_303 = arith.maximumf %max3A_289, %min3A_302 : vector<8x128xf32>
    %min3A_304 = arith.minimumf %max3A_289, %min3A_302 : vector<8x128xf32>
    %max3A_305 = arith.maximumf %max3A_291, %min3A_304 : vector<8x128xf32>
    %get3A_306 = arith.constant 0 : index
    %get3A_307 = arith.constant 2816 : index
    %get3A_308 = vector.load %arg1[%get3A_306, %get3A_307] : memref<8x32768xf32, #tpu.memory_space<vmem>>, vector<8x128xf32>
    %exp3A_309 = math.exp %get3A_308 : vector<8x128xf32>
    %add3A_310 = arith.addf %add3A_296, %exp3A_309 : vector<8x128xf32>
    %max3A_311 = arith.maximumf %max3A_297, %get3A_308 : vector<8x128xf32>
    %min3A_312 = arith.minimumf %max3A_297, %get3A_308 : vector<8x128xf32>
    %max3A_313 = arith.maximumf %max3A_299, %min3A_312 : vector<8x128xf32>
    %min3A_314 = arith.minimumf %max3A_299, %min3A_312 : vector<8x128xf32>
    %max3A_315 = arith.maximumf %max3A_301, %min3A_314 : vector<8x128xf32>
    %min3A_316 = arith.minimumf %max3A_301, %min3A_314 : vector<8x128xf32>
    %max3A_317 = arith.maximumf %max3A_303, %min3A_316 : vector<8x128xf32>
    %min3A_318 = arith.minimumf %max3A_303, %min3A_316 : vector<8x128xf32>
    %max3A_319 = arith.maximumf %max3A_305, %min3A_318 : vector<8x128xf32>
    %get3A_320 = arith.constant 0 : index
    %get3A_321 = arith.constant 2944 : index
    %get3A_322 = vector.load %arg1[%get3A_320, %get3A_321] : memref<8x32768xf32, #tpu.memory_space<vmem>>, vector<8x128xf32>
    %exp3A_323 = math.exp %get3A_322 : vector<8x128xf32>
    %add3A_324 = arith.addf %add3A_310, %exp3A_323 : vector<8x128xf32>
    %max3A_325 = arith.maximumf %max3A_311, %get3A_322 : vector<8x128xf32>
    %min3A_326 = arith.minimumf %max3A_311, %get3A_322 : vector<8x128xf32>
    %max3A_327 = arith.maximumf %max3A_313, %min3A_326 : vector<8x128xf32>
    %min3A_328 = arith.minimumf %max3A_313, %min3A_326 : vector<8x128xf32>
    %max3A_329 = arith.maximumf %max3A_315, %min3A_328 : vector<8x128xf32>
    %min3A_330 = arith.minimumf %max3A_315, %min3A_328 : vector<8x128xf32>
    %max3A_331 = arith.maximumf %max3A_317, %min3A_330 : vector<8x128xf32>
    %min3A_332 = arith.minimumf %max3A_317, %min3A_330 : vector<8x128xf32>
    %max3A_333 = arith.maximumf %max3A_319, %min3A_332 : vector<8x128xf32>
    %get3A_334 = arith.constant 0 : index
    %get3A_335 = arith.constant 3072 : index
    %get3A_336 = vector.load %arg1[%get3A_334, %get3A_335] : memref<8x32768xf32, #tpu.memory_space<vmem>>, vector<8x128xf32>
    %exp3A_337 = math.exp %get3A_336 : vector<8x128xf32>
    %add3A_338 = arith.addf %add3A_324, %exp3A_337 : vector<8x128xf32>
    %max3A_339 = arith.maximumf %max3A_325, %get3A_336 : vector<8x128xf32>
    %min3A_340 = arith.minimumf %max3A_325, %get3A_336 : vector<8x128xf32>
    %max3A_341 = arith.maximumf %max3A_327, %min3A_340 : vector<8x128xf32>
    %min3A_342 = arith.minimumf %max3A_327, %min3A_340 : vector<8x128xf32>
    %max3A_343 = arith.maximumf %max3A_329, %min3A_342 : vector<8x128xf32>
    %min3A_344 = arith.minimumf %max3A_329, %min3A_342 : vector<8x128xf32>
    %max3A_345 = arith.maximumf %max3A_331, %min3A_344 : vector<8x128xf32>
    %min3A_346 = arith.minimumf %max3A_331, %min3A_344 : vector<8x128xf32>
    %max3A_347 = arith.maximumf %max3A_333, %min3A_346 : vector<8x128xf32>
    %get3A_348 = arith.constant 0 : index
    %get3A_349 = arith.constant 3200 : index
    %get3A_350 = vector.load %arg1[%get3A_348, %get3A_349] : memref<8x32768xf32, #tpu.memory_space<vmem>>, vector<8x128xf32>
    %exp3A_351 = math.exp %get3A_350 : vector<8x128xf32>
    %add3A_352 = arith.addf %add3A_338, %exp3A_351 : vector<8x128xf32>
    %max3A_353 = arith.maximumf %max3A_339, %get3A_350 : vector<8x128xf32>
    %min3A_354 = arith.minimumf %max3A_339, %get3A_350 : vector<8x128xf32>
    %max3A_355 = arith.maximumf %max3A_341, %min3A_354 : vector<8x128xf32>
    %min3A_356 = arith.minimumf %max3A_341, %min3A_354 : vector<8x128xf32>
    %max3A_357 = arith.maximumf %max3A_343, %min3A_356 : vector<8x128xf32>
    %min3A_358 = arith.minimumf %max3A_343, %min3A_356 : vector<8x128xf32>
    %max3A_359 = arith.maximumf %max3A_345, %min3A_358 : vector<8x128xf32>
    %min3A_360 = arith.minimumf %max3A_345, %min3A_358 : vector<8x128xf32>
    %max3A_361 = arith.maximumf %max3A_347, %min3A_360 : vector<8x128xf32>
    %get3A_362 = arith.constant 0 : index
    %get3A_363 = arith.constant 3328 : index
    %get3A_364 = vector.load %arg1[%get3A_362, %get3A_363] : memref<8x32768xf32, #tpu.memory_space<vmem>>, vector<8x128xf32>
    %exp3A_365 = math.exp %get3A_364 : vector<8x128xf32>
    %add3A_366 = arith.addf %add3A_352, %exp3A_365 : vector<8x128xf32>
    %max3A_367 = arith.maximumf %max3A_353, %get3A_364 : vector<8x128xf32>
    %min3A_368 = arith.minimumf %max3A_353, %get3A_364 : vector<8x128xf32>
    %max3A_369 = arith.maximumf %max3A_355, %min3A_368 : vector<8x128xf32>
    %min3A_370 = arith.minimumf %max3A_355, %min3A_368 : vector<8x128xf32>
    %max3A_371 = arith.maximumf %max3A_357, %min3A_370 : vector<8x128xf32>
    %min3A_372 = arith.minimumf %max3A_357, %min3A_370 : vector<8x128xf32>
    %max3A_373 = arith.maximumf %max3A_359, %min3A_372 : vector<8x128xf32>
    %min3A_374 = arith.minimumf %max3A_359, %min3A_372 : vector<8x128xf32>
    %max3A_375 = arith.maximumf %max3A_361, %min3A_374 : vector<8x128xf32>
    %get3A_376 = arith.constant 0 : index
    %get3A_377 = arith.constant 3456 : index
    %get3A_378 = vector.load %arg1[%get3A_376, %get3A_377] : memref<8x32768xf32, #tpu.memory_space<vmem>>, vector<8x128xf32>
    %exp3A_379 = math.exp %get3A_378 : vector<8x128xf32>
    %add3A_380 = arith.addf %add3A_366, %exp3A_379 : vector<8x128xf32>
    %max3A_381 = arith.maximumf %max3A_367, %get3A_378 : vector<8x128xf32>
    %min3A_382 = arith.minimumf %max3A_367, %get3A_378 : vector<8x128xf32>
    %max3A_383 = arith.maximumf %max3A_369, %min3A_382 : vector<8x128xf32>
    %min3A_384 = arith.minimumf %max3A_369, %min3A_382 : vector<8x128xf32>
    %max3A_385 = arith.maximumf %max3A_371, %min3A_384 : vector<8x128xf32>
    %min3A_386 = arith.minimumf %max3A_371, %min3A_384 : vector<8x128xf32>
    %max3A_387 = arith.maximumf %max3A_373, %min3A_386 : vector<8x128xf32>
    %min3A_388 = arith.minimumf %max3A_373, %min3A_386 : vector<8x128xf32>
    %max3A_389 = arith.maximumf %max3A_375, %min3A_388 : vector<8x128xf32>
    %get3A_390 = arith.constant 0 : index
    %get3A_391 = arith.constant 3584 : index
    %get3A_392 = vector.load %arg1[%get3A_390, %get3A_391] : memref<8x32768xf32, #tpu.memory_space<vmem>>, vector<8x128xf32>
    %exp3A_393 = math.exp %get3A_392 : vector<8x128xf32>
    %add3A_394 = arith.addf %add3A_380, %exp3A_393 : vector<8x128xf32>
    %max3A_395 = arith.maximumf %max3A_381, %get3A_392 : vector<8x128xf32>
    %min3A_396 = arith.minimumf %max3A_381, %get3A_392 : vector<8x128xf32>
    %max3A_397 = arith.maximumf %max3A_383, %min3A_396 : vector<8x128xf32>
    %min3A_398 = arith.minimumf %max3A_383, %min3A_396 : vector<8x128xf32>
    %max3A_399 = arith.maximumf %max3A_385, %min3A_398 : vector<8x128xf32>
    %min3A_400 = arith.minimumf %max3A_385, %min3A_398 : vector<8x128xf32>
    %max3A_401 = arith.maximumf %max3A_387, %min3A_400 : vector<8x128xf32>
    %min3A_402 = arith.minimumf %max3A_387, %min3A_400 : vector<8x128xf32>
    %max3A_403 = arith.maximumf %max3A_389, %min3A_402 : vector<8x128xf32>
    %get3A_404 = arith.constant 0 : index
    %get3A_405 = arith.constant 3712 : index
    %get3A_406 = vector.load %arg1[%get3A_404, %get3A_405] : memref<8x32768xf32, #tpu.memory_space<vmem>>, vector<8x128xf32>
    %exp3A_407 = math.exp %get3A_406 : vector<8x128xf32>
    %add3A_408 = arith.addf %add3A_394, %exp3A_407 : vector<8x128xf32>
    %max3A_409 = arith.maximumf %max3A_395, %get3A_406 : vector<8x128xf32>
    %min3A_410 = arith.minimumf %max3A_395, %get3A_406 : vector<8x128xf32>
    %max3A_411 = arith.maximumf %max3A_397, %min3A_410 : vector<8x128xf32>
    %min3A_412 = arith.minimumf %max3A_397, %min3A_410 : vector<8x128xf32>
    %max3A_413 = arith.maximumf %max3A_399, %min3A_412 : vector<8x128xf32>
    %min3A_414 = arith.minimumf %max3A_399, %min3A_412 : vector<8x128xf32>
    %max3A_415 = arith.maximumf %max3A_401, %min3A_414 : vector<8x128xf32>
    %min3A_416 = arith.minimumf %max3A_401, %min3A_414 : vector<8x128xf32>
    %max3A_417 = arith.maximumf %max3A_403, %min3A_416 : vector<8x128xf32>
    %get3A_418 = arith.constant 0 : index
    %get3A_419 = arith.constant 3840 : index
    %get3A_420 = vector.load %arg1[%get3A_418, %get3A_419] : memref<8x32768xf32, #tpu.memory_space<vmem>>, vector<8x128xf32>
    %exp3A_421 = math.exp %get3A_420 : vector<8x128xf32>
    %add3A_422 = arith.addf %add3A_408, %exp3A_421 : vector<8x128xf32>
    %max3A_423 = arith.maximumf %max3A_409, %get3A_420 : vector<8x128xf32>
    %min3A_424 = arith.minimumf %max3A_409, %get3A_420 : vector<8x128xf32>
    %max3A_425 = arith.maximumf %max3A_411, %min3A_424 : vector<8x128xf32>
    %min3A_426 = arith.minimumf %max3A_411, %min3A_424 : vector<8x128xf32>
    %max3A_427 = arith.maximumf %max3A_413, %min3A_426 : vector<8x128xf32>
    %min3A_428 = arith.minimumf %max3A_413, %min3A_426 : vector<8x128xf32>
    %max3A_429 = arith.maximumf %max3A_415, %min3A_428 : vector<8x128xf32>
    %min3A_430 = arith.minimumf %max3A_415, %min3A_428 : vector<8x128xf32>
    %max3A_431 = arith.maximumf %max3A_417, %min3A_430 : vector<8x128xf32>
    %get3A_432 = arith.constant 0 : index
    %get3A_433 = arith.constant 3968 : index
    %get3A_434 = vector.load %arg1[%get3A_432, %get3A_433] : memref<8x32768xf32, #tpu.memory_space<vmem>>, vector<8x128xf32>
    %exp3A_435 = math.exp %get3A_434 : vector<8x128xf32>
    %add3A_436 = arith.addf %add3A_422, %exp3A_435 : vector<8x128xf32>
    %max3A_437 = arith.maximumf %max3A_423, %get3A_434 : vector<8x128xf32>
    %min3A_438 = arith.minimumf %max3A_423, %get3A_434 : vector<8x128xf32>
    %max3A_439 = arith.maximumf %max3A_425, %min3A_438 : vector<8x128xf32>
    %min3A_440 = arith.minimumf %max3A_425, %min3A_438 : vector<8x128xf32>
    %max3A_441 = arith.maximumf %max3A_427, %min3A_440 : vector<8x128xf32>
    %min3A_442 = arith.minimumf %max3A_427, %min3A_440 : vector<8x128xf32>
    %max3A_443 = arith.maximumf %max3A_429, %min3A_442 : vector<8x128xf32>
    %min3A_444 = arith.minimumf %max3A_429, %min3A_442 : vector<8x128xf32>
    %max3A_445 = arith.maximumf %max3A_431, %min3A_444 : vector<8x128xf32>
    %get3A_446 = arith.constant 0 : index
    %get3A_447 = arith.constant 4096 : index
    %get3A_448 = vector.load %arg1[%get3A_446, %get3A_447] : memref<8x32768xf32, #tpu.memory_space<vmem>>, vector<8x128xf32>
    %exp3A_449 = math.exp %get3A_448 : vector<8x128xf32>
    %add3A_450 = arith.addf %add3A_436, %exp3A_449 : vector<8x128xf32>
    %max3A_451 = arith.maximumf %max3A_437, %get3A_448 : vector<8x128xf32>
    %min3A_452 = arith.minimumf %max3A_437, %get3A_448 : vector<8x128xf32>
    %max3A_453 = arith.maximumf %max3A_439, %min3A_452 : vector<8x128xf32>
    %min3A_454 = arith.minimumf %max3A_439, %min3A_452 : vector<8x128xf32>
    %max3A_455 = arith.maximumf %max3A_441, %min3A_454 : vector<8x128xf32>
    %min3A_456 = arith.minimumf %max3A_441, %min3A_454 : vector<8x128xf32>
    %max3A_457 = arith.maximumf %max3A_443, %min3A_456 : vector<8x128xf32>
    %min3A_458 = arith.minimumf %max3A_443, %min3A_456 : vector<8x128xf32>
    %max3A_459 = arith.maximumf %max3A_445, %min3A_458 : vector<8x128xf32>
    %get3A_460 = arith.constant 0 : index
    %get3A_461 = arith.constant 4224 : index
    %get3A_462 = vector.load %arg1[%get3A_460, %get3A_461] : memref<8x32768xf32, #tpu.memory_space<vmem>>, vector<8x128xf32>
    %exp3A_463 = math.exp %get3A_462 : vector<8x128xf32>
    %add3A_464 = arith.addf %add3A_450, %exp3A_463 : vector<8x128xf32>
    %max3A_465 = arith.maximumf %max3A_451, %get3A_462 : vector<8x128xf32>
    %min3A_466 = arith.minimumf %max3A_451, %get3A_462 : vector<8x128xf32>
    %max3A_467 = arith.maximumf %max3A_453, %min3A_466 : vector<8x128xf32>
    %min3A_468 = arith.minimumf %max3A_453, %min3A_466 : vector<8x128xf32>
    %max3A_469 = arith.maximumf %max3A_455, %min3A_468 : vector<8x128xf32>
    %min3A_470 = arith.minimumf %max3A_455, %min3A_468 : vector<8x128xf32>
    %max3A_471 = arith.maximumf %max3A_457, %min3A_470 : vector<8x128xf32>
    %min3A_472 = arith.minimumf %max3A_457, %min3A_470 : vector<8x128xf32>
    %max3A_473 = arith.maximumf %max3A_459, %min3A_472 : vector<8x128xf32>
    %get3A_474 = arith.constant 0 : index
    %get3A_475 = arith.constant 4352 : index
    %get3A_476 = vector.load %arg1[%get3A_474, %get3A_475] : memref<8x32768xf32, #tpu.memory_space<vmem>>, vector<8x128xf32>
    %exp3A_477 = math.exp %get3A_476 : vector<8x128xf32>
    %add3A_478 = arith.addf %add3A_464, %exp3A_477 : vector<8x128xf32>
    %max3A_479 = arith.maximumf %max3A_465, %get3A_476 : vector<8x128xf32>
    %min3A_480 = arith.minimumf %max3A_465, %get3A_476 : vector<8x128xf32>
    %max3A_481 = arith.maximumf %max3A_467, %min3A_480 : vector<8x128xf32>
    %min3A_482 = arith.minimumf %max3A_467, %min3A_480 : vector<8x128xf32>
    %max3A_483 = arith.maximumf %max3A_469, %min3A_482 : vector<8x128xf32>
    %min3A_484 = arith.minimumf %max3A_469, %min3A_482 : vector<8x128xf32>
    %max3A_485 = arith.maximumf %max3A_471, %min3A_484 : vector<8x128xf32>
    %min3A_486 = arith.minimumf %max3A_471, %min3A_484 : vector<8x128xf32>
    %max3A_487 = arith.maximumf %max3A_473, %min3A_486 : vector<8x128xf32>
    %get3A_488 = arith.constant 0 : index
    %get3A_489 = arith.constant 4480 : index
    %get3A_490 = vector.load %arg1[%get3A_488, %get3A_489] : memref<8x32768xf32, #tpu.memory_space<vmem>>, vector<8x128xf32>
    %exp3A_491 = math.exp %get3A_490 : vector<8x128xf32>
    %add3A_492 = arith.addf %add3A_478, %exp3A_491 : vector<8x128xf32>
    %max3A_493 = arith.maximumf %max3A_479, %get3A_490 : vector<8x128xf32>
    %min3A_494 = arith.minimumf %max3A_479, %get3A_490 : vector<8x128xf32>
    %max3A_495 = arith.maximumf %max3A_481, %min3A_494 : vector<8x128xf32>
    %min3A_496 = arith.minimumf %max3A_481, %min3A_494 : vector<8x128xf32>
    %max3A_497 = arith.maximumf %max3A_483, %min3A_496 : vector<8x128xf32>
    %min3A_498 = arith.minimumf %max3A_483, %min3A_496 : vector<8x128xf32>
    %max3A_499 = arith.maximumf %max3A_485, %min3A_498 : vector<8x128xf32>
    %min3A_500 = arith.minimumf %max3A_485, %min3A_498 : vector<8x128xf32>
    %max3A_501 = arith.maximumf %max3A_487, %min3A_500 : vector<8x128xf32>
    %get3A_502 = arith.constant 0 : index
    %get3A_503 = arith.constant 4608 : index
    %get3A_504 = vector.load %arg1[%get3A_502, %get3A_503] : memref<8x32768xf32, #tpu.memory_space<vmem>>, vector<8x128xf32>
    %exp3A_505 = math.exp %get3A_504 : vector<8x128xf32>
    %add3A_506 = arith.addf %add3A_492, %exp3A_505 : vector<8x128xf32>
    %max3A_507 = arith.maximumf %max3A_493, %get3A_504 : vector<8x128xf32>
    %min3A_508 = arith.minimumf %max3A_493, %get3A_504 : vector<8x128xf32>
    %max3A_509 = arith.maximumf %max3A_495, %min3A_508 : vector<8x128xf32>
    %min3A_510 = arith.minimumf %max3A_495, %min3A_508 : vector<8x128xf32>
    %max3A_511 = arith.maximumf %max3A_497, %min3A_510 : vector<8x128xf32>
    %min3A_512 = arith.minimumf %max3A_497, %min3A_510 : vector<8x128xf32>
    %max3A_513 = arith.maximumf %max3A_499, %min3A_512 : vector<8x128xf32>
    %min3A_514 = arith.minimumf %max3A_499, %min3A_512 : vector<8x128xf32>
    %max3A_515 = arith.maximumf %max3A_501, %min3A_514 : vector<8x128xf32>
    %get3A_516 = arith.constant 0 : index
    %get3A_517 = arith.constant 4736 : index
    %get3A_518 = vector.load %arg1[%get3A_516, %get3A_517] : memref<8x32768xf32, #tpu.memory_space<vmem>>, vector<8x128xf32>
    %exp3A_519 = math.exp %get3A_518 : vector<8x128xf32>
    %add3A_520 = arith.addf %add3A_506, %exp3A_519 : vector<8x128xf32>
    %max3A_521 = arith.maximumf %max3A_507, %get3A_518 : vector<8x128xf32>
    %min3A_522 = arith.minimumf %max3A_507, %get3A_518 : vector<8x128xf32>
    %max3A_523 = arith.maximumf %max3A_509, %min3A_522 : vector<8x128xf32>
    %min3A_524 = arith.minimumf %max3A_509, %min3A_522 : vector<8x128xf32>
    %max3A_525 = arith.maximumf %max3A_511, %min3A_524 : vector<8x128xf32>
    %min3A_526 = arith.minimumf %max3A_511, %min3A_524 : vector<8x128xf32>
    %max3A_527 = arith.maximumf %max3A_513, %min3A_526 : vector<8x128xf32>
    %min3A_528 = arith.minimumf %max3A_513, %min3A_526 : vector<8x128xf32>
    %max3A_529 = arith.maximumf %max3A_515, %min3A_528 : vector<8x128xf32>
    %get3A_530 = arith.constant 0 : index
    %get3A_531 = arith.constant 4864 : index
    %get3A_532 = vector.load %arg1[%get3A_530, %get3A_531] : memref<8x32768xf32, #tpu.memory_space<vmem>>, vector<8x128xf32>
    %exp3A_533 = math.exp %get3A_532 : vector<8x128xf32>
    %add3A_534 = arith.addf %add3A_520, %exp3A_533 : vector<8x128xf32>
    %max3A_535 = arith.maximumf %max3A_521, %get3A_532 : vector<8x128xf32>
    %min3A_536 = arith.minimumf %max3A_521, %get3A_532 : vector<8x128xf32>
    %max3A_537 = arith.maximumf %max3A_523, %min3A_536 : vector<8x128xf32>
    %min3A_538 = arith.minimumf %max3A_523, %min3A_536 : vector<8x128xf32>
    %max3A_539 = arith.maximumf %max3A_525, %min3A_538 : vector<8x128xf32>
    %min3A_540 = arith.minimumf %max3A_525, %min3A_538 : vector<8x128xf32>
    %max3A_541 = arith.maximumf %max3A_527, %min3A_540 : vector<8x128xf32>
    %min3A_542 = arith.minimumf %max3A_527, %min3A_540 : vector<8x128xf32>
    %max3A_543 = arith.maximumf %max3A_529, %min3A_542 : vector<8x128xf32>
    %get3A_544 = arith.constant 0 : index
    %get3A_545 = arith.constant 4992 : index
    %get3A_546 = vector.load %arg1[%get3A_544, %get3A_545] : memref<8x32768xf32, #tpu.memory_space<vmem>>, vector<8x128xf32>
    %exp3A_547 = math.exp %get3A_546 : vector<8x128xf32>
    %add3A_548 = arith.addf %add3A_534, %exp3A_547 : vector<8x128xf32>
    %max3A_549 = arith.maximumf %max3A_535, %get3A_546 : vector<8x128xf32>
    %min3A_550 = arith.minimumf %max3A_535, %get3A_546 : vector<8x128xf32>
    %max3A_551 = arith.maximumf %max3A_537, %min3A_550 : vector<8x128xf32>
    %min3A_552 = arith.minimumf %max3A_537, %min3A_550 : vector<8x128xf32>
    %max3A_553 = arith.maximumf %max3A_539, %min3A_552 : vector<8x128xf32>
    %min3A_554 = arith.minimumf %max3A_539, %min3A_552 : vector<8x128xf32>
    %max3A_555 = arith.maximumf %max3A_541, %min3A_554 : vector<8x128xf32>
    %min3A_556 = arith.minimumf %max3A_541, %min3A_554 : vector<8x128xf32>
    %max3A_557 = arith.maximumf %max3A_543, %min3A_556 : vector<8x128xf32>
    %get3A_558 = arith.constant 0 : index
    %get3A_559 = arith.constant 5120 : index
    %get3A_560 = vector.load %arg1[%get3A_558, %get3A_559] : memref<8x32768xf32, #tpu.memory_space<vmem>>, vector<8x128xf32>
    %exp3A_561 = math.exp %get3A_560 : vector<8x128xf32>
    %add3A_562 = arith.addf %add3A_548, %exp3A_561 : vector<8x128xf32>
    %max3A_563 = arith.maximumf %max3A_549, %get3A_560 : vector<8x128xf32>
    %min3A_564 = arith.minimumf %max3A_549, %get3A_560 : vector<8x128xf32>
    %max3A_565 = arith.maximumf %max3A_551, %min3A_564 : vector<8x128xf32>
    %min3A_566 = arith.minimumf %max3A_551, %min3A_564 : vector<8x128xf32>
    %max3A_567 = arith.maximumf %max3A_553, %min3A_566 : vector<8x128xf32>
    %min3A_568 = arith.minimumf %max3A_553, %min3A_566 : vector<8x128xf32>
    %max3A_569 = arith.maximumf %max3A_555, %min3A_568 : vector<8x128xf32>
    %min3A_570 = arith.minimumf %max3A_555, %min3A_568 : vector<8x128xf32>
    %max3A_571 = arith.maximumf %max3A_557, %min3A_570 : vector<8x128xf32>
    %get3A_572 = arith.constant 0 : index
    %get3A_573 = arith.constant 5248 : index
    %get3A_574 = vector.load %arg1[%get3A_572, %get3A_573] : memref<8x32768xf32, #tpu.memory_space<vmem>>, vector<8x128xf32>
    %exp3A_575 = math.exp %get3A_574 : vector<8x128xf32>
    %add3A_576 = arith.addf %add3A_562, %exp3A_575 : vector<8x128xf32>
    %max3A_577 = arith.maximumf %max3A_563, %get3A_574 : vector<8x128xf32>
    %min3A_578 = arith.minimumf %max3A_563, %get3A_574 : vector<8x128xf32>
    %max3A_579 = arith.maximumf %max3A_565, %min3A_578 : vector<8x128xf32>
    %min3A_580 = arith.minimumf %max3A_565, %min3A_578 : vector<8x128xf32>
    %max3A_581 = arith.maximumf %max3A_567, %min3A_580 : vector<8x128xf32>
    %min3A_582 = arith.minimumf %max3A_567, %min3A_580 : vector<8x128xf32>
    %max3A_583 = arith.maximumf %max3A_569, %min3A_582 : vector<8x128xf32>
    %min3A_584 = arith.minimumf %max3A_569, %min3A_582 : vector<8x128xf32>
    %max3A_585 = arith.maximumf %max3A_571, %min3A_584 : vector<8x128xf32>
    %get3A_586 = arith.constant 0 : index
    %get3A_587 = arith.constant 5376 : index
    %get3A_588 = vector.load %arg1[%get3A_586, %get3A_587] : memref<8x32768xf32, #tpu.memory_space<vmem>>, vector<8x128xf32>
    %exp3A_589 = math.exp %get3A_588 : vector<8x128xf32>
    %add3A_590 = arith.addf %add3A_576, %exp3A_589 : vector<8x128xf32>
    %max3A_591 = arith.maximumf %max3A_577, %get3A_588 : vector<8x128xf32>
    %min3A_592 = arith.minimumf %max3A_577, %get3A_588 : vector<8x128xf32>
    %max3A_593 = arith.maximumf %max3A_579, %min3A_592 : vector<8x128xf32>
    %min3A_594 = arith.minimumf %max3A_579, %min3A_592 : vector<8x128xf32>
    %max3A_595 = arith.maximumf %max3A_581, %min3A_594 : vector<8x128xf32>
    %min3A_596 = arith.minimumf %max3A_581, %min3A_594 : vector<8x128xf32>
    %max3A_597 = arith.maximumf %max3A_583, %min3A_596 : vector<8x128xf32>
    %min3A_598 = arith.minimumf %max3A_583, %min3A_596 : vector<8x128xf32>
    %max3A_599 = arith.maximumf %max3A_585, %min3A_598 : vector<8x128xf32>
    %get3A_600 = arith.constant 0 : index
    %get3A_601 = arith.constant 5504 : index
    %get3A_602 = vector.load %arg1[%get3A_600, %get3A_601] : memref<8x32768xf32, #tpu.memory_space<vmem>>, vector<8x128xf32>
    %exp3A_603 = math.exp %get3A_602 : vector<8x128xf32>
    %add3A_604 = arith.addf %add3A_590, %exp3A_603 : vector<8x128xf32>
    %max3A_605 = arith.maximumf %max3A_591, %get3A_602 : vector<8x128xf32>
    %min3A_606 = arith.minimumf %max3A_591, %get3A_602 : vector<8x128xf32>
    %max3A_607 = arith.maximumf %max3A_593, %min3A_606 : vector<8x128xf32>
    %min3A_608 = arith.minimumf %max3A_593, %min3A_606 : vector<8x128xf32>
    %max3A_609 = arith.maximumf %max3A_595, %min3A_608 : vector<8x128xf32>
    %min3A_610 = arith.minimumf %max3A_595, %min3A_608 : vector<8x128xf32>
    %max3A_611 = arith.maximumf %max3A_597, %min3A_610 : vector<8x128xf32>
    %min3A_612 = arith.minimumf %max3A_597, %min3A_610 : vector<8x128xf32>
    %max3A_613 = arith.maximumf %max3A_599, %min3A_612 : vector<8x128xf32>
    %get3A_614 = arith.constant 0 : index
    %get3A_615 = arith.constant 5632 : index
    %get3A_616 = vector.load %arg1[%get3A_614, %get3A_615] : memref<8x32768xf32, #tpu.memory_space<vmem>>, vector<8x128xf32>
    %exp3A_617 = math.exp %get3A_616 : vector<8x128xf32>
    %add3A_618 = arith.addf %add3A_604, %exp3A_617 : vector<8x128xf32>
    %max3A_619 = arith.maximumf %max3A_605, %get3A_616 : vector<8x128xf32>
    %min3A_620 = arith.minimumf %max3A_605, %get3A_616 : vector<8x128xf32>
    %max3A_621 = arith.maximumf %max3A_607, %min3A_620 : vector<8x128xf32>
    %min3A_622 = arith.minimumf %max3A_607, %min3A_620 : vector<8x128xf32>
    %max3A_623 = arith.maximumf %max3A_609, %min3A_622 : vector<8x128xf32>
    %min3A_624 = arith.minimumf %max3A_609, %min3A_622 : vector<8x128xf32>
    %max3A_625 = arith.maximumf %max3A_611, %min3A_624 : vector<8x128xf32>
    %min3A_626 = arith.minimumf %max3A_611, %min3A_624 : vector<8x128xf32>
    %max3A_627 = arith.maximumf %max3A_613, %min3A_626 : vector<8x128xf32>
    %get3A_628 = arith.constant 0 : index
    %get3A_629 = arith.constant 5760 : index
    %get3A_630 = vector.load %arg1[%get3A_628, %get3A_629] : memref<8x32768xf32, #tpu.memory_space<vmem>>, vector<8x128xf32>
    %exp3A_631 = math.exp %get3A_630 : vector<8x128xf32>
    %add3A_632 = arith.addf %add3A_618, %exp3A_631 : vector<8x128xf32>
    %max3A_633 = arith.maximumf %max3A_619, %get3A_630 : vector<8x128xf32>
    %min3A_634 = arith.minimumf %max3A_619, %get3A_630 : vector<8x128xf32>
    %max3A_635 = arith.maximumf %max3A_621, %min3A_634 : vector<8x128xf32>
    %min3A_636 = arith.minimumf %max3A_621, %min3A_634 : vector<8x128xf32>
    %max3A_637 = arith.maximumf %max3A_623, %min3A_636 : vector<8x128xf32>
    %min3A_638 = arith.minimumf %max3A_623, %min3A_636 : vector<8x128xf32>
    %max3A_639 = arith.maximumf %max3A_625, %min3A_638 : vector<8x128xf32>
    %min3A_640 = arith.minimumf %max3A_625, %min3A_638 : vector<8x128xf32>
    %max3A_641 = arith.maximumf %max3A_627, %min3A_640 : vector<8x128xf32>
    %get3A_642 = arith.constant 0 : index
    %get3A_643 = arith.constant 5888 : index
    %get3A_644 = vector.load %arg1[%get3A_642, %get3A_643] : memref<8x32768xf32, #tpu.memory_space<vmem>>, vector<8x128xf32>
    %exp3A_645 = math.exp %get3A_644 : vector<8x128xf32>
    %add3A_646 = arith.addf %add3A_632, %exp3A_645 : vector<8x128xf32>
    %max3A_647 = arith.maximumf %max3A_633, %get3A_644 : vector<8x128xf32>
    %min3A_648 = arith.minimumf %max3A_633, %get3A_644 : vector<8x128xf32>
    %max3A_649 = arith.maximumf %max3A_635, %min3A_648 : vector<8x128xf32>
    %min3A_650 = arith.minimumf %max3A_635, %min3A_648 : vector<8x128xf32>
    %max3A_651 = arith.maximumf %max3A_637, %min3A_650 : vector<8x128xf32>
    %min3A_652 = arith.minimumf %max3A_637, %min3A_650 : vector<8x128xf32>
    %max3A_653 = arith.maximumf %max3A_639, %min3A_652 : vector<8x128xf32>
    %min3A_654 = arith.minimumf %max3A_639, %min3A_652 : vector<8x128xf32>
    %max3A_655 = arith.maximumf %max3A_641, %min3A_654 : vector<8x128xf32>
    %get3A_656 = arith.constant 0 : index
    %get3A_657 = arith.constant 6016 : index
    %get3A_658 = vector.load %arg1[%get3A_656, %get3A_657] : memref<8x32768xf32, #tpu.memory_space<vmem>>, vector<8x128xf32>
    %exp3A_659 = math.exp %get3A_658 : vector<8x128xf32>
    %add3A_660 = arith.addf %add3A_646, %exp3A_659 : vector<8x128xf32>
    %max3A_661 = arith.maximumf %max3A_647, %get3A_658 : vector<8x128xf32>
    %min3A_662 = arith.minimumf %max3A_647, %get3A_658 : vector<8x128xf32>
    %max3A_663 = arith.maximumf %max3A_649, %min3A_662 : vector<8x128xf32>
    %min3A_664 = arith.minimumf %max3A_649, %min3A_662 : vector<8x128xf32>
    %max3A_665 = arith.maximumf %max3A_651, %min3A_664 : vector<8x128xf32>
    %min3A_666 = arith.minimumf %max3A_651, %min3A_664 : vector<8x128xf32>
    %max3A_667 = arith.maximumf %max3A_653, %min3A_666 : vector<8x128xf32>
    %min3A_668 = arith.minimumf %max3A_653, %min3A_666 : vector<8x128xf32>
    %max3A_669 = arith.maximumf %max3A_655, %min3A_668 : vector<8x128xf32>
    %get3A_670 = arith.constant 0 : index
    %get3A_671 = arith.constant 6144 : index
    %get3A_672 = vector.load %arg1[%get3A_670, %get3A_671] : memref<8x32768xf32, #tpu.memory_space<vmem>>, vector<8x128xf32>
    %exp3A_673 = math.exp %get3A_672 : vector<8x128xf32>
    %add3A_674 = arith.addf %add3A_660, %exp3A_673 : vector<8x128xf32>
    %max3A_675 = arith.maximumf %max3A_661, %get3A_672 : vector<8x128xf32>
    %min3A_676 = arith.minimumf %max3A_661, %get3A_672 : vector<8x128xf32>
    %max3A_677 = arith.maximumf %max3A_663, %min3A_676 : vector<8x128xf32>
    %min3A_678 = arith.minimumf %max3A_663, %min3A_676 : vector<8x128xf32>
    %max3A_679 = arith.maximumf %max3A_665, %min3A_678 : vector<8x128xf32>
    %min3A_680 = arith.minimumf %max3A_665, %min3A_678 : vector<8x128xf32>
    %max3A_681 = arith.maximumf %max3A_667, %min3A_680 : vector<8x128xf32>
    %min3A_682 = arith.minimumf %max3A_667, %min3A_680 : vector<8x128xf32>
    %max3A_683 = arith.maximumf %max3A_669, %min3A_682 : vector<8x128xf32>
    %get3A_684 = arith.constant 0 : index
    %get3A_685 = arith.constant 6272 : index
    %get3A_686 = vector.load %arg1[%get3A_684, %get3A_685] : memref<8x32768xf32, #tpu.memory_space<vmem>>, vector<8x128xf32>
    %exp3A_687 = math.exp %get3A_686 : vector<8x128xf32>
    %add3A_688 = arith.addf %add3A_674, %exp3A_687 : vector<8x128xf32>
    %max3A_689 = arith.maximumf %max3A_675, %get3A_686 : vector<8x128xf32>
    %min3A_690 = arith.minimumf %max3A_675, %get3A_686 : vector<8x128xf32>
    %max3A_691 = arith.maximumf %max3A_677, %min3A_690 : vector<8x128xf32>
    %min3A_692 = arith.minimumf %max3A_677, %min3A_690 : vector<8x128xf32>
    %max3A_693 = arith.maximumf %max3A_679, %min3A_692 : vector<8x128xf32>
    %min3A_694 = arith.minimumf %max3A_679, %min3A_692 : vector<8x128xf32>
    %max3A_695 = arith.maximumf %max3A_681, %min3A_694 : vector<8x128xf32>
    %min3A_696 = arith.minimumf %max3A_681, %min3A_694 : vector<8x128xf32>
    %max3A_697 = arith.maximumf %max3A_683, %min3A_696 : vector<8x128xf32>
    %get3A_698 = arith.constant 0 : index
    %get3A_699 = arith.constant 6400 : index
    %get3A_700 = vector.load %arg1[%get3A_698, %get3A_699] : memref<8x32768xf32, #tpu.memory_space<vmem>>, vector<8x128xf32>
    %exp3A_701 = math.exp %get3A_700 : vector<8x128xf32>
    %add3A_702 = arith.addf %add3A_688, %exp3A_701 : vector<8x128xf32>
    %max3A_703 = arith.maximumf %max3A_689, %get3A_700 : vector<8x128xf32>
    %min3A_704 = arith.minimumf %max3A_689, %get3A_700 : vector<8x128xf32>
    %max3A_705 = arith.maximumf %max3A_691, %min3A_704 : vector<8x128xf32>
    %min3A_706 = arith.minimumf %max3A_691, %min3A_704 : vector<8x128xf32>
    %max3A_707 = arith.maximumf %max3A_693, %min3A_706 : vector<8x128xf32>
    %min3A_708 = arith.minimumf %max3A_693, %min3A_706 : vector<8x128xf32>
    %max3A_709 = arith.maximumf %max3A_695, %min3A_708 : vector<8x128xf32>
    %min3A_710 = arith.minimumf %max3A_695, %min3A_708 : vector<8x128xf32>
    %max3A_711 = arith.maximumf %max3A_697, %min3A_710 : vector<8x128xf32>
    %get3A_712 = arith.constant 0 : index
    %get3A_713 = arith.constant 6528 : index
    %get3A_714 = vector.load %arg1[%get3A_712, %get3A_713] : memref<8x32768xf32, #tpu.memory_space<vmem>>, vector<8x128xf32>
    %exp3A_715 = math.exp %get3A_714 : vector<8x128xf32>
    %add3A_716 = arith.addf %add3A_702, %exp3A_715 : vector<8x128xf32>
    %max3A_717 = arith.maximumf %max3A_703, %get3A_714 : vector<8x128xf32>
    %min3A_718 = arith.minimumf %max3A_703, %get3A_714 : vector<8x128xf32>
    %max3A_719 = arith.maximumf %max3A_705, %min3A_718 : vector<8x128xf32>
    %min3A_720 = arith.minimumf %max3A_705, %min3A_718 : vector<8x128xf32>
    %max3A_721 = arith.maximumf %max3A_707, %min3A_720 : vector<8x128xf32>
    %min3A_722 = arith.minimumf %max3A_707, %min3A_720 : vector<8x128xf32>
    %max3A_723 = arith.maximumf %max3A_709, %min3A_722 : vector<8x128xf32>
    %min3A_724 = arith.minimumf %max3A_709, %min3A_722 : vector<8x128xf32>
    %max3A_725 = arith.maximumf %max3A_711, %min3A_724 : vector<8x128xf32>
    %get3A_726 = arith.constant 0 : index
    %get3A_727 = arith.constant 6656 : index
    %get3A_728 = vector.load %arg1[%get3A_726, %get3A_727] : memref<8x32768xf32, #tpu.memory_space<vmem>>, vector<8x128xf32>
    %exp3A_729 = math.exp %get3A_728 : vector<8x128xf32>
    %add3A_730 = arith.addf %add3A_716, %exp3A_729 : vector<8x128xf32>
    %max3A_731 = arith.maximumf %max3A_717, %get3A_728 : vector<8x128xf32>
    %min3A_732 = arith.minimumf %max3A_717, %get3A_728 : vector<8x128xf32>
    %max3A_733 = arith.maximumf %max3A_719, %min3A_732 : vector<8x128xf32>
    %min3A_734 = arith.minimumf %max3A_719, %min3A_732 : vector<8x128xf32>
    %max3A_735 = arith.maximumf %max3A_721, %min3A_734 : vector<8x128xf32>
    %min3A_736 = arith.minimumf %max3A_721, %min3A_734 : vector<8x128xf32>
    %max3A_737 = arith.maximumf %max3A_723, %min3A_736 : vector<8x128xf32>
    %min3A_738 = arith.minimumf %max3A_723, %min3A_736 : vector<8x128xf32>
    %max3A_739 = arith.maximumf %max3A_725, %min3A_738 : vector<8x128xf32>
    %get3A_740 = arith.constant 0 : index
    %get3A_741 = arith.constant 6784 : index
    %get3A_742 = vector.load %arg1[%get3A_740, %get3A_741] : memref<8x32768xf32, #tpu.memory_space<vmem>>, vector<8x128xf32>
    %exp3A_743 = math.exp %get3A_742 : vector<8x128xf32>
    %add3A_744 = arith.addf %add3A_730, %exp3A_743 : vector<8x128xf32>
    %max3A_745 = arith.maximumf %max3A_731, %get3A_742 : vector<8x128xf32>
    %min3A_746 = arith.minimumf %max3A_731, %get3A_742 : vector<8x128xf32>
    %max3A_747 = arith.maximumf %max3A_733, %min3A_746 : vector<8x128xf32>
    %min3A_748 = arith.minimumf %max3A_733, %min3A_746 : vector<8x128xf32>
    %max3A_749 = arith.maximumf %max3A_735, %min3A_748 : vector<8x128xf32>
    %min3A_750 = arith.minimumf %max3A_735, %min3A_748 : vector<8x128xf32>
    %max3A_751 = arith.maximumf %max3A_737, %min3A_750 : vector<8x128xf32>
    %min3A_752 = arith.minimumf %max3A_737, %min3A_750 : vector<8x128xf32>
    %max3A_753 = arith.maximumf %max3A_739, %min3A_752 : vector<8x128xf32>
    %get3A_754 = arith.constant 0 : index
    %get3A_755 = arith.constant 6912 : index
    %get3A_756 = vector.load %arg1[%get3A_754, %get3A_755] : memref<8x32768xf32, #tpu.memory_space<vmem>>, vector<8x128xf32>
    %exp3A_757 = math.exp %get3A_756 : vector<8x128xf32>
    %add3A_758 = arith.addf %add3A_744, %exp3A_757 : vector<8x128xf32>
    %max3A_759 = arith.maximumf %max3A_745, %get3A_756 : vector<8x128xf32>
    %min3A_760 = arith.minimumf %max3A_745, %get3A_756 : vector<8x128xf32>
    %max3A_761 = arith.maximumf %max3A_747, %min3A_760 : vector<8x128xf32>
    %min3A_762 = arith.minimumf %max3A_747, %min3A_760 : vector<8x128xf32>
    %max3A_763 = arith.maximumf %max3A_749, %min3A_762 : vector<8x128xf32>
    %min3A_764 = arith.minimumf %max3A_749, %min3A_762 : vector<8x128xf32>
    %max3A_765 = arith.maximumf %max3A_751, %min3A_764 : vector<8x128xf32>
    %min3A_766 = arith.minimumf %max3A_751, %min3A_764 : vector<8x128xf32>
    %max3A_767 = arith.maximumf %max3A_753, %min3A_766 : vector<8x128xf32>
    %get3A_768 = arith.constant 0 : index
    %get3A_769 = arith.constant 7040 : index
    %get3A_770 = vector.load %arg1[%get3A_768, %get3A_769] : memref<8x32768xf32, #tpu.memory_space<vmem>>, vector<8x128xf32>
    %exp3A_771 = math.exp %get3A_770 : vector<8x128xf32>
    %add3A_772 = arith.addf %add3A_758, %exp3A_771 : vector<8x128xf32>
    %max3A_773 = arith.maximumf %max3A_759, %get3A_770 : vector<8x128xf32>
    %min3A_774 = arith.minimumf %max3A_759, %get3A_770 : vector<8x128xf32>
    %max3A_775 = arith.maximumf %max3A_761, %min3A_774 : vector<8x128xf32>
    %min3A_776 = arith.minimumf %max3A_761, %min3A_774 : vector<8x128xf32>
    %max3A_777 = arith.maximumf %max3A_763, %min3A_776 : vector<8x128xf32>
    %min3A_778 = arith.minimumf %max3A_763, %min3A_776 : vector<8x128xf32>
    %max3A_779 = arith.maximumf %max3A_765, %min3A_778 : vector<8x128xf32>
    %min3A_780 = arith.minimumf %max3A_765, %min3A_778 : vector<8x128xf32>
    %max3A_781 = arith.maximumf %max3A_767, %min3A_780 : vector<8x128xf32>
    %get3A_782 = arith.constant 0 : index
    %get3A_783 = arith.constant 7168 : index
    %get3A_784 = vector.load %arg1[%get3A_782, %get3A_783] : memref<8x32768xf32, #tpu.memory_space<vmem>>, vector<8x128xf32>
    %exp3A_785 = math.exp %get3A_784 : vector<8x128xf32>
    %add3A_786 = arith.addf %add3A_772, %exp3A_785 : vector<8x128xf32>
    %max3A_787 = arith.maximumf %max3A_773, %get3A_784 : vector<8x128xf32>
    %min3A_788 = arith.minimumf %max3A_773, %get3A_784 : vector<8x128xf32>
    %max3A_789 = arith.maximumf %max3A_775, %min3A_788 : vector<8x128xf32>
    %min3A_790 = arith.minimumf %max3A_775, %min3A_788 : vector<8x128xf32>
    %max3A_791 = arith.maximumf %max3A_777, %min3A_790 : vector<8x128xf32>
    %min3A_792 = arith.minimumf %max3A_777, %min3A_790 : vector<8x128xf32>
    %max3A_793 = arith.maximumf %max3A_779, %min3A_792 : vector<8x128xf32>
    %min3A_794 = arith.minimumf %max3A_779, %min3A_792 : vector<8x128xf32>
    %max3A_795 = arith.maximumf %max3A_781, %min3A_794 : vector<8x128xf32>
    %get3A_796 = arith.constant 0 : index
    %get3A_797 = arith.constant 7296 : index
    %get3A_798 = vector.load %arg1[%get3A_796, %get3A_797] : memref<8x32768xf32, #tpu.memory_space<vmem>>, vector<8x128xf32>
    %exp3A_799 = math.exp %get3A_798 : vector<8x128xf32>
    %add3A_800 = arith.addf %add3A_786, %exp3A_799 : vector<8x128xf32>
    %max3A_801 = arith.maximumf %max3A_787, %get3A_798 : vector<8x128xf32>
    %min3A_802 = arith.minimumf %max3A_787, %get3A_798 : vector<8x128xf32>
    %max3A_803 = arith.maximumf %max3A_789, %min3A_802 : vector<8x128xf32>
    %min3A_804 = arith.minimumf %max3A_789, %min3A_802 : vector<8x128xf32>
    %max3A_805 = arith.maximumf %max3A_791, %min3A_804 : vector<8x128xf32>
    %min3A_806 = arith.minimumf %max3A_791, %min3A_804 : vector<8x128xf32>
    %max3A_807 = arith.maximumf %max3A_793, %min3A_806 : vector<8x128xf32>
    %min3A_808 = arith.minimumf %max3A_793, %min3A_806 : vector<8x128xf32>
    %max3A_809 = arith.maximumf %max3A_795, %min3A_808 : vector<8x128xf32>
    %get3A_810 = arith.constant 0 : index
    %get3A_811 = arith.constant 7424 : index
    %get3A_812 = vector.load %arg1[%get3A_810, %get3A_811] : memref<8x32768xf32, #tpu.memory_space<vmem>>, vector<8x128xf32>
    %exp3A_813 = math.exp %get3A_812 : vector<8x128xf32>
    %add3A_814 = arith.addf %add3A_800, %exp3A_813 : vector<8x128xf32>
    %max3A_815 = arith.maximumf %max3A_801, %get3A_812 : vector<8x128xf32>
    %min3A_816 = arith.minimumf %max3A_801, %get3A_812 : vector<8x128xf32>
    %max3A_817 = arith.maximumf %max3A_803, %min3A_816 : vector<8x128xf32>
    %min3A_818 = arith.minimumf %max3A_803, %min3A_816 : vector<8x128xf32>
    %max3A_819 = arith.maximumf %max3A_805, %min3A_818 : vector<8x128xf32>
    %min3A_820 = arith.minimumf %max3A_805, %min3A_818 : vector<8x128xf32>
    %max3A_821 = arith.maximumf %max3A_807, %min3A_820 : vector<8x128xf32>
    %min3A_822 = arith.minimumf %max3A_807, %min3A_820 : vector<8x128xf32>
    %max3A_823 = arith.maximumf %max3A_809, %min3A_822 : vector<8x128xf32>
    %get3A_824 = arith.constant 0 : index
    %get3A_825 = arith.constant 7552 : index
    %get3A_826 = vector.load %arg1[%get3A_824, %get3A_825] : memref<8x32768xf32, #tpu.memory_space<vmem>>, vector<8x128xf32>
    %exp3A_827 = math.exp %get3A_826 : vector<8x128xf32>
    %add3A_828 = arith.addf %add3A_814, %exp3A_827 : vector<8x128xf32>
    %max3A_829 = arith.maximumf %max3A_815, %get3A_826 : vector<8x128xf32>
    %min3A_830 = arith.minimumf %max3A_815, %get3A_826 : vector<8x128xf32>
    %max3A_831 = arith.maximumf %max3A_817, %min3A_830 : vector<8x128xf32>
    %min3A_832 = arith.minimumf %max3A_817, %min3A_830 : vector<8x128xf32>
    %max3A_833 = arith.maximumf %max3A_819, %min3A_832 : vector<8x128xf32>
    %min3A_834 = arith.minimumf %max3A_819, %min3A_832 : vector<8x128xf32>
    %max3A_835 = arith.maximumf %max3A_821, %min3A_834 : vector<8x128xf32>
    %min3A_836 = arith.minimumf %max3A_821, %min3A_834 : vector<8x128xf32>
    %max3A_837 = arith.maximumf %max3A_823, %min3A_836 : vector<8x128xf32>
    %get3A_838 = arith.constant 0 : index
    %get3A_839 = arith.constant 7680 : index
    %get3A_840 = vector.load %arg1[%get3A_838, %get3A_839] : memref<8x32768xf32, #tpu.memory_space<vmem>>, vector<8x128xf32>
    %exp3A_841 = math.exp %get3A_840 : vector<8x128xf32>
    %add3A_842 = arith.addf %add3A_828, %exp3A_841 : vector<8x128xf32>
    %max3A_843 = arith.maximumf %max3A_829, %get3A_840 : vector<8x128xf32>
    %min3A_844 = arith.minimumf %max3A_829, %get3A_840 : vector<8x128xf32>
    %max3A_845 = arith.maximumf %max3A_831, %min3A_844 : vector<8x128xf32>
    %min3A_846 = arith.minimumf %max3A_831, %min3A_844 : vector<8x128xf32>
    %max3A_847 = arith.maximumf %max3A_833, %min3A_846 : vector<8x128xf32>
    %min3A_848 = arith.minimumf %max3A_833, %min3A_846 : vector<8x128xf32>
    %max3A_849 = arith.maximumf %max3A_835, %min3A_848 : vector<8x128xf32>
    %min3A_850 = arith.minimumf %max3A_835, %min3A_848 : vector<8x128xf32>
    %max3A_851 = arith.maximumf %max3A_837, %min3A_850 : vector<8x128xf32>
    %get3A_852 = arith.constant 0 : index
    %get3A_853 = arith.constant 7808 : index
    %get3A_854 = vector.load %arg1[%get3A_852, %get3A_853] : memref<8x32768xf32, #tpu.memory_space<vmem>>, vector<8x128xf32>
    %exp3A_855 = math.exp %get3A_854 : vector<8x128xf32>
    %add3A_856 = arith.addf %add3A_842, %exp3A_855 : vector<8x128xf32>
    %max3A_857 = arith.maximumf %max3A_843, %get3A_854 : vector<8x128xf32>
    %min3A_858 = arith.minimumf %max3A_843, %get3A_854 : vector<8x128xf32>
    %max3A_859 = arith.maximumf %max3A_845, %min3A_858 : vector<8x128xf32>
    %min3A_860 = arith.minimumf %max3A_845, %min3A_858 : vector<8x128xf32>
    %max3A_861 = arith.maximumf %max3A_847, %min3A_860 : vector<8x128xf32>
    %min3A_862 = arith.minimumf %max3A_847, %min3A_860 : vector<8x128xf32>
    %max3A_863 = arith.maximumf %max3A_849, %min3A_862 : vector<8x128xf32>
    %min3A_864 = arith.minimumf %max3A_849, %min3A_862 : vector<8x128xf32>
    %max3A_865 = arith.maximumf %max3A_851, %min3A_864 : vector<8x128xf32>
    %get3A_866 = arith.constant 0 : index
    %get3A_867 = arith.constant 7936 : index
    %get3A_868 = vector.load %arg1[%get3A_866, %get3A_867] : memref<8x32768xf32, #tpu.memory_space<vmem>>, vector<8x128xf32>
    %exp3A_869 = math.exp %get3A_868 : vector<8x128xf32>
    %add3A_870 = arith.addf %add3A_856, %exp3A_869 : vector<8x128xf32>
    %max3A_871 = arith.maximumf %max3A_857, %get3A_868 : vector<8x128xf32>
    %min3A_872 = arith.minimumf %max3A_857, %get3A_868 : vector<8x128xf32>
    %max3A_873 = arith.maximumf %max3A_859, %min3A_872 : vector<8x128xf32>
    %min3A_874 = arith.minimumf %max3A_859, %min3A_872 : vector<8x128xf32>
    %max3A_875 = arith.maximumf %max3A_861, %min3A_874 : vector<8x128xf32>
    %min3A_876 = arith.minimumf %max3A_861, %min3A_874 : vector<8x128xf32>
    %max3A_877 = arith.maximumf %max3A_863, %min3A_876 : vector<8x128xf32>
    %min3A_878 = arith.minimumf %max3A_863, %min3A_876 : vector<8x128xf32>
    %max3A_879 = arith.maximumf %max3A_865, %min3A_878 : vector<8x128xf32>
    %get3A_880 = arith.constant 0 : index
    %get3A_881 = arith.constant 8064 : index
    %get3A_882 = vector.load %arg1[%get3A_880, %get3A_881] : memref<8x32768xf32, #tpu.memory_space<vmem>>, vector<8x128xf32>
    %exp3A_883 = math.exp %get3A_882 : vector<8x128xf32>
    %add3A_884 = arith.addf %add3A_870, %exp3A_883 : vector<8x128xf32>
    %max3A_885 = arith.maximumf %max3A_871, %get3A_882 : vector<8x128xf32>
    %min3A_886 = arith.minimumf %max3A_871, %get3A_882 : vector<8x128xf32>
    %max3A_887 = arith.maximumf %max3A_873, %min3A_886 : vector<8x128xf32>
    %min3A_888 = arith.minimumf %max3A_873, %min3A_886 : vector<8x128xf32>
    %max3A_889 = arith.maximumf %max3A_875, %min3A_888 : vector<8x128xf32>
    %min3A_890 = arith.minimumf %max3A_875, %min3A_888 : vector<8x128xf32>
    %max3A_891 = arith.maximumf %max3A_877, %min3A_890 : vector<8x128xf32>
    %min3A_892 = arith.minimumf %max3A_877, %min3A_890 : vector<8x128xf32>
    %max3A_893 = arith.maximumf %max3A_879, %min3A_892 : vector<8x128xf32>
    %get3A_894 = arith.constant 0 : index
    %get3A_895 = arith.constant 8192 : index
    %get3A_896 = vector.load %arg1[%get3A_894, %get3A_895] : memref<8x32768xf32, #tpu.memory_space<vmem>>, vector<8x128xf32>
    %exp3A_897 = math.exp %get3A_896 : vector<8x128xf32>
    %add3A_898 = arith.addf %add3A_884, %exp3A_897 : vector<8x128xf32>
    %max3A_899 = arith.maximumf %max3A_885, %get3A_896 : vector<8x128xf32>
    %min3A_900 = arith.minimumf %max3A_885, %get3A_896 : vector<8x128xf32>
    %max3A_901 = arith.maximumf %max3A_887, %min3A_900 : vector<8x128xf32>
    %min3A_902 = arith.minimumf %max3A_887, %min3A_900 : vector<8x128xf32>
    %max3A_903 = arith.maximumf %max3A_889, %min3A_902 : vector<8x128xf32>
    %min3A_904 = arith.minimumf %max3A_889, %min3A_902 : vector<8x128xf32>
    %max3A_905 = arith.maximumf %max3A_891, %min3A_904 : vector<8x128xf32>
    %min3A_906 = arith.minimumf %max3A_891, %min3A_904 : vector<8x128xf32>
    %max3A_907 = arith.maximumf %max3A_893, %min3A_906 : vector<8x128xf32>
    %get3A_908 = arith.constant 0 : index
    %get3A_909 = arith.constant 8320 : index
    %get3A_910 = vector.load %arg1[%get3A_908, %get3A_909] : memref<8x32768xf32, #tpu.memory_space<vmem>>, vector<8x128xf32>
    %exp3A_911 = math.exp %get3A_910 : vector<8x128xf32>
    %add3A_912 = arith.addf %add3A_898, %exp3A_911 : vector<8x128xf32>
    %max3A_913 = arith.maximumf %max3A_899, %get3A_910 : vector<8x128xf32>
    %min3A_914 = arith.minimumf %max3A_899, %get3A_910 : vector<8x128xf32>
    %max3A_915 = arith.maximumf %max3A_901, %min3A_914 : vector<8x128xf32>
    %min3A_916 = arith.minimumf %max3A_901, %min3A_914 : vector<8x128xf32>
    %max3A_917 = arith.maximumf %max3A_903, %min3A_916 : vector<8x128xf32>
    %min3A_918 = arith.minimumf %max3A_903, %min3A_916 : vector<8x128xf32>
    %max3A_919 = arith.maximumf %max3A_905, %min3A_918 : vector<8x128xf32>
    %min3A_920 = arith.minimumf %max3A_905, %min3A_918 : vector<8x128xf32>
    %max3A_921 = arith.maximumf %max3A_907, %min3A_920 : vector<8x128xf32>
    %get3A_922 = arith.constant 0 : index
    %get3A_923 = arith.constant 8448 : index
    %get3A_924 = vector.load %arg1[%get3A_922, %get3A_923] : memref<8x32768xf32, #tpu.memory_space<vmem>>, vector<8x128xf32>
    %exp3A_925 = math.exp %get3A_924 : vector<8x128xf32>
    %add3A_926 = arith.addf %add3A_912, %exp3A_925 : vector<8x128xf32>
    %max3A_927 = arith.maximumf %max3A_913, %get3A_924 : vector<8x128xf32>
    %min3A_928 = arith.minimumf %max3A_913, %get3A_924 : vector<8x128xf32>
    %max3A_929 = arith.maximumf %max3A_915, %min3A_928 : vector<8x128xf32>
    %min3A_930 = arith.minimumf %max3A_915, %min3A_928 : vector<8x128xf32>
    %max3A_931 = arith.maximumf %max3A_917, %min3A_930 : vector<8x128xf32>
    %min3A_932 = arith.minimumf %max3A_917, %min3A_930 : vector<8x128xf32>
    %max3A_933 = arith.maximumf %max3A_919, %min3A_932 : vector<8x128xf32>
    %min3A_934 = arith.minimumf %max3A_919, %min3A_932 : vector<8x128xf32>
    %max3A_935 = arith.maximumf %max3A_921, %min3A_934 : vector<8x128xf32>
    %get3A_936 = arith.constant 0 : index
    %get3A_937 = arith.constant 8576 : index
    %get3A_938 = vector.load %arg1[%get3A_936, %get3A_937] : memref<8x32768xf32, #tpu.memory_space<vmem>>, vector<8x128xf32>
    %exp3A_939 = math.exp %get3A_938 : vector<8x128xf32>
    %add3A_940 = arith.addf %add3A_926, %exp3A_939 : vector<8x128xf32>
    %max3A_941 = arith.maximumf %max3A_927, %get3A_938 : vector<8x128xf32>
    %min3A_942 = arith.minimumf %max3A_927, %get3A_938 : vector<8x128xf32>
    %max3A_943 = arith.maximumf %max3A_929, %min3A_942 : vector<8x128xf32>
    %min3A_944 = arith.minimumf %max3A_929, %min3A_942 : vector<8x128xf32>
    %max3A_945 = arith.maximumf %max3A_931, %min3A_944 : vector<8x128xf32>
    %min3A_946 = arith.minimumf %max3A_931, %min3A_944 : vector<8x128xf32>
    %max3A_947 = arith.maximumf %max3A_933, %min3A_946 : vector<8x128xf32>
    %min3A_948 = arith.minimumf %max3A_933, %min3A_946 : vector<8x128xf32>
    %max3A_949 = arith.maximumf %max3A_935, %min3A_948 : vector<8x128xf32>
    %get3A_950 = arith.constant 0 : index
    %get3A_951 = arith.constant 8704 : index
    %get3A_952 = vector.load %arg1[%get3A_950, %get3A_951] : memref<8x32768xf32, #tpu.memory_space<vmem>>, vector<8x128xf32>
    %exp3A_953 = math.exp %get3A_952 : vector<8x128xf32>
    %add3A_954 = arith.addf %add3A_940, %exp3A_953 : vector<8x128xf32>
    %max3A_955 = arith.maximumf %max3A_941, %get3A_952 : vector<8x128xf32>
    %min3A_956 = arith.minimumf %max3A_941, %get3A_952 : vector<8x128xf32>
    %max3A_957 = arith.maximumf %max3A_943, %min3A_956 : vector<8x128xf32>
    %min3A_958 = arith.minimumf %max3A_943, %min3A_956 : vector<8x128xf32>
    %max3A_959 = arith.maximumf %max3A_945, %min3A_958 : vector<8x128xf32>
    %min3A_960 = arith.minimumf %max3A_945, %min3A_958 : vector<8x128xf32>
    %max3A_961 = arith.maximumf %max3A_947, %min3A_960 : vector<8x128xf32>
    %min3A_962 = arith.minimumf %max3A_947, %min3A_960 : vector<8x128xf32>
    %max3A_963 = arith.maximumf %max3A_949, %min3A_962 : vector<8x128xf32>
    %get3A_964 = arith.constant 0 : index
    %get3A_965 = arith.constant 8832 : index
    %get3A_966 = vector.load %arg1[%get3A_964, %get3A_965] : memref<8x32768xf32, #tpu.memory_space<vmem>>, vector<8x128xf32>
    %exp3A_967 = math.exp %get3A_966 : vector<8x128xf32>
    %add3A_968 = arith.addf %add3A_954, %exp3A_967 : vector<8x128xf32>
    %max3A_969 = arith.maximumf %max3A_955, %get3A_966 : vector<8x128xf32>
    %min3A_970 = arith.minimumf %max3A_955, %get3A_966 : vector<8x128xf32>
    %max3A_971 = arith.maximumf %max3A_957, %min3A_970 : vector<8x128xf32>
    %min3A_972 = arith.minimumf %max3A_957, %min3A_970 : vector<8x128xf32>
    %max3A_973 = arith.maximumf %max3A_959, %min3A_972 : vector<8x128xf32>
    %min3A_974 = arith.minimumf %max3A_959, %min3A_972 : vector<8x128xf32>
    %max3A_975 = arith.maximumf %max3A_961, %min3A_974 : vector<8x128xf32>
    %min3A_976 = arith.minimumf %max3A_961, %min3A_974 : vector<8x128xf32>
    %max3A_977 = arith.maximumf %max3A_963, %min3A_976 : vector<8x128xf32>
    %get3A_978 = arith.constant 0 : index
    %get3A_979 = arith.constant 8960 : index
    %get3A_980 = vector.load %arg1[%get3A_978, %get3A_979] : memref<8x32768xf32, #tpu.memory_space<vmem>>, vector<8x128xf32>
    %exp3A_981 = math.exp %get3A_980 : vector<8x128xf32>
    %add3A_982 = arith.addf %add3A_968, %exp3A_981 : vector<8x128xf32>
    %max3A_983 = arith.maximumf %max3A_969, %get3A_980 : vector<8x128xf32>
    %min3A_984 = arith.minimumf %max3A_969, %get3A_980 : vector<8x128xf32>
    %max3A_985 = arith.maximumf %max3A_971, %min3A_984 : vector<8x128xf32>
    %min3A_986 = arith.minimumf %max3A_971, %min3A_984 : vector<8x128xf32>
    %max3A_987 = arith.maximumf %max3A_973, %min3A_986 : vector<8x128xf32>
    %min3A_988 = arith.minimumf %max3A_973, %min3A_986 : vector<8x128xf32>
    %max3A_989 = arith.maximumf %max3A_975, %min3A_988 : vector<8x128xf32>
    %min3A_990 = arith.minimumf %max3A_975, %min3A_988 : vector<8x128xf32>
    %max3A_991 = arith.maximumf %max3A_977, %min3A_990 : vector<8x128xf32>
    %get3A_992 = arith.constant 0 : index
    %get3A_993 = arith.constant 9088 : index
    %get3A_994 = vector.load %arg1[%get3A_992, %get3A_993] : memref<8x32768xf32, #tpu.memory_space<vmem>>, vector<8x128xf32>
    %exp3A_995 = math.exp %get3A_994 : vector<8x128xf32>
    %add3A_996 = arith.addf %add3A_982, %exp3A_995 : vector<8x128xf32>
    %max3A_997 = arith.maximumf %max3A_983, %get3A_994 : vector<8x128xf32>
    %min3A_998 = arith.minimumf %max3A_983, %get3A_994 : vector<8x128xf32>
    %max3A_999 = arith.maximumf %max3A_985, %min3A_998 : vector<8x128xf32>
    %min3A_1000 = arith.minimumf %max3A_985, %min3A_998 : vector<8x128xf32>
    %max3A_1001 = arith.maximumf %max3A_987, %min3A_1000 : vector<8x128xf32>
    %min3A_1002 = arith.minimumf %max3A_987, %min3A_1000 : vector<8x128xf32>
    %max3A_1003 = arith.maximumf %max3A_989, %min3A_1002 : vector<8x128xf32>
    %min3A_1004 = arith.minimumf %max3A_989, %min3A_1002 : vector<8x128xf32>
    %max3A_1005 = arith.maximumf %max3A_991, %min3A_1004 : vector<8x128xf32>
    %get3A_1006 = arith.constant 0 : index
    %get3A_1007 = arith.constant 9216 : index
    %get3A_1008 = vector.load %arg1[%get3A_1006, %get3A_1007] : memref<8x32768xf32, #tpu.memory_space<vmem>>, vector<8x128xf32>
    %exp3A_1009 = math.exp %get3A_1008 : vector<8x128xf32>
    %add3A_1010 = arith.addf %add3A_996, %exp3A_1009 : vector<8x128xf32>
    %max3A_1011 = arith.maximumf %max3A_997, %get3A_1008 : vector<8x128xf32>
    %min3A_1012 = arith.minimumf %max3A_997, %get3A_1008 : vector<8x128xf32>
    %max3A_1013 = arith.maximumf %max3A_999, %min3A_1012 : vector<8x128xf32>
    %min3A_1014 = arith.minimumf %max3A_999, %min3A_1012 : vector<8x128xf32>
    %max3A_1015 = arith.maximumf %max3A_1001, %min3A_1014 : vector<8x128xf32>
    %min3A_1016 = arith.minimumf %max3A_1001, %min3A_1014 : vector<8x128xf32>
    %max3A_1017 = arith.maximumf %max3A_1003, %min3A_1016 : vector<8x128xf32>
    %min3A_1018 = arith.minimumf %max3A_1003, %min3A_1016 : vector<8x128xf32>
    %max3A_1019 = arith.maximumf %max3A_1005, %min3A_1018 : vector<8x128xf32>
    %get3A_1020 = arith.constant 0 : index
    %get3A_1021 = arith.constant 9344 : index
    %get3A_1022 = vector.load %arg1[%get3A_1020, %get3A_1021] : memref<8x32768xf32, #tpu.memory_space<vmem>>, vector<8x128xf32>
    %exp3A_1023 = math.exp %get3A_1022 : vector<8x128xf32>
    %add3A_1024 = arith.addf %add3A_1010, %exp3A_1023 : vector<8x128xf32>
    %max3A_1025 = arith.maximumf %max3A_1011, %get3A_1022 : vector<8x128xf32>
    %min3A_1026 = arith.minimumf %max3A_1011, %get3A_1022 : vector<8x128xf32>
    %max3A_1027 = arith.maximumf %max3A_1013, %min3A_1026 : vector<8x128xf32>
    %min3A_1028 = arith.minimumf %max3A_1013, %min3A_1026 : vector<8x128xf32>
    %max3A_1029 = arith.maximumf %max3A_1015, %min3A_1028 : vector<8x128xf32>
    %min3A_1030 = arith.minimumf %max3A_1015, %min3A_1028 : vector<8x128xf32>
    %max3A_1031 = arith.maximumf %max3A_1017, %min3A_1030 : vector<8x128xf32>
    %min3A_1032 = arith.minimumf %max3A_1017, %min3A_1030 : vector<8x128xf32>
    %max3A_1033 = arith.maximumf %max3A_1019, %min3A_1032 : vector<8x128xf32>
    %get3A_1034 = arith.constant 0 : index
    %get3A_1035 = arith.constant 9472 : index
    %get3A_1036 = vector.load %arg1[%get3A_1034, %get3A_1035] : memref<8x32768xf32, #tpu.memory_space<vmem>>, vector<8x128xf32>
    %exp3A_1037 = math.exp %get3A_1036 : vector<8x128xf32>
    %add3A_1038 = arith.addf %add3A_1024, %exp3A_1037 : vector<8x128xf32>
    %max3A_1039 = arith.maximumf %max3A_1025, %get3A_1036 : vector<8x128xf32>
    %min3A_1040 = arith.minimumf %max3A_1025, %get3A_1036 : vector<8x128xf32>
    %max3A_1041 = arith.maximumf %max3A_1027, %min3A_1040 : vector<8x128xf32>
    %min3A_1042 = arith.minimumf %max3A_1027, %min3A_1040 : vector<8x128xf32>
    %max3A_1043 = arith.maximumf %max3A_1029, %min3A_1042 : vector<8x128xf32>
    %min3A_1044 = arith.minimumf %max3A_1029, %min3A_1042 : vector<8x128xf32>
    %max3A_1045 = arith.maximumf %max3A_1031, %min3A_1044 : vector<8x128xf32>
    %min3A_1046 = arith.minimumf %max3A_1031, %min3A_1044 : vector<8x128xf32>
    %max3A_1047 = arith.maximumf %max3A_1033, %min3A_1046 : vector<8x128xf32>
    %get3A_1048 = arith.constant 0 : index
    %get3A_1049 = arith.constant 9600 : index
    %get3A_1050 = vector.load %arg1[%get3A_1048, %get3A_1049] : memref<8x32768xf32, #tpu.memory_space<vmem>>, vector<8x128xf32>
    %exp3A_1051 = math.exp %get3A_1050 : vector<8x128xf32>
    %add3A_1052 = arith.addf %add3A_1038, %exp3A_1051 : vector<8x128xf32>
    %max3A_1053 = arith.maximumf %max3A_1039, %get3A_1050 : vector<8x128xf32>
    %min3A_1054 = arith.minimumf %max3A_1039, %get3A_1050 : vector<8x128xf32>
    %max3A_1055 = arith.maximumf %max3A_1041, %min3A_1054 : vector<8x128xf32>
    %min3A_1056 = arith.minimumf %max3A_1041, %min3A_1054 : vector<8x128xf32>
    %max3A_1057 = arith.maximumf %max3A_1043, %min3A_1056 : vector<8x128xf32>
    %min3A_1058 = arith.minimumf %max3A_1043, %min3A_1056 : vector<8x128xf32>
    %max3A_1059 = arith.maximumf %max3A_1045, %min3A_1058 : vector<8x128xf32>
    %min3A_1060 = arith.minimumf %max3A_1045, %min3A_1058 : vector<8x128xf32>
    %max3A_1061 = arith.maximumf %max3A_1047, %min3A_1060 : vector<8x128xf32>
    %get3A_1062 = arith.constant 0 : index
    %get3A_1063 = arith.constant 9728 : index
    %get3A_1064 = vector.load %arg1[%get3A_1062, %get3A_1063] : memref<8x32768xf32, #tpu.memory_space<vmem>>, vector<8x128xf32>
    %exp3A_1065 = math.exp %get3A_1064 : vector<8x128xf32>
    %add3A_1066 = arith.addf %add3A_1052, %exp3A_1065 : vector<8x128xf32>
    %max3A_1067 = arith.maximumf %max3A_1053, %get3A_1064 : vector<8x128xf32>
    %min3A_1068 = arith.minimumf %max3A_1053, %get3A_1064 : vector<8x128xf32>
    %max3A_1069 = arith.maximumf %max3A_1055, %min3A_1068 : vector<8x128xf32>
    %min3A_1070 = arith.minimumf %max3A_1055, %min3A_1068 : vector<8x128xf32>
    %max3A_1071 = arith.maximumf %max3A_1057, %min3A_1070 : vector<8x128xf32>
    %min3A_1072 = arith.minimumf %max3A_1057, %min3A_1070 : vector<8x128xf32>
    %max3A_1073 = arith.maximumf %max3A_1059, %min3A_1072 : vector<8x128xf32>
    %min3A_1074 = arith.minimumf %max3A_1059, %min3A_1072 : vector<8x128xf32>
    %max3A_1075 = arith.maximumf %max3A_1061, %min3A_1074 : vector<8x128xf32>
    %get3A_1076 = arith.constant 0 : index
    %get3A_1077 = arith.constant 9856 : index
    %get3A_1078 = vector.load %arg1[%get3A_1076, %get3A_1077] : memref<8x32768xf32, #tpu.memory_space<vmem>>, vector<8x128xf32>
    %exp3A_1079 = math.exp %get3A_1078 : vector<8x128xf32>
    %add3A_1080 = arith.addf %add3A_1066, %exp3A_1079 : vector<8x128xf32>
    %max3A_1081 = arith.maximumf %max3A_1067, %get3A_1078 : vector<8x128xf32>
    %min3A_1082 = arith.minimumf %max3A_1067, %get3A_1078 : vector<8x128xf32>
    %max3A_1083 = arith.maximumf %max3A_1069, %min3A_1082 : vector<8x128xf32>
    %min3A_1084 = arith.minimumf %max3A_1069, %min3A_1082 : vector<8x128xf32>
    %max3A_1085 = arith.maximumf %max3A_1071, %min3A_1084 : vector<8x128xf32>
    %min3A_1086 = arith.minimumf %max3A_1071, %min3A_1084 : vector<8x128xf32>
    %max3A_1087 = arith.maximumf %max3A_1073, %min3A_1086 : vector<8x128xf32>
    %min3A_1088 = arith.minimumf %max3A_1073, %min3A_1086 : vector<8x128xf32>
    %max3A_1089 = arith.maximumf %max3A_1075, %min3A_1088 : vector<8x128xf32>
    %get3A_1090 = arith.constant 0 : index
    %get3A_1091 = arith.constant 9984 : index
    %get3A_1092 = vector.load %arg1[%get3A_1090, %get3A_1091] : memref<8x32768xf32, #tpu.memory_space<vmem>>, vector<8x128xf32>
    %exp3A_1093 = math.exp %get3A_1092 : vector<8x128xf32>
    %add3A_1094 = arith.addf %add3A_1080, %exp3A_1093 : vector<8x128xf32>
    %max3A_1095 = arith.maximumf %max3A_1081, %get3A_1092 : vector<8x128xf32>
    %min3A_1096 = arith.minimumf %max3A_1081, %get3A_1092 : vector<8x128xf32>
    %max3A_1097 = arith.maximumf %max3A_1083, %min3A_1096 : vector<8x128xf32>
    %min3A_1098 = arith.minimumf %max3A_1083, %min3A_1096 : vector<8x128xf32>
    %max3A_1099 = arith.maximumf %max3A_1085, %min3A_1098 : vector<8x128xf32>
    %min3A_1100 = arith.minimumf %max3A_1085, %min3A_1098 : vector<8x128xf32>
    %max3A_1101 = arith.maximumf %max3A_1087, %min3A_1100 : vector<8x128xf32>
    %min3A_1102 = arith.minimumf %max3A_1087, %min3A_1100 : vector<8x128xf32>
    %max3A_1103 = arith.maximumf %max3A_1089, %min3A_1102 : vector<8x128xf32>
    %get3A_1104 = arith.constant 0 : index
    %get3A_1105 = arith.constant 10112 : index
    %get3A_1106 = vector.load %arg1[%get3A_1104, %get3A_1105] : memref<8x32768xf32, #tpu.memory_space<vmem>>, vector<8x128xf32>
    %exp3A_1107 = math.exp %get3A_1106 : vector<8x128xf32>
    %add3A_1108 = arith.addf %add3A_1094, %exp3A_1107 : vector<8x128xf32>
    %max3A_1109 = arith.maximumf %max3A_1095, %get3A_1106 : vector<8x128xf32>
    %min3A_1110 = arith.minimumf %max3A_1095, %get3A_1106 : vector<8x128xf32>
    %max3A_1111 = arith.maximumf %max3A_1097, %min3A_1110 : vector<8x128xf32>
    %min3A_1112 = arith.minimumf %max3A_1097, %min3A_1110 : vector<8x128xf32>
    %max3A_1113 = arith.maximumf %max3A_1099, %min3A_1112 : vector<8x128xf32>
    %min3A_1114 = arith.minimumf %max3A_1099, %min3A_1112 : vector<8x128xf32>
    %max3A_1115 = arith.maximumf %max3A_1101, %min3A_1114 : vector<8x128xf32>
    %min3A_1116 = arith.minimumf %max3A_1101, %min3A_1114 : vector<8x128xf32>
    %max3A_1117 = arith.maximumf %max3A_1103, %min3A_1116 : vector<8x128xf32>
    %get3A_1118 = arith.constant 0 : index
    %get3A_1119 = arith.constant 10240 : index
    %get3A_1120 = vector.load %arg1[%get3A_1118, %get3A_1119] : memref<8x32768xf32, #tpu.memory_space<vmem>>, vector<8x128xf32>
    %exp3A_1121 = math.exp %get3A_1120 : vector<8x128xf32>
    %add3A_1122 = arith.addf %add3A_1108, %exp3A_1121 : vector<8x128xf32>
    %max3A_1123 = arith.maximumf %max3A_1109, %get3A_1120 : vector<8x128xf32>
    %min3A_1124 = arith.minimumf %max3A_1109, %get3A_1120 : vector<8x128xf32>
    %max3A_1125 = arith.maximumf %max3A_1111, %min3A_1124 : vector<8x128xf32>
    %min3A_1126 = arith.minimumf %max3A_1111, %min3A_1124 : vector<8x128xf32>
    %max3A_1127 = arith.maximumf %max3A_1113, %min3A_1126 : vector<8x128xf32>
    %min3A_1128 = arith.minimumf %max3A_1113, %min3A_1126 : vector<8x128xf32>
    %max3A_1129 = arith.maximumf %max3A_1115, %min3A_1128 : vector<8x128xf32>
    %min3A_1130 = arith.minimumf %max3A_1115, %min3A_1128 : vector<8x128xf32>
    %max3A_1131 = arith.maximumf %max3A_1117, %min3A_1130 : vector<8x128xf32>
    %get3A_1132 = arith.constant 0 : index
    %get3A_1133 = arith.constant 10368 : index
    %get3A_1134 = vector.load %arg1[%get3A_1132, %get3A_1133] : memref<8x32768xf32, #tpu.memory_space<vmem>>, vector<8x128xf32>
    %exp3A_1135 = math.exp %get3A_1134 : vector<8x128xf32>
    %add3A_1136 = arith.addf %add3A_1122, %exp3A_1135 : vector<8x128xf32>
    %max3A_1137 = arith.maximumf %max3A_1123, %get3A_1134 : vector<8x128xf32>
    %min3A_1138 = arith.minimumf %max3A_1123, %get3A_1134 : vector<8x128xf32>
    %max3A_1139 = arith.maximumf %max3A_1125, %min3A_1138 : vector<8x128xf32>
    %min3A_1140 = arith.minimumf %max3A_1125, %min3A_1138 : vector<8x128xf32>
    %max3A_1141 = arith.maximumf %max3A_1127, %min3A_1140 : vector<8x128xf32>
    %min3A_1142 = arith.minimumf %max3A_1127, %min3A_1140 : vector<8x128xf32>
    %max3A_1143 = arith.maximumf %max3A_1129, %min3A_1142 : vector<8x128xf32>
    %min3A_1144 = arith.minimumf %max3A_1129, %min3A_1142 : vector<8x128xf32>
    %max3A_1145 = arith.maximumf %max3A_1131, %min3A_1144 : vector<8x128xf32>
    %get3A_1146 = arith.constant 0 : index
    %get3A_1147 = arith.constant 10496 : index
    %get3A_1148 = vector.load %arg1[%get3A_1146, %get3A_1147] : memref<8x32768xf32, #tpu.memory_space<vmem>>, vector<8x128xf32>
    %exp3A_1149 = math.exp %get3A_1148 : vector<8x128xf32>
    %add3A_1150 = arith.addf %add3A_1136, %exp3A_1149 : vector<8x128xf32>
    %max3A_1151 = arith.maximumf %max3A_1137, %get3A_1148 : vector<8x128xf32>
    %min3A_1152 = arith.minimumf %max3A_1137, %get3A_1148 : vector<8x128xf32>
    %max3A_1153 = arith.maximumf %max3A_1139, %min3A_1152 : vector<8x128xf32>
    %min3A_1154 = arith.minimumf %max3A_1139, %min3A_1152 : vector<8x128xf32>
    %max3A_1155 = arith.maximumf %max3A_1141, %min3A_1154 : vector<8x128xf32>
    %min3A_1156 = arith.minimumf %max3A_1141, %min3A_1154 : vector<8x128xf32>
    %max3A_1157 = arith.maximumf %max3A_1143, %min3A_1156 : vector<8x128xf32>
    %min3A_1158 = arith.minimumf %max3A_1143, %min3A_1156 : vector<8x128xf32>
    %max3A_1159 = arith.maximumf %max3A_1145, %min3A_1158 : vector<8x128xf32>
    %get3A_1160 = arith.constant 0 : index
    %get3A_1161 = arith.constant 10624 : index
    %get3A_1162 = vector.load %arg1[%get3A_1160, %get3A_1161] : memref<8x32768xf32, #tpu.memory_space<vmem>>, vector<8x128xf32>
    %exp3A_1163 = math.exp %get3A_1162 : vector<8x128xf32>
    %add3A_1164 = arith.addf %add3A_1150, %exp3A_1163 : vector<8x128xf32>
    %max3A_1165 = arith.maximumf %max3A_1151, %get3A_1162 : vector<8x128xf32>
    %min3A_1166 = arith.minimumf %max3A_1151, %get3A_1162 : vector<8x128xf32>
    %max3A_1167 = arith.maximumf %max3A_1153, %min3A_1166 : vector<8x128xf32>
    %min3A_1168 = arith.minimumf %max3A_1153, %min3A_1166 : vector<8x128xf32>
    %max3A_1169 = arith.maximumf %max3A_1155, %min3A_1168 : vector<8x128xf32>
    %min3A_1170 = arith.minimumf %max3A_1155, %min3A_1168 : vector<8x128xf32>
    %max3A_1171 = arith.maximumf %max3A_1157, %min3A_1170 : vector<8x128xf32>
    %min3A_1172 = arith.minimumf %max3A_1157, %min3A_1170 : vector<8x128xf32>
    %max3A_1173 = arith.maximumf %max3A_1159, %min3A_1172 : vector<8x128xf32>
    %get3A_1174 = arith.constant 0 : index
    %get3A_1175 = arith.constant 10752 : index
    %get3A_1176 = vector.load %arg1[%get3A_1174, %get3A_1175] : memref<8x32768xf32, #tpu.memory_space<vmem>>, vector<8x128xf32>
    %exp3A_1177 = math.exp %get3A_1176 : vector<8x128xf32>
    %add3A_1178 = arith.addf %add3A_1164, %exp3A_1177 : vector<8x128xf32>
    %max3A_1179 = arith.maximumf %max3A_1165, %get3A_1176 : vector<8x128xf32>
    %min3A_1180 = arith.minimumf %max3A_1165, %get3A_1176 : vector<8x128xf32>
    %max3A_1181 = arith.maximumf %max3A_1167, %min3A_1180 : vector<8x128xf32>
    %min3A_1182 = arith.minimumf %max3A_1167, %min3A_1180 : vector<8x128xf32>
    %max3A_1183 = arith.maximumf %max3A_1169, %min3A_1182 : vector<8x128xf32>
    %min3A_1184 = arith.minimumf %max3A_1169, %min3A_1182 : vector<8x128xf32>
    %max3A_1185 = arith.maximumf %max3A_1171, %min3A_1184 : vector<8x128xf32>
    %min3A_1186 = arith.minimumf %max3A_1171, %min3A_1184 : vector<8x128xf32>
    %max3A_1187 = arith.maximumf %max3A_1173, %min3A_1186 : vector<8x128xf32>
    %get3A_1188 = arith.constant 0 : index
    %get3A_1189 = arith.constant 10880 : index
    %get3A_1190 = vector.load %arg1[%get3A_1188, %get3A_1189] : memref<8x32768xf32, #tpu.memory_space<vmem>>, vector<8x128xf32>
    %exp3A_1191 = math.exp %get3A_1190 : vector<8x128xf32>
    %add3A_1192 = arith.addf %add3A_1178, %exp3A_1191 : vector<8x128xf32>
    %max3A_1193 = arith.maximumf %max3A_1179, %get3A_1190 : vector<8x128xf32>
    %min3A_1194 = arith.minimumf %max3A_1179, %get3A_1190 : vector<8x128xf32>
    %max3A_1195 = arith.maximumf %max3A_1181, %min3A_1194 : vector<8x128xf32>
    %min3A_1196 = arith.minimumf %max3A_1181, %min3A_1194 : vector<8x128xf32>
    %max3A_1197 = arith.maximumf %max3A_1183, %min3A_1196 : vector<8x128xf32>
    %min3A_1198 = arith.minimumf %max3A_1183, %min3A_1196 : vector<8x128xf32>
    %max3A_1199 = arith.maximumf %max3A_1185, %min3A_1198 : vector<8x128xf32>
    %min3A_1200 = arith.minimumf %max3A_1185, %min3A_1198 : vector<8x128xf32>
    %max3A_1201 = arith.maximumf %max3A_1187, %min3A_1200 : vector<8x128xf32>
    %get3A_1202 = arith.constant 0 : index
    %get3A_1203 = arith.constant 11008 : index
    %get3A_1204 = vector.load %arg1[%get3A_1202, %get3A_1203] : memref<8x32768xf32, #tpu.memory_space<vmem>>, vector<8x128xf32>
    %exp3A_1205 = math.exp %get3A_1204 : vector<8x128xf32>
    %add3A_1206 = arith.addf %add3A_1192, %exp3A_1205 : vector<8x128xf32>
    %max3A_1207 = arith.maximumf %max3A_1193, %get3A_1204 : vector<8x128xf32>
    %min3A_1208 = arith.minimumf %max3A_1193, %get3A_1204 : vector<8x128xf32>
    %max3A_1209 = arith.maximumf %max3A_1195, %min3A_1208 : vector<8x128xf32>
    %min3A_1210 = arith.minimumf %max3A_1195, %min3A_1208 : vector<8x128xf32>
    %max3A_1211 = arith.maximumf %max3A_1197, %min3A_1210 : vector<8x128xf32>
    %min3A_1212 = arith.minimumf %max3A_1197, %min3A_1210 : vector<8x128xf32>
    %max3A_1213 = arith.maximumf %max3A_1199, %min3A_1212 : vector<8x128xf32>
    %min3A_1214 = arith.minimumf %max3A_1199, %min3A_1212 : vector<8x128xf32>
    %max3A_1215 = arith.maximumf %max3A_1201, %min3A_1214 : vector<8x128xf32>
    %get3A_1216 = arith.constant 0 : index
    %get3A_1217 = arith.constant 11136 : index
    %get3A_1218 = vector.load %arg1[%get3A_1216, %get3A_1217] : memref<8x32768xf32, #tpu.memory_space<vmem>>, vector<8x128xf32>
    %exp3A_1219 = math.exp %get3A_1218 : vector<8x128xf32>
    %add3A_1220 = arith.addf %add3A_1206, %exp3A_1219 : vector<8x128xf32>
    %max3A_1221 = arith.maximumf %max3A_1207, %get3A_1218 : vector<8x128xf32>
    %min3A_1222 = arith.minimumf %max3A_1207, %get3A_1218 : vector<8x128xf32>
    %max3A_1223 = arith.maximumf %max3A_1209, %min3A_1222 : vector<8x128xf32>
    %min3A_1224 = arith.minimumf %max3A_1209, %min3A_1222 : vector<8x128xf32>
    %max3A_1225 = arith.maximumf %max3A_1211, %min3A_1224 : vector<8x128xf32>
    %min3A_1226 = arith.minimumf %max3A_1211, %min3A_1224 : vector<8x128xf32>
    %max3A_1227 = arith.maximumf %max3A_1213, %min3A_1226 : vector<8x128xf32>
    %min3A_1228 = arith.minimumf %max3A_1213, %min3A_1226 : vector<8x128xf32>
    %max3A_1229 = arith.maximumf %max3A_1215, %min3A_1228 : vector<8x128xf32>
    %get3A_1230 = arith.constant 0 : index
    %get3A_1231 = arith.constant 11264 : index
    %get3A_1232 = vector.load %arg1[%get3A_1230, %get3A_1231] : memref<8x32768xf32, #tpu.memory_space<vmem>>, vector<8x128xf32>
    %exp3A_1233 = math.exp %get3A_1232 : vector<8x128xf32>
    %add3A_1234 = arith.addf %add3A_1220, %exp3A_1233 : vector<8x128xf32>
    %max3A_1235 = arith.maximumf %max3A_1221, %get3A_1232 : vector<8x128xf32>
    %min3A_1236 = arith.minimumf %max3A_1221, %get3A_1232 : vector<8x128xf32>
    %max3A_1237 = arith.maximumf %max3A_1223, %min3A_1236 : vector<8x128xf32>
    %min3A_1238 = arith.minimumf %max3A_1223, %min3A_1236 : vector<8x128xf32>
    %max3A_1239 = arith.maximumf %max3A_1225, %min3A_1238 : vector<8x128xf32>
    %min3A_1240 = arith.minimumf %max3A_1225, %min3A_1238 : vector<8x128xf32>
    %max3A_1241 = arith.maximumf %max3A_1227, %min3A_1240 : vector<8x128xf32>
    %min3A_1242 = arith.minimumf %max3A_1227, %min3A_1240 : vector<8x128xf32>
    %max3A_1243 = arith.maximumf %max3A_1229, %min3A_1242 : vector<8x128xf32>
    %get3A_1244 = arith.constant 0 : index
    %get3A_1245 = arith.constant 11392 : index
    %get3A_1246 = vector.load %arg1[%get3A_1244, %get3A_1245] : memref<8x32768xf32, #tpu.memory_space<vmem>>, vector<8x128xf32>
    %exp3A_1247 = math.exp %get3A_1246 : vector<8x128xf32>
    %add3A_1248 = arith.addf %add3A_1234, %exp3A_1247 : vector<8x128xf32>
    %max3A_1249 = arith.maximumf %max3A_1235, %get3A_1246 : vector<8x128xf32>
    %min3A_1250 = arith.minimumf %max3A_1235, %get3A_1246 : vector<8x128xf32>
    %max3A_1251 = arith.maximumf %max3A_1237, %min3A_1250 : vector<8x128xf32>
    %min3A_1252 = arith.minimumf %max3A_1237, %min3A_1250 : vector<8x128xf32>
    %max3A_1253 = arith.maximumf %max3A_1239, %min3A_1252 : vector<8x128xf32>
    %min3A_1254 = arith.minimumf %max3A_1239, %min3A_1252 : vector<8x128xf32>
    %max3A_1255 = arith.maximumf %max3A_1241, %min3A_1254 : vector<8x128xf32>
    %min3A_1256 = arith.minimumf %max3A_1241, %min3A_1254 : vector<8x128xf32>
    %max3A_1257 = arith.maximumf %max3A_1243, %min3A_1256 : vector<8x128xf32>
    %get3A_1258 = arith.constant 0 : index
    %get3A_1259 = arith.constant 11520 : index
    %get3A_1260 = vector.load %arg1[%get3A_1258, %get3A_1259] : memref<8x32768xf32, #tpu.memory_space<vmem>>, vector<8x128xf32>
    %exp3A_1261 = math.exp %get3A_1260 : vector<8x128xf32>
    %add3A_1262 = arith.addf %add3A_1248, %exp3A_1261 : vector<8x128xf32>
    %max3A_1263 = arith.maximumf %max3A_1249, %get3A_1260 : vector<8x128xf32>
    %min3A_1264 = arith.minimumf %max3A_1249, %get3A_1260 : vector<8x128xf32>
    %max3A_1265 = arith.maximumf %max3A_1251, %min3A_1264 : vector<8x128xf32>
    %min3A_1266 = arith.minimumf %max3A_1251, %min3A_1264 : vector<8x128xf32>
    %max3A_1267 = arith.maximumf %max3A_1253, %min3A_1266 : vector<8x128xf32>
    %min3A_1268 = arith.minimumf %max3A_1253, %min3A_1266 : vector<8x128xf32>
    %max3A_1269 = arith.maximumf %max3A_1255, %min3A_1268 : vector<8x128xf32>
    %min3A_1270 = arith.minimumf %max3A_1255, %min3A_1268 : vector<8x128xf32>
    %max3A_1271 = arith.maximumf %max3A_1257, %min3A_1270 : vector<8x128xf32>
    %get3A_1272 = arith.constant 0 : index
    %get3A_1273 = arith.constant 11648 : index
    %get3A_1274 = vector.load %arg1[%get3A_1272, %get3A_1273] : memref<8x32768xf32, #tpu.memory_space<vmem>>, vector<8x128xf32>
    %exp3A_1275 = math.exp %get3A_1274 : vector<8x128xf32>
    %add3A_1276 = arith.addf %add3A_1262, %exp3A_1275 : vector<8x128xf32>
    %max3A_1277 = arith.maximumf %max3A_1263, %get3A_1274 : vector<8x128xf32>
    %min3A_1278 = arith.minimumf %max3A_1263, %get3A_1274 : vector<8x128xf32>
    %max3A_1279 = arith.maximumf %max3A_1265, %min3A_1278 : vector<8x128xf32>
    %min3A_1280 = arith.minimumf %max3A_1265, %min3A_1278 : vector<8x128xf32>
    %max3A_1281 = arith.maximumf %max3A_1267, %min3A_1280 : vector<8x128xf32>
    %min3A_1282 = arith.minimumf %max3A_1267, %min3A_1280 : vector<8x128xf32>
    %max3A_1283 = arith.maximumf %max3A_1269, %min3A_1282 : vector<8x128xf32>
    %min3A_1284 = arith.minimumf %max3A_1269, %min3A_1282 : vector<8x128xf32>
    %max3A_1285 = arith.maximumf %max3A_1271, %min3A_1284 : vector<8x128xf32>
    %get3A_1286 = arith.constant 0 : index
    %get3A_1287 = arith.constant 11776 : index
    %get3A_1288 = vector.load %arg1[%get3A_1286, %get3A_1287] : memref<8x32768xf32, #tpu.memory_space<vmem>>, vector<8x128xf32>
    %exp3A_1289 = math.exp %get3A_1288 : vector<8x128xf32>
    %add3A_1290 = arith.addf %add3A_1276, %exp3A_1289 : vector<8x128xf32>
    %max3A_1291 = arith.maximumf %max3A_1277, %get3A_1288 : vector<8x128xf32>
    %min3A_1292 = arith.minimumf %max3A_1277, %get3A_1288 : vector<8x128xf32>
    %max3A_1293 = arith.maximumf %max3A_1279, %min3A_1292 : vector<8x128xf32>
    %min3A_1294 = arith.minimumf %max3A_1279, %min3A_1292 : vector<8x128xf32>
    %max3A_1295 = arith.maximumf %max3A_1281, %min3A_1294 : vector<8x128xf32>
    %min3A_1296 = arith.minimumf %max3A_1281, %min3A_1294 : vector<8x128xf32>
    %max3A_1297 = arith.maximumf %max3A_1283, %min3A_1296 : vector<8x128xf32>
    %min3A_1298 = arith.minimumf %max3A_1283, %min3A_1296 : vector<8x128xf32>
    %max3A_1299 = arith.maximumf %max3A_1285, %min3A_1298 : vector<8x128xf32>
    %get3A_1300 = arith.constant 0 : index
    %get3A_1301 = arith.constant 11904 : index
    %get3A_1302 = vector.load %arg1[%get3A_1300, %get3A_1301] : memref<8x32768xf32, #tpu.memory_space<vmem>>, vector<8x128xf32>
    %exp3A_1303 = math.exp %get3A_1302 : vector<8x128xf32>
    %add3A_1304 = arith.addf %add3A_1290, %exp3A_1303 : vector<8x128xf32>
    %max3A_1305 = arith.maximumf %max3A_1291, %get3A_1302 : vector<8x128xf32>
    %min3A_1306 = arith.minimumf %max3A_1291, %get3A_1302 : vector<8x128xf32>
    %max3A_1307 = arith.maximumf %max3A_1293, %min3A_1306 : vector<8x128xf32>
    %min3A_1308 = arith.minimumf %max3A_1293, %min3A_1306 : vector<8x128xf32>
    %max3A_1309 = arith.maximumf %max3A_1295, %min3A_1308 : vector<8x128xf32>
    %min3A_1310 = arith.minimumf %max3A_1295, %min3A_1308 : vector<8x128xf32>
    %max3A_1311 = arith.maximumf %max3A_1297, %min3A_1310 : vector<8x128xf32>
    %min3A_1312 = arith.minimumf %max3A_1297, %min3A_1310 : vector<8x128xf32>
    %max3A_1313 = arith.maximumf %max3A_1299, %min3A_1312 : vector<8x128xf32>
    %get3A_1314 = arith.constant 0 : index
    %get3A_1315 = arith.constant 12032 : index
    %get3A_1316 = vector.load %arg1[%get3A_1314, %get3A_1315] : memref<8x32768xf32, #tpu.memory_space<vmem>>, vector<8x128xf32>
    %exp3A_1317 = math.exp %get3A_1316 : vector<8x128xf32>
    %add3A_1318 = arith.addf %add3A_1304, %exp3A_1317 : vector<8x128xf32>
    %max3A_1319 = arith.maximumf %max3A_1305, %get3A_1316 : vector<8x128xf32>
    %min3A_1320 = arith.minimumf %max3A_1305, %get3A_1316 : vector<8x128xf32>
    %max3A_1321 = arith.maximumf %max3A_1307, %min3A_1320 : vector<8x128xf32>
    %min3A_1322 = arith.minimumf %max3A_1307, %min3A_1320 : vector<8x128xf32>
    %max3A_1323 = arith.maximumf %max3A_1309, %min3A_1322 : vector<8x128xf32>
    %min3A_1324 = arith.minimumf %max3A_1309, %min3A_1322 : vector<8x128xf32>
    %max3A_1325 = arith.maximumf %max3A_1311, %min3A_1324 : vector<8x128xf32>
    %min3A_1326 = arith.minimumf %max3A_1311, %min3A_1324 : vector<8x128xf32>
    %max3A_1327 = arith.maximumf %max3A_1313, %min3A_1326 : vector<8x128xf32>
    %get3A_1328 = arith.constant 0 : index
    %get3A_1329 = arith.constant 12160 : index
    %get3A_1330 = vector.load %arg1[%get3A_1328, %get3A_1329] : memref<8x32768xf32, #tpu.memory_space<vmem>>, vector<8x128xf32>
    %exp3A_1331 = math.exp %get3A_1330 : vector<8x128xf32>
    %add3A_1332 = arith.addf %add3A_1318, %exp3A_1331 : vector<8x128xf32>
    %max3A_1333 = arith.maximumf %max3A_1319, %get3A_1330 : vector<8x128xf32>
    %min3A_1334 = arith.minimumf %max3A_1319, %get3A_1330 : vector<8x128xf32>
    %max3A_1335 = arith.maximumf %max3A_1321, %min3A_1334 : vector<8x128xf32>
    %min3A_1336 = arith.minimumf %max3A_1321, %min3A_1334 : vector<8x128xf32>
    %max3A_1337 = arith.maximumf %max3A_1323, %min3A_1336 : vector<8x128xf32>
    %min3A_1338 = arith.minimumf %max3A_1323, %min3A_1336 : vector<8x128xf32>
    %max3A_1339 = arith.maximumf %max3A_1325, %min3A_1338 : vector<8x128xf32>
    %min3A_1340 = arith.minimumf %max3A_1325, %min3A_1338 : vector<8x128xf32>
    %max3A_1341 = arith.maximumf %max3A_1327, %min3A_1340 : vector<8x128xf32>
    %get3A_1342 = arith.constant 0 : index
    %get3A_1343 = arith.constant 12288 : index
    %get3A_1344 = vector.load %arg1[%get3A_1342, %get3A_1343] : memref<8x32768xf32, #tpu.memory_space<vmem>>, vector<8x128xf32>
    %exp3A_1345 = math.exp %get3A_1344 : vector<8x128xf32>
    %add3A_1346 = arith.addf %add3A_1332, %exp3A_1345 : vector<8x128xf32>
    %max3A_1347 = arith.maximumf %max3A_1333, %get3A_1344 : vector<8x128xf32>
    %min3A_1348 = arith.minimumf %max3A_1333, %get3A_1344 : vector<8x128xf32>
    %max3A_1349 = arith.maximumf %max3A_1335, %min3A_1348 : vector<8x128xf32>
    %min3A_1350 = arith.minimumf %max3A_1335, %min3A_1348 : vector<8x128xf32>
    %max3A_1351 = arith.maximumf %max3A_1337, %min3A_1350 : vector<8x128xf32>
    %min3A_1352 = arith.minimumf %max3A_1337, %min3A_1350 : vector<8x128xf32>
    %max3A_1353 = arith.maximumf %max3A_1339, %min3A_1352 : vector<8x128xf32>
    %min3A_1354 = arith.minimumf %max3A_1339, %min3A_1352 : vector<8x128xf32>
    %max3A_1355 = arith.maximumf %max3A_1341, %min3A_1354 : vector<8x128xf32>
    %get3A_1356 = arith.constant 0 : index
    %get3A_1357 = arith.constant 12416 : index
    %get3A_1358 = vector.load %arg1[%get3A_1356, %get3A_1357] : memref<8x32768xf32, #tpu.memory_space<vmem>>, vector<8x128xf32>
    %exp3A_1359 = math.exp %get3A_1358 : vector<8x128xf32>
    %add3A_1360 = arith.addf %add3A_1346, %exp3A_1359 : vector<8x128xf32>
    %max3A_1361 = arith.maximumf %max3A_1347, %get3A_1358 : vector<8x128xf32>
    %min3A_1362 = arith.minimumf %max3A_1347, %get3A_1358 : vector<8x128xf32>
    %max3A_1363 = arith.maximumf %max3A_1349, %min3A_1362 : vector<8x128xf32>
    %min3A_1364 = arith.minimumf %max3A_1349, %min3A_1362 : vector<8x128xf32>
    %max3A_1365 = arith.maximumf %max3A_1351, %min3A_1364 : vector<8x128xf32>
    %min3A_1366 = arith.minimumf %max3A_1351, %min3A_1364 : vector<8x128xf32>
    %max3A_1367 = arith.maximumf %max3A_1353, %min3A_1366 : vector<8x128xf32>
    %min3A_1368 = arith.minimumf %max3A_1353, %min3A_1366 : vector<8x128xf32>
    %max3A_1369 = arith.maximumf %max3A_1355, %min3A_1368 : vector<8x128xf32>
    %get3A_1370 = arith.constant 0 : index
    %get3A_1371 = arith.constant 12544 : index
    %get3A_1372 = vector.load %arg1[%get3A_1370, %get3A_1371] : memref<8x32768xf32, #tpu.memory_space<vmem>>, vector<8x128xf32>
    %exp3A_1373 = math.exp %get3A_1372 : vector<8x128xf32>
    %add3A_1374 = arith.addf %add3A_1360, %exp3A_1373 : vector<8x128xf32>
    %max3A_1375 = arith.maximumf %max3A_1361, %get3A_1372 : vector<8x128xf32>
    %min3A_1376 = arith.minimumf %max3A_1361, %get3A_1372 : vector<8x128xf32>
    %max3A_1377 = arith.maximumf %max3A_1363, %min3A_1376 : vector<8x128xf32>
    %min3A_1378 = arith.minimumf %max3A_1363, %min3A_1376 : vector<8x128xf32>
    %max3A_1379 = arith.maximumf %max3A_1365, %min3A_1378 : vector<8x128xf32>
    %min3A_1380 = arith.minimumf %max3A_1365, %min3A_1378 : vector<8x128xf32>
    %max3A_1381 = arith.maximumf %max3A_1367, %min3A_1380 : vector<8x128xf32>
    %min3A_1382 = arith.minimumf %max3A_1367, %min3A_1380 : vector<8x128xf32>
    %max3A_1383 = arith.maximumf %max3A_1369, %min3A_1382 : vector<8x128xf32>
    %get3A_1384 = arith.constant 0 : index
    %get3A_1385 = arith.constant 12672 : index
    %get3A_1386 = vector.load %arg1[%get3A_1384, %get3A_1385] : memref<8x32768xf32, #tpu.memory_space<vmem>>, vector<8x128xf32>
    %exp3A_1387 = math.exp %get3A_1386 : vector<8x128xf32>
    %add3A_1388 = arith.addf %add3A_1374, %exp3A_1387 : vector<8x128xf32>
    %max3A_1389 = arith.maximumf %max3A_1375, %get3A_1386 : vector<8x128xf32>
    %min3A_1390 = arith.minimumf %max3A_1375, %get3A_1386 : vector<8x128xf32>
    %max3A_1391 = arith.maximumf %max3A_1377, %min3A_1390 : vector<8x128xf32>
    %min3A_1392 = arith.minimumf %max3A_1377, %min3A_1390 : vector<8x128xf32>
    %max3A_1393 = arith.maximumf %max3A_1379, %min3A_1392 : vector<8x128xf32>
    %min3A_1394 = arith.minimumf %max3A_1379, %min3A_1392 : vector<8x128xf32>
    %max3A_1395 = arith.maximumf %max3A_1381, %min3A_1394 : vector<8x128xf32>
    %min3A_1396 = arith.minimumf %max3A_1381, %min3A_1394 : vector<8x128xf32>
    %max3A_1397 = arith.maximumf %max3A_1383, %min3A_1396 : vector<8x128xf32>
    %get3A_1398 = arith.constant 0 : index
    %get3A_1399 = arith.constant 12800 : index
    %get3A_1400 = vector.load %arg1[%get3A_1398, %get3A_1399] : memref<8x32768xf32, #tpu.memory_space<vmem>>, vector<8x128xf32>
    %exp3A_1401 = math.exp %get3A_1400 : vector<8x128xf32>
    %add3A_1402 = arith.addf %add3A_1388, %exp3A_1401 : vector<8x128xf32>
    %max3A_1403 = arith.maximumf %max3A_1389, %get3A_1400 : vector<8x128xf32>
    %min3A_1404 = arith.minimumf %max3A_1389, %get3A_1400 : vector<8x128xf32>
    %max3A_1405 = arith.maximumf %max3A_1391, %min3A_1404 : vector<8x128xf32>
    %min3A_1406 = arith.minimumf %max3A_1391, %min3A_1404 : vector<8x128xf32>
    %max3A_1407 = arith.maximumf %max3A_1393, %min3A_1406 : vector<8x128xf32>
    %min3A_1408 = arith.minimumf %max3A_1393, %min3A_1406 : vector<8x128xf32>
    %max3A_1409 = arith.maximumf %max3A_1395, %min3A_1408 : vector<8x128xf32>
    %min3A_1410 = arith.minimumf %max3A_1395, %min3A_1408 : vector<8x128xf32>
    %max3A_1411 = arith.maximumf %max3A_1397, %min3A_1410 : vector<8x128xf32>
    %get3A_1412 = arith.constant 0 : index
    %get3A_1413 = arith.constant 12928 : index
    %get3A_1414 = vector.load %arg1[%get3A_1412, %get3A_1413] : memref<8x32768xf32, #tpu.memory_space<vmem>>, vector<8x128xf32>
    %exp3A_1415 = math.exp %get3A_1414 : vector<8x128xf32>
    %add3A_1416 = arith.addf %add3A_1402, %exp3A_1415 : vector<8x128xf32>
    %max3A_1417 = arith.maximumf %max3A_1403, %get3A_1414 : vector<8x128xf32>
    %min3A_1418 = arith.minimumf %max3A_1403, %get3A_1414 : vector<8x128xf32>
    %max3A_1419 = arith.maximumf %max3A_1405, %min3A_1418 : vector<8x128xf32>
    %min3A_1420 = arith.minimumf %max3A_1405, %min3A_1418 : vector<8x128xf32>
    %max3A_1421 = arith.maximumf %max3A_1407, %min3A_1420 : vector<8x128xf32>
    %min3A_1422 = arith.minimumf %max3A_1407, %min3A_1420 : vector<8x128xf32>
    %max3A_1423 = arith.maximumf %max3A_1409, %min3A_1422 : vector<8x128xf32>
    %min3A_1424 = arith.minimumf %max3A_1409, %min3A_1422 : vector<8x128xf32>
    %max3A_1425 = arith.maximumf %max3A_1411, %min3A_1424 : vector<8x128xf32>
    %get3A_1426 = arith.constant 0 : index
    %get3A_1427 = arith.constant 13056 : index
    %get3A_1428 = vector.load %arg1[%get3A_1426, %get3A_1427] : memref<8x32768xf32, #tpu.memory_space<vmem>>, vector<8x128xf32>
    %exp3A_1429 = math.exp %get3A_1428 : vector<8x128xf32>
    %add3A_1430 = arith.addf %add3A_1416, %exp3A_1429 : vector<8x128xf32>
    %max3A_1431 = arith.maximumf %max3A_1417, %get3A_1428 : vector<8x128xf32>
    %min3A_1432 = arith.minimumf %max3A_1417, %get3A_1428 : vector<8x128xf32>
    %max3A_1433 = arith.maximumf %max3A_1419, %min3A_1432 : vector<8x128xf32>
    %min3A_1434 = arith.minimumf %max3A_1419, %min3A_1432 : vector<8x128xf32>
    %max3A_1435 = arith.maximumf %max3A_1421, %min3A_1434 : vector<8x128xf32>
    %min3A_1436 = arith.minimumf %max3A_1421, %min3A_1434 : vector<8x128xf32>
    %max3A_1437 = arith.maximumf %max3A_1423, %min3A_1436 : vector<8x128xf32>
    %min3A_1438 = arith.minimumf %max3A_1423, %min3A_1436 : vector<8x128xf32>
    %max3A_1439 = arith.maximumf %max3A_1425, %min3A_1438 : vector<8x128xf32>
    %get3A_1440 = arith.constant 0 : index
    %get3A_1441 = arith.constant 13184 : index
    %get3A_1442 = vector.load %arg1[%get3A_1440, %get3A_1441] : memref<8x32768xf32, #tpu.memory_space<vmem>>, vector<8x128xf32>
    %exp3A_1443 = math.exp %get3A_1442 : vector<8x128xf32>
    %add3A_1444 = arith.addf %add3A_1430, %exp3A_1443 : vector<8x128xf32>
    %max3A_1445 = arith.maximumf %max3A_1431, %get3A_1442 : vector<8x128xf32>
    %min3A_1446 = arith.minimumf %max3A_1431, %get3A_1442 : vector<8x128xf32>
    %max3A_1447 = arith.maximumf %max3A_1433, %min3A_1446 : vector<8x128xf32>
    %min3A_1448 = arith.minimumf %max3A_1433, %min3A_1446 : vector<8x128xf32>
    %max3A_1449 = arith.maximumf %max3A_1435, %min3A_1448 : vector<8x128xf32>
    %min3A_1450 = arith.minimumf %max3A_1435, %min3A_1448 : vector<8x128xf32>
    %max3A_1451 = arith.maximumf %max3A_1437, %min3A_1450 : vector<8x128xf32>
    %min3A_1452 = arith.minimumf %max3A_1437, %min3A_1450 : vector<8x128xf32>
    %max3A_1453 = arith.maximumf %max3A_1439, %min3A_1452 : vector<8x128xf32>
    %get3A_1454 = arith.constant 0 : index
    %get3A_1455 = arith.constant 13312 : index
    %get3A_1456 = vector.load %arg1[%get3A_1454, %get3A_1455] : memref<8x32768xf32, #tpu.memory_space<vmem>>, vector<8x128xf32>
    %exp3A_1457 = math.exp %get3A_1456 : vector<8x128xf32>
    %add3A_1458 = arith.addf %add3A_1444, %exp3A_1457 : vector<8x128xf32>
    %max3A_1459 = arith.maximumf %max3A_1445, %get3A_1456 : vector<8x128xf32>
    %min3A_1460 = arith.minimumf %max3A_1445, %get3A_1456 : vector<8x128xf32>
    %max3A_1461 = arith.maximumf %max3A_1447, %min3A_1460 : vector<8x128xf32>
    %min3A_1462 = arith.minimumf %max3A_1447, %min3A_1460 : vector<8x128xf32>
    %max3A_1463 = arith.maximumf %max3A_1449, %min3A_1462 : vector<8x128xf32>
    %min3A_1464 = arith.minimumf %max3A_1449, %min3A_1462 : vector<8x128xf32>
    %max3A_1465 = arith.maximumf %max3A_1451, %min3A_1464 : vector<8x128xf32>
    %min3A_1466 = arith.minimumf %max3A_1451, %min3A_1464 : vector<8x128xf32>
    %max3A_1467 = arith.maximumf %max3A_1453, %min3A_1466 : vector<8x128xf32>
    %get3A_1468 = arith.constant 0 : index
    %get3A_1469 = arith.constant 13440 : index
    %get3A_1470 = vector.load %arg1[%get3A_1468, %get3A_1469] : memref<8x32768xf32, #tpu.memory_space<vmem>>, vector<8x128xf32>
    %exp3A_1471 = math.exp %get3A_1470 : vector<8x128xf32>
    %add3A_1472 = arith.addf %add3A_1458, %exp3A_1471 : vector<8x128xf32>
    %max3A_1473 = arith.maximumf %max3A_1459, %get3A_1470 : vector<8x128xf32>
    %min3A_1474 = arith.minimumf %max3A_1459, %get3A_1470 : vector<8x128xf32>
    %max3A_1475 = arith.maximumf %max3A_1461, %min3A_1474 : vector<8x128xf32>
    %min3A_1476 = arith.minimumf %max3A_1461, %min3A_1474 : vector<8x128xf32>
    %max3A_1477 = arith.maximumf %max3A_1463, %min3A_1476 : vector<8x128xf32>
    %min3A_1478 = arith.minimumf %max3A_1463, %min3A_1476 : vector<8x128xf32>
    %max3A_1479 = arith.maximumf %max3A_1465, %min3A_1478 : vector<8x128xf32>
    %min3A_1480 = arith.minimumf %max3A_1465, %min3A_1478 : vector<8x128xf32>
    %max3A_1481 = arith.maximumf %max3A_1467, %min3A_1480 : vector<8x128xf32>
    %get3A_1482 = arith.constant 0 : index
    %get3A_1483 = arith.constant 13568 : index
    %get3A_1484 = vector.load %arg1[%get3A_1482, %get3A_1483] : memref<8x32768xf32, #tpu.memory_space<vmem>>, vector<8x128xf32>
    %exp3A_1485 = math.exp %get3A_1484 : vector<8x128xf32>
    %add3A_1486 = arith.addf %add3A_1472, %exp3A_1485 : vector<8x128xf32>
    %max3A_1487 = arith.maximumf %max3A_1473, %get3A_1484 : vector<8x128xf32>
    %min3A_1488 = arith.minimumf %max3A_1473, %get3A_1484 : vector<8x128xf32>
    %max3A_1489 = arith.maximumf %max3A_1475, %min3A_1488 : vector<8x128xf32>
    %min3A_1490 = arith.minimumf %max3A_1475, %min3A_1488 : vector<8x128xf32>
    %max3A_1491 = arith.maximumf %max3A_1477, %min3A_1490 : vector<8x128xf32>
    %min3A_1492 = arith.minimumf %max3A_1477, %min3A_1490 : vector<8x128xf32>
    %max3A_1493 = arith.maximumf %max3A_1479, %min3A_1492 : vector<8x128xf32>
    %min3A_1494 = arith.minimumf %max3A_1479, %min3A_1492 : vector<8x128xf32>
    %max3A_1495 = arith.maximumf %max3A_1481, %min3A_1494 : vector<8x128xf32>
    %get3A_1496 = arith.constant 0 : index
    %get3A_1497 = arith.constant 13696 : index
    %get3A_1498 = vector.load %arg1[%get3A_1496, %get3A_1497] : memref<8x32768xf32, #tpu.memory_space<vmem>>, vector<8x128xf32>
    %exp3A_1499 = math.exp %get3A_1498 : vector<8x128xf32>
    %add3A_1500 = arith.addf %add3A_1486, %exp3A_1499 : vector<8x128xf32>
    %max3A_1501 = arith.maximumf %max3A_1487, %get3A_1498 : vector<8x128xf32>
    %min3A_1502 = arith.minimumf %max3A_1487, %get3A_1498 : vector<8x128xf32>
    %max3A_1503 = arith.maximumf %max3A_1489, %min3A_1502 : vector<8x128xf32>
    %min3A_1504 = arith.minimumf %max3A_1489, %min3A_1502 : vector<8x128xf32>
    %max3A_1505 = arith.maximumf %max3A_1491, %min3A_1504 : vector<8x128xf32>
    %min3A_1506 = arith.minimumf %max3A_1491, %min3A_1504 : vector<8x128xf32>
    %max3A_1507 = arith.maximumf %max3A_1493, %min3A_1506 : vector<8x128xf32>
    %min3A_1508 = arith.minimumf %max3A_1493, %min3A_1506 : vector<8x128xf32>
    %max3A_1509 = arith.maximumf %max3A_1495, %min3A_1508 : vector<8x128xf32>
    %get3A_1510 = arith.constant 0 : index
    %get3A_1511 = arith.constant 13824 : index
    %get3A_1512 = vector.load %arg1[%get3A_1510, %get3A_1511] : memref<8x32768xf32, #tpu.memory_space<vmem>>, vector<8x128xf32>
    %exp3A_1513 = math.exp %get3A_1512 : vector<8x128xf32>
    %add3A_1514 = arith.addf %add3A_1500, %exp3A_1513 : vector<8x128xf32>
    %max3A_1515 = arith.maximumf %max3A_1501, %get3A_1512 : vector<8x128xf32>
    %min3A_1516 = arith.minimumf %max3A_1501, %get3A_1512 : vector<8x128xf32>
    %max3A_1517 = arith.maximumf %max3A_1503, %min3A_1516 : vector<8x128xf32>
    %min3A_1518 = arith.minimumf %max3A_1503, %min3A_1516 : vector<8x128xf32>
    %max3A_1519 = arith.maximumf %max3A_1505, %min3A_1518 : vector<8x128xf32>
    %min3A_1520 = arith.minimumf %max3A_1505, %min3A_1518 : vector<8x128xf32>
    %max3A_1521 = arith.maximumf %max3A_1507, %min3A_1520 : vector<8x128xf32>
    %min3A_1522 = arith.minimumf %max3A_1507, %min3A_1520 : vector<8x128xf32>
    %max3A_1523 = arith.maximumf %max3A_1509, %min3A_1522 : vector<8x128xf32>
    %get3A_1524 = arith.constant 0 : index
    %get3A_1525 = arith.constant 13952 : index
    %get3A_1526 = vector.load %arg1[%get3A_1524, %get3A_1525] : memref<8x32768xf32, #tpu.memory_space<vmem>>, vector<8x128xf32>
    %exp3A_1527 = math.exp %get3A_1526 : vector<8x128xf32>
    %add3A_1528 = arith.addf %add3A_1514, %exp3A_1527 : vector<8x128xf32>
    %max3A_1529 = arith.maximumf %max3A_1515, %get3A_1526 : vector<8x128xf32>
    %min3A_1530 = arith.minimumf %max3A_1515, %get3A_1526 : vector<8x128xf32>
    %max3A_1531 = arith.maximumf %max3A_1517, %min3A_1530 : vector<8x128xf32>
    %min3A_1532 = arith.minimumf %max3A_1517, %min3A_1530 : vector<8x128xf32>
    %max3A_1533 = arith.maximumf %max3A_1519, %min3A_1532 : vector<8x128xf32>
    %min3A_1534 = arith.minimumf %max3A_1519, %min3A_1532 : vector<8x128xf32>
    %max3A_1535 = arith.maximumf %max3A_1521, %min3A_1534 : vector<8x128xf32>
    %min3A_1536 = arith.minimumf %max3A_1521, %min3A_1534 : vector<8x128xf32>
    %max3A_1537 = arith.maximumf %max3A_1523, %min3A_1536 : vector<8x128xf32>
    %get3A_1538 = arith.constant 0 : index
    %get3A_1539 = arith.constant 14080 : index
    %get3A_1540 = vector.load %arg1[%get3A_1538, %get3A_1539] : memref<8x32768xf32, #tpu.memory_space<vmem>>, vector<8x128xf32>
    %exp3A_1541 = math.exp %get3A_1540 : vector<8x128xf32>
    %add3A_1542 = arith.addf %add3A_1528, %exp3A_1541 : vector<8x128xf32>
    %max3A_1543 = arith.maximumf %max3A_1529, %get3A_1540 : vector<8x128xf32>
    %min3A_1544 = arith.minimumf %max3A_1529, %get3A_1540 : vector<8x128xf32>
    %max3A_1545 = arith.maximumf %max3A_1531, %min3A_1544 : vector<8x128xf32>
    %min3A_1546 = arith.minimumf %max3A_1531, %min3A_1544 : vector<8x128xf32>
    %max3A_1547 = arith.maximumf %max3A_1533, %min3A_1546 : vector<8x128xf32>
    %min3A_1548 = arith.minimumf %max3A_1533, %min3A_1546 : vector<8x128xf32>
    %max3A_1549 = arith.maximumf %max3A_1535, %min3A_1548 : vector<8x128xf32>
    %min3A_1550 = arith.minimumf %max3A_1535, %min3A_1548 : vector<8x128xf32>
    %max3A_1551 = arith.maximumf %max3A_1537, %min3A_1550 : vector<8x128xf32>
    %get3A_1552 = arith.constant 0 : index
    %get3A_1553 = arith.constant 14208 : index
    %get3A_1554 = vector.load %arg1[%get3A_1552, %get3A_1553] : memref<8x32768xf32, #tpu.memory_space<vmem>>, vector<8x128xf32>
    %exp3A_1555 = math.exp %get3A_1554 : vector<8x128xf32>
    %add3A_1556 = arith.addf %add3A_1542, %exp3A_1555 : vector<8x128xf32>
    %max3A_1557 = arith.maximumf %max3A_1543, %get3A_1554 : vector<8x128xf32>
    %min3A_1558 = arith.minimumf %max3A_1543, %get3A_1554 : vector<8x128xf32>
    %max3A_1559 = arith.maximumf %max3A_1545, %min3A_1558 : vector<8x128xf32>
    %min3A_1560 = arith.minimumf %max3A_1545, %min3A_1558 : vector<8x128xf32>
    %max3A_1561 = arith.maximumf %max3A_1547, %min3A_1560 : vector<8x128xf32>
    %min3A_1562 = arith.minimumf %max3A_1547, %min3A_1560 : vector<8x128xf32>
    %max3A_1563 = arith.maximumf %max3A_1549, %min3A_1562 : vector<8x128xf32>
    %min3A_1564 = arith.minimumf %max3A_1549, %min3A_1562 : vector<8x128xf32>
    %max3A_1565 = arith.maximumf %max3A_1551, %min3A_1564 : vector<8x128xf32>
    %get3A_1566 = arith.constant 0 : index
    %get3A_1567 = arith.constant 14336 : index
    %get3A_1568 = vector.load %arg1[%get3A_1566, %get3A_1567] : memref<8x32768xf32, #tpu.memory_space<vmem>>, vector<8x128xf32>
    %exp3A_1569 = math.exp %get3A_1568 : vector<8x128xf32>
    %add3A_1570 = arith.addf %add3A_1556, %exp3A_1569 : vector<8x128xf32>
    %max3A_1571 = arith.maximumf %max3A_1557, %get3A_1568 : vector<8x128xf32>
    %min3A_1572 = arith.minimumf %max3A_1557, %get3A_1568 : vector<8x128xf32>
    %max3A_1573 = arith.maximumf %max3A_1559, %min3A_1572 : vector<8x128xf32>
    %min3A_1574 = arith.minimumf %max3A_1559, %min3A_1572 : vector<8x128xf32>
    %max3A_1575 = arith.maximumf %max3A_1561, %min3A_1574 : vector<8x128xf32>
    %min3A_1576 = arith.minimumf %max3A_1561, %min3A_1574 : vector<8x128xf32>
    %max3A_1577 = arith.maximumf %max3A_1563, %min3A_1576 : vector<8x128xf32>
    %min3A_1578 = arith.minimumf %max3A_1563, %min3A_1576 : vector<8x128xf32>
    %max3A_1579 = arith.maximumf %max3A_1565, %min3A_1578 : vector<8x128xf32>
    %get3A_1580 = arith.constant 0 : index
    %get3A_1581 = arith.constant 14464 : index
    %get3A_1582 = vector.load %arg1[%get3A_1580, %get3A_1581] : memref<8x32768xf32, #tpu.memory_space<vmem>>, vector<8x128xf32>
    %exp3A_1583 = math.exp %get3A_1582 : vector<8x128xf32>
    %add3A_1584 = arith.addf %add3A_1570, %exp3A_1583 : vector<8x128xf32>
    %max3A_1585 = arith.maximumf %max3A_1571, %get3A_1582 : vector<8x128xf32>
    %min3A_1586 = arith.minimumf %max3A_1571, %get3A_1582 : vector<8x128xf32>
    %max3A_1587 = arith.maximumf %max3A_1573, %min3A_1586 : vector<8x128xf32>
    %min3A_1588 = arith.minimumf %max3A_1573, %min3A_1586 : vector<8x128xf32>
    %max3A_1589 = arith.maximumf %max3A_1575, %min3A_1588 : vector<8x128xf32>
    %min3A_1590 = arith.minimumf %max3A_1575, %min3A_1588 : vector<8x128xf32>
    %max3A_1591 = arith.maximumf %max3A_1577, %min3A_1590 : vector<8x128xf32>
    %min3A_1592 = arith.minimumf %max3A_1577, %min3A_1590 : vector<8x128xf32>
    %max3A_1593 = arith.maximumf %max3A_1579, %min3A_1592 : vector<8x128xf32>
    %get3A_1594 = arith.constant 0 : index
    %get3A_1595 = arith.constant 14592 : index
    %get3A_1596 = vector.load %arg1[%get3A_1594, %get3A_1595] : memref<8x32768xf32, #tpu.memory_space<vmem>>, vector<8x128xf32>
    %exp3A_1597 = math.exp %get3A_1596 : vector<8x128xf32>
    %add3A_1598 = arith.addf %add3A_1584, %exp3A_1597 : vector<8x128xf32>
    %max3A_1599 = arith.maximumf %max3A_1585, %get3A_1596 : vector<8x128xf32>
    %min3A_1600 = arith.minimumf %max3A_1585, %get3A_1596 : vector<8x128xf32>
    %max3A_1601 = arith.maximumf %max3A_1587, %min3A_1600 : vector<8x128xf32>
    %min3A_1602 = arith.minimumf %max3A_1587, %min3A_1600 : vector<8x128xf32>
    %max3A_1603 = arith.maximumf %max3A_1589, %min3A_1602 : vector<8x128xf32>
    %min3A_1604 = arith.minimumf %max3A_1589, %min3A_1602 : vector<8x128xf32>
    %max3A_1605 = arith.maximumf %max3A_1591, %min3A_1604 : vector<8x128xf32>
    %min3A_1606 = arith.minimumf %max3A_1591, %min3A_1604 : vector<8x128xf32>
    %max3A_1607 = arith.maximumf %max3A_1593, %min3A_1606 : vector<8x128xf32>
    %get3A_1608 = arith.constant 0 : index
    %get3A_1609 = arith.constant 14720 : index
    %get3A_1610 = vector.load %arg1[%get3A_1608, %get3A_1609] : memref<8x32768xf32, #tpu.memory_space<vmem>>, vector<8x128xf32>
    %exp3A_1611 = math.exp %get3A_1610 : vector<8x128xf32>
    %add3A_1612 = arith.addf %add3A_1598, %exp3A_1611 : vector<8x128xf32>
    %max3A_1613 = arith.maximumf %max3A_1599, %get3A_1610 : vector<8x128xf32>
    %min3A_1614 = arith.minimumf %max3A_1599, %get3A_1610 : vector<8x128xf32>
    %max3A_1615 = arith.maximumf %max3A_1601, %min3A_1614 : vector<8x128xf32>
    %min3A_1616 = arith.minimumf %max3A_1601, %min3A_1614 : vector<8x128xf32>
    %max3A_1617 = arith.maximumf %max3A_1603, %min3A_1616 : vector<8x128xf32>
    %min3A_1618 = arith.minimumf %max3A_1603, %min3A_1616 : vector<8x128xf32>
    %max3A_1619 = arith.maximumf %max3A_1605, %min3A_1618 : vector<8x128xf32>
    %min3A_1620 = arith.minimumf %max3A_1605, %min3A_1618 : vector<8x128xf32>
    %max3A_1621 = arith.maximumf %max3A_1607, %min3A_1620 : vector<8x128xf32>
    %get3A_1622 = arith.constant 0 : index
    %get3A_1623 = arith.constant 14848 : index
    %get3A_1624 = vector.load %arg1[%get3A_1622, %get3A_1623] : memref<8x32768xf32, #tpu.memory_space<vmem>>, vector<8x128xf32>
    %exp3A_1625 = math.exp %get3A_1624 : vector<8x128xf32>
    %add3A_1626 = arith.addf %add3A_1612, %exp3A_1625 : vector<8x128xf32>
    %max3A_1627 = arith.maximumf %max3A_1613, %get3A_1624 : vector<8x128xf32>
    %min3A_1628 = arith.minimumf %max3A_1613, %get3A_1624 : vector<8x128xf32>
    %max3A_1629 = arith.maximumf %max3A_1615, %min3A_1628 : vector<8x128xf32>
    %min3A_1630 = arith.minimumf %max3A_1615, %min3A_1628 : vector<8x128xf32>
    %max3A_1631 = arith.maximumf %max3A_1617, %min3A_1630 : vector<8x128xf32>
    %min3A_1632 = arith.minimumf %max3A_1617, %min3A_1630 : vector<8x128xf32>
    %max3A_1633 = arith.maximumf %max3A_1619, %min3A_1632 : vector<8x128xf32>
    %min3A_1634 = arith.minimumf %max3A_1619, %min3A_1632 : vector<8x128xf32>
    %max3A_1635 = arith.maximumf %max3A_1621, %min3A_1634 : vector<8x128xf32>
    %get3A_1636 = arith.constant 0 : index
    %get3A_1637 = arith.constant 14976 : index
    %get3A_1638 = vector.load %arg1[%get3A_1636, %get3A_1637] : memref<8x32768xf32, #tpu.memory_space<vmem>>, vector<8x128xf32>
    %exp3A_1639 = math.exp %get3A_1638 : vector<8x128xf32>
    %add3A_1640 = arith.addf %add3A_1626, %exp3A_1639 : vector<8x128xf32>
    %max3A_1641 = arith.maximumf %max3A_1627, %get3A_1638 : vector<8x128xf32>
    %min3A_1642 = arith.minimumf %max3A_1627, %get3A_1638 : vector<8x128xf32>
    %max3A_1643 = arith.maximumf %max3A_1629, %min3A_1642 : vector<8x128xf32>
    %min3A_1644 = arith.minimumf %max3A_1629, %min3A_1642 : vector<8x128xf32>
    %max3A_1645 = arith.maximumf %max3A_1631, %min3A_1644 : vector<8x128xf32>
    %min3A_1646 = arith.minimumf %max3A_1631, %min3A_1644 : vector<8x128xf32>
    %max3A_1647 = arith.maximumf %max3A_1633, %min3A_1646 : vector<8x128xf32>
    %min3A_1648 = arith.minimumf %max3A_1633, %min3A_1646 : vector<8x128xf32>
    %max3A_1649 = arith.maximumf %max3A_1635, %min3A_1648 : vector<8x128xf32>
    %get3A_1650 = arith.constant 0 : index
    %get3A_1651 = arith.constant 15104 : index
    %get3A_1652 = vector.load %arg1[%get3A_1650, %get3A_1651] : memref<8x32768xf32, #tpu.memory_space<vmem>>, vector<8x128xf32>
    %exp3A_1653 = math.exp %get3A_1652 : vector<8x128xf32>
    %add3A_1654 = arith.addf %add3A_1640, %exp3A_1653 : vector<8x128xf32>
    %max3A_1655 = arith.maximumf %max3A_1641, %get3A_1652 : vector<8x128xf32>
    %min3A_1656 = arith.minimumf %max3A_1641, %get3A_1652 : vector<8x128xf32>
    %max3A_1657 = arith.maximumf %max3A_1643, %min3A_1656 : vector<8x128xf32>
    %min3A_1658 = arith.minimumf %max3A_1643, %min3A_1656 : vector<8x128xf32>
    %max3A_1659 = arith.maximumf %max3A_1645, %min3A_1658 : vector<8x128xf32>
    %min3A_1660 = arith.minimumf %max3A_1645, %min3A_1658 : vector<8x128xf32>
    %max3A_1661 = arith.maximumf %max3A_1647, %min3A_1660 : vector<8x128xf32>
    %min3A_1662 = arith.minimumf %max3A_1647, %min3A_1660 : vector<8x128xf32>
    %max3A_1663 = arith.maximumf %max3A_1649, %min3A_1662 : vector<8x128xf32>
    %get3A_1664 = arith.constant 0 : index
    %get3A_1665 = arith.constant 15232 : index
    %get3A_1666 = vector.load %arg1[%get3A_1664, %get3A_1665] : memref<8x32768xf32, #tpu.memory_space<vmem>>, vector<8x128xf32>
    %exp3A_1667 = math.exp %get3A_1666 : vector<8x128xf32>
    %add3A_1668 = arith.addf %add3A_1654, %exp3A_1667 : vector<8x128xf32>
    %max3A_1669 = arith.maximumf %max3A_1655, %get3A_1666 : vector<8x128xf32>
    %min3A_1670 = arith.minimumf %max3A_1655, %get3A_1666 : vector<8x128xf32>
    %max3A_1671 = arith.maximumf %max3A_1657, %min3A_1670 : vector<8x128xf32>
    %min3A_1672 = arith.minimumf %max3A_1657, %min3A_1670 : vector<8x128xf32>
    %max3A_1673 = arith.maximumf %max3A_1659, %min3A_1672 : vector<8x128xf32>
    %min3A_1674 = arith.minimumf %max3A_1659, %min3A_1672 : vector<8x128xf32>
    %max3A_1675 = arith.maximumf %max3A_1661, %min3A_1674 : vector<8x128xf32>
    %min3A_1676 = arith.minimumf %max3A_1661, %min3A_1674 : vector<8x128xf32>
    %max3A_1677 = arith.maximumf %max3A_1663, %min3A_1676 : vector<8x128xf32>
    %get3A_1678 = arith.constant 0 : index
    %get3A_1679 = arith.constant 15360 : index
    %get3A_1680 = vector.load %arg1[%get3A_1678, %get3A_1679] : memref<8x32768xf32, #tpu.memory_space<vmem>>, vector<8x128xf32>
    %exp3A_1681 = math.exp %get3A_1680 : vector<8x128xf32>
    %add3A_1682 = arith.addf %add3A_1668, %exp3A_1681 : vector<8x128xf32>
    %max3A_1683 = arith.maximumf %max3A_1669, %get3A_1680 : vector<8x128xf32>
    %min3A_1684 = arith.minimumf %max3A_1669, %get3A_1680 : vector<8x128xf32>
    %max3A_1685 = arith.maximumf %max3A_1671, %min3A_1684 : vector<8x128xf32>
    %min3A_1686 = arith.minimumf %max3A_1671, %min3A_1684 : vector<8x128xf32>
    %max3A_1687 = arith.maximumf %max3A_1673, %min3A_1686 : vector<8x128xf32>
    %min3A_1688 = arith.minimumf %max3A_1673, %min3A_1686 : vector<8x128xf32>
    %max3A_1689 = arith.maximumf %max3A_1675, %min3A_1688 : vector<8x128xf32>
    %min3A_1690 = arith.minimumf %max3A_1675, %min3A_1688 : vector<8x128xf32>
    %max3A_1691 = arith.maximumf %max3A_1677, %min3A_1690 : vector<8x128xf32>
    %get3A_1692 = arith.constant 0 : index
    %get3A_1693 = arith.constant 15488 : index
    %get3A_1694 = vector.load %arg1[%get3A_1692, %get3A_1693] : memref<8x32768xf32, #tpu.memory_space<vmem>>, vector<8x128xf32>
    %exp3A_1695 = math.exp %get3A_1694 : vector<8x128xf32>
    %add3A_1696 = arith.addf %add3A_1682, %exp3A_1695 : vector<8x128xf32>
    %max3A_1697 = arith.maximumf %max3A_1683, %get3A_1694 : vector<8x128xf32>
    %min3A_1698 = arith.minimumf %max3A_1683, %get3A_1694 : vector<8x128xf32>
    %max3A_1699 = arith.maximumf %max3A_1685, %min3A_1698 : vector<8x128xf32>
    %min3A_1700 = arith.minimumf %max3A_1685, %min3A_1698 : vector<8x128xf32>
    %max3A_1701 = arith.maximumf %max3A_1687, %min3A_1700 : vector<8x128xf32>
    %min3A_1702 = arith.minimumf %max3A_1687, %min3A_1700 : vector<8x128xf32>
    %max3A_1703 = arith.maximumf %max3A_1689, %min3A_1702 : vector<8x128xf32>
    %min3A_1704 = arith.minimumf %max3A_1689, %min3A_1702 : vector<8x128xf32>
    %max3A_1705 = arith.maximumf %max3A_1691, %min3A_1704 : vector<8x128xf32>
    %get3A_1706 = arith.constant 0 : index
    %get3A_1707 = arith.constant 15616 : index
    %get3A_1708 = vector.load %arg1[%get3A_1706, %get3A_1707] : memref<8x32768xf32, #tpu.memory_space<vmem>>, vector<8x128xf32>
    %exp3A_1709 = math.exp %get3A_1708 : vector<8x128xf32>
    %add3A_1710 = arith.addf %add3A_1696, %exp3A_1709 : vector<8x128xf32>
    %max3A_1711 = arith.maximumf %max3A_1697, %get3A_1708 : vector<8x128xf32>
    %min3A_1712 = arith.minimumf %max3A_1697, %get3A_1708 : vector<8x128xf32>
    %max3A_1713 = arith.maximumf %max3A_1699, %min3A_1712 : vector<8x128xf32>
    %min3A_1714 = arith.minimumf %max3A_1699, %min3A_1712 : vector<8x128xf32>
    %max3A_1715 = arith.maximumf %max3A_1701, %min3A_1714 : vector<8x128xf32>
    %min3A_1716 = arith.minimumf %max3A_1701, %min3A_1714 : vector<8x128xf32>
    %max3A_1717 = arith.maximumf %max3A_1703, %min3A_1716 : vector<8x128xf32>
    %min3A_1718 = arith.minimumf %max3A_1703, %min3A_1716 : vector<8x128xf32>
    %max3A_1719 = arith.maximumf %max3A_1705, %min3A_1718 : vector<8x128xf32>
    %get3A_1720 = arith.constant 0 : index
    %get3A_1721 = arith.constant 15744 : index
    %get3A_1722 = vector.load %arg1[%get3A_1720, %get3A_1721] : memref<8x32768xf32, #tpu.memory_space<vmem>>, vector<8x128xf32>
    %exp3A_1723 = math.exp %get3A_1722 : vector<8x128xf32>
    %add3A_1724 = arith.addf %add3A_1710, %exp3A_1723 : vector<8x128xf32>
    %max3A_1725 = arith.maximumf %max3A_1711, %get3A_1722 : vector<8x128xf32>
    %min3A_1726 = arith.minimumf %max3A_1711, %get3A_1722 : vector<8x128xf32>
    %max3A_1727 = arith.maximumf %max3A_1713, %min3A_1726 : vector<8x128xf32>
    %min3A_1728 = arith.minimumf %max3A_1713, %min3A_1726 : vector<8x128xf32>
    %max3A_1729 = arith.maximumf %max3A_1715, %min3A_1728 : vector<8x128xf32>
    %min3A_1730 = arith.minimumf %max3A_1715, %min3A_1728 : vector<8x128xf32>
    %max3A_1731 = arith.maximumf %max3A_1717, %min3A_1730 : vector<8x128xf32>
    %min3A_1732 = arith.minimumf %max3A_1717, %min3A_1730 : vector<8x128xf32>
    %max3A_1733 = arith.maximumf %max3A_1719, %min3A_1732 : vector<8x128xf32>
    %get3A_1734 = arith.constant 0 : index
    %get3A_1735 = arith.constant 15872 : index
    %get3A_1736 = vector.load %arg1[%get3A_1734, %get3A_1735] : memref<8x32768xf32, #tpu.memory_space<vmem>>, vector<8x128xf32>
    %exp3A_1737 = math.exp %get3A_1736 : vector<8x128xf32>
    %add3A_1738 = arith.addf %add3A_1724, %exp3A_1737 : vector<8x128xf32>
    %max3A_1739 = arith.maximumf %max3A_1725, %get3A_1736 : vector<8x128xf32>
    %min3A_1740 = arith.minimumf %max3A_1725, %get3A_1736 : vector<8x128xf32>
    %max3A_1741 = arith.maximumf %max3A_1727, %min3A_1740 : vector<8x128xf32>
    %min3A_1742 = arith.minimumf %max3A_1727, %min3A_1740 : vector<8x128xf32>
    %max3A_1743 = arith.maximumf %max3A_1729, %min3A_1742 : vector<8x128xf32>
    %min3A_1744 = arith.minimumf %max3A_1729, %min3A_1742 : vector<8x128xf32>
    %max3A_1745 = arith.maximumf %max3A_1731, %min3A_1744 : vector<8x128xf32>
    %min3A_1746 = arith.minimumf %max3A_1731, %min3A_1744 : vector<8x128xf32>
    %max3A_1747 = arith.maximumf %max3A_1733, %min3A_1746 : vector<8x128xf32>
    %get3A_1748 = arith.constant 0 : index
    %get3A_1749 = arith.constant 16000 : index
    %get3A_1750 = vector.load %arg1[%get3A_1748, %get3A_1749] : memref<8x32768xf32, #tpu.memory_space<vmem>>, vector<8x128xf32>
    %exp3A_1751 = math.exp %get3A_1750 : vector<8x128xf32>
    %add3A_1752 = arith.addf %add3A_1738, %exp3A_1751 : vector<8x128xf32>
    %max3A_1753 = arith.maximumf %max3A_1739, %get3A_1750 : vector<8x128xf32>
    %min3A_1754 = arith.minimumf %max3A_1739, %get3A_1750 : vector<8x128xf32>
    %max3A_1755 = arith.maximumf %max3A_1741, %min3A_1754 : vector<8x128xf32>
    %min3A_1756 = arith.minimumf %max3A_1741, %min3A_1754 : vector<8x128xf32>
    %max3A_1757 = arith.maximumf %max3A_1743, %min3A_1756 : vector<8x128xf32>
    %min3A_1758 = arith.minimumf %max3A_1743, %min3A_1756 : vector<8x128xf32>
    %max3A_1759 = arith.maximumf %max3A_1745, %min3A_1758 : vector<8x128xf32>
    %min3A_1760 = arith.minimumf %max3A_1745, %min3A_1758 : vector<8x128xf32>
    %max3A_1761 = arith.maximumf %max3A_1747, %min3A_1760 : vector<8x128xf32>
    %get3A_1762 = arith.constant 0 : index
    %get3A_1763 = arith.constant 16128 : index
    %get3A_1764 = vector.load %arg1[%get3A_1762, %get3A_1763] : memref<8x32768xf32, #tpu.memory_space<vmem>>, vector<8x128xf32>
    %exp3A_1765 = math.exp %get3A_1764 : vector<8x128xf32>
    %add3A_1766 = arith.addf %add3A_1752, %exp3A_1765 : vector<8x128xf32>
    %max3A_1767 = arith.maximumf %max3A_1753, %get3A_1764 : vector<8x128xf32>
    %min3A_1768 = arith.minimumf %max3A_1753, %get3A_1764 : vector<8x128xf32>
    %max3A_1769 = arith.maximumf %max3A_1755, %min3A_1768 : vector<8x128xf32>
    %min3A_1770 = arith.minimumf %max3A_1755, %min3A_1768 : vector<8x128xf32>
    %max3A_1771 = arith.maximumf %max3A_1757, %min3A_1770 : vector<8x128xf32>
    %min3A_1772 = arith.minimumf %max3A_1757, %min3A_1770 : vector<8x128xf32>
    %max3A_1773 = arith.maximumf %max3A_1759, %min3A_1772 : vector<8x128xf32>
    %min3A_1774 = arith.minimumf %max3A_1759, %min3A_1772 : vector<8x128xf32>
    %max3A_1775 = arith.maximumf %max3A_1761, %min3A_1774 : vector<8x128xf32>
    %get3A_1776 = arith.constant 0 : index
    %get3A_1777 = arith.constant 16256 : index
    %get3A_1778 = vector.load %arg1[%get3A_1776, %get3A_1777] : memref<8x32768xf32, #tpu.memory_space<vmem>>, vector<8x128xf32>
    %exp3A_1779 = math.exp %get3A_1778 : vector<8x128xf32>
    %add3A_1780 = arith.addf %add3A_1766, %exp3A_1779 : vector<8x128xf32>
    %max3A_1781 = arith.maximumf %max3A_1767, %get3A_1778 : vector<8x128xf32>
    %min3A_1782 = arith.minimumf %max3A_1767, %get3A_1778 : vector<8x128xf32>
    %max3A_1783 = arith.maximumf %max3A_1769, %min3A_1782 : vector<8x128xf32>
    %min3A_1784 = arith.minimumf %max3A_1769, %min3A_1782 : vector<8x128xf32>
    %max3A_1785 = arith.maximumf %max3A_1771, %min3A_1784 : vector<8x128xf32>
    %min3A_1786 = arith.minimumf %max3A_1771, %min3A_1784 : vector<8x128xf32>
    %max3A_1787 = arith.maximumf %max3A_1773, %min3A_1786 : vector<8x128xf32>
    %min3A_1788 = arith.minimumf %max3A_1773, %min3A_1786 : vector<8x128xf32>
    %max3A_1789 = arith.maximumf %max3A_1775, %min3A_1788 : vector<8x128xf32>
    %get3A_1790 = arith.constant 0 : index
    %get3A_1791 = arith.constant 16384 : index
    %get3A_1792 = vector.load %arg1[%get3A_1790, %get3A_1791] : memref<8x32768xf32, #tpu.memory_space<vmem>>, vector<8x128xf32>
    %exp3A_1793 = math.exp %get3A_1792 : vector<8x128xf32>
    %add3A_1794 = arith.addf %add3A_1780, %exp3A_1793 : vector<8x128xf32>
    %max3A_1795 = arith.maximumf %max3A_1781, %get3A_1792 : vector<8x128xf32>
    %min3A_1796 = arith.minimumf %max3A_1781, %get3A_1792 : vector<8x128xf32>
    %max3A_1797 = arith.maximumf %max3A_1783, %min3A_1796 : vector<8x128xf32>
    %min3A_1798 = arith.minimumf %max3A_1783, %min3A_1796 : vector<8x128xf32>
    %max3A_1799 = arith.maximumf %max3A_1785, %min3A_1798 : vector<8x128xf32>
    %min3A_1800 = arith.minimumf %max3A_1785, %min3A_1798 : vector<8x128xf32>
    %max3A_1801 = arith.maximumf %max3A_1787, %min3A_1800 : vector<8x128xf32>
    %min3A_1802 = arith.minimumf %max3A_1787, %min3A_1800 : vector<8x128xf32>
    %max3A_1803 = arith.maximumf %max3A_1789, %min3A_1802 : vector<8x128xf32>
    %get3A_1804 = arith.constant 0 : index
    %get3A_1805 = arith.constant 16512 : index
    %get3A_1806 = vector.load %arg1[%get3A_1804, %get3A_1805] : memref<8x32768xf32, #tpu.memory_space<vmem>>, vector<8x128xf32>
    %exp3A_1807 = math.exp %get3A_1806 : vector<8x128xf32>
    %add3A_1808 = arith.addf %add3A_1794, %exp3A_1807 : vector<8x128xf32>
    %max3A_1809 = arith.maximumf %max3A_1795, %get3A_1806 : vector<8x128xf32>
    %min3A_1810 = arith.minimumf %max3A_1795, %get3A_1806 : vector<8x128xf32>
    %max3A_1811 = arith.maximumf %max3A_1797, %min3A_1810 : vector<8x128xf32>
    %min3A_1812 = arith.minimumf %max3A_1797, %min3A_1810 : vector<8x128xf32>
    %max3A_1813 = arith.maximumf %max3A_1799, %min3A_1812 : vector<8x128xf32>
    %min3A_1814 = arith.minimumf %max3A_1799, %min3A_1812 : vector<8x128xf32>
    %max3A_1815 = arith.maximumf %max3A_1801, %min3A_1814 : vector<8x128xf32>
    %min3A_1816 = arith.minimumf %max3A_1801, %min3A_1814 : vector<8x128xf32>
    %max3A_1817 = arith.maximumf %max3A_1803, %min3A_1816 : vector<8x128xf32>
    %get3A_1818 = arith.constant 0 : index
    %get3A_1819 = arith.constant 16640 : index
    %get3A_1820 = vector.load %arg1[%get3A_1818, %get3A_1819] : memref<8x32768xf32, #tpu.memory_space<vmem>>, vector<8x128xf32>
    %exp3A_1821 = math.exp %get3A_1820 : vector<8x128xf32>
    %add3A_1822 = arith.addf %add3A_1808, %exp3A_1821 : vector<8x128xf32>
    %max3A_1823 = arith.maximumf %max3A_1809, %get3A_1820 : vector<8x128xf32>
    %min3A_1824 = arith.minimumf %max3A_1809, %get3A_1820 : vector<8x128xf32>
    %max3A_1825 = arith.maximumf %max3A_1811, %min3A_1824 : vector<8x128xf32>
    %min3A_1826 = arith.minimumf %max3A_1811, %min3A_1824 : vector<8x128xf32>
    %max3A_1827 = arith.maximumf %max3A_1813, %min3A_1826 : vector<8x128xf32>
    %min3A_1828 = arith.minimumf %max3A_1813, %min3A_1826 : vector<8x128xf32>
    %max3A_1829 = arith.maximumf %max3A_1815, %min3A_1828 : vector<8x128xf32>
    %min3A_1830 = arith.minimumf %max3A_1815, %min3A_1828 : vector<8x128xf32>
    %max3A_1831 = arith.maximumf %max3A_1817, %min3A_1830 : vector<8x128xf32>
    %get3A_1832 = arith.constant 0 : index
    %get3A_1833 = arith.constant 16768 : index
    %get3A_1834 = vector.load %arg1[%get3A_1832, %get3A_1833] : memref<8x32768xf32, #tpu.memory_space<vmem>>, vector<8x128xf32>
    %exp3A_1835 = math.exp %get3A_1834 : vector<8x128xf32>
    %add3A_1836 = arith.addf %add3A_1822, %exp3A_1835 : vector<8x128xf32>
    %max3A_1837 = arith.maximumf %max3A_1823, %get3A_1834 : vector<8x128xf32>
    %min3A_1838 = arith.minimumf %max3A_1823, %get3A_1834 : vector<8x128xf32>
    %max3A_1839 = arith.maximumf %max3A_1825, %min3A_1838 : vector<8x128xf32>
    %min3A_1840 = arith.minimumf %max3A_1825, %min3A_1838 : vector<8x128xf32>
    %max3A_1841 = arith.maximumf %max3A_1827, %min3A_1840 : vector<8x128xf32>
    %min3A_1842 = arith.minimumf %max3A_1827, %min3A_1840 : vector<8x128xf32>
    %max3A_1843 = arith.maximumf %max3A_1829, %min3A_1842 : vector<8x128xf32>
    %min3A_1844 = arith.minimumf %max3A_1829, %min3A_1842 : vector<8x128xf32>
    %max3A_1845 = arith.maximumf %max3A_1831, %min3A_1844 : vector<8x128xf32>
    %get3A_1846 = arith.constant 0 : index
    %get3A_1847 = arith.constant 16896 : index
    %get3A_1848 = vector.load %arg1[%get3A_1846, %get3A_1847] : memref<8x32768xf32, #tpu.memory_space<vmem>>, vector<8x128xf32>
    %exp3A_1849 = math.exp %get3A_1848 : vector<8x128xf32>
    %add3A_1850 = arith.addf %add3A_1836, %exp3A_1849 : vector<8x128xf32>
    %max3A_1851 = arith.maximumf %max3A_1837, %get3A_1848 : vector<8x128xf32>
    %min3A_1852 = arith.minimumf %max3A_1837, %get3A_1848 : vector<8x128xf32>
    %max3A_1853 = arith.maximumf %max3A_1839, %min3A_1852 : vector<8x128xf32>
    %min3A_1854 = arith.minimumf %max3A_1839, %min3A_1852 : vector<8x128xf32>
    %max3A_1855 = arith.maximumf %max3A_1841, %min3A_1854 : vector<8x128xf32>
    %min3A_1856 = arith.minimumf %max3A_1841, %min3A_1854 : vector<8x128xf32>
    %max3A_1857 = arith.maximumf %max3A_1843, %min3A_1856 : vector<8x128xf32>
    %min3A_1858 = arith.minimumf %max3A_1843, %min3A_1856 : vector<8x128xf32>
    %max3A_1859 = arith.maximumf %max3A_1845, %min3A_1858 : vector<8x128xf32>
    %get3A_1860 = arith.constant 0 : index
    %get3A_1861 = arith.constant 17024 : index
    %get3A_1862 = vector.load %arg1[%get3A_1860, %get3A_1861] : memref<8x32768xf32, #tpu.memory_space<vmem>>, vector<8x128xf32>
    %exp3A_1863 = math.exp %get3A_1862 : vector<8x128xf32>
    %add3A_1864 = arith.addf %add3A_1850, %exp3A_1863 : vector<8x128xf32>
    %max3A_1865 = arith.maximumf %max3A_1851, %get3A_1862 : vector<8x128xf32>
    %min3A_1866 = arith.minimumf %max3A_1851, %get3A_1862 : vector<8x128xf32>
    %max3A_1867 = arith.maximumf %max3A_1853, %min3A_1866 : vector<8x128xf32>
    %min3A_1868 = arith.minimumf %max3A_1853, %min3A_1866 : vector<8x128xf32>
    %max3A_1869 = arith.maximumf %max3A_1855, %min3A_1868 : vector<8x128xf32>
    %min3A_1870 = arith.minimumf %max3A_1855, %min3A_1868 : vector<8x128xf32>
    %max3A_1871 = arith.maximumf %max3A_1857, %min3A_1870 : vector<8x128xf32>
    %min3A_1872 = arith.minimumf %max3A_1857, %min3A_1870 : vector<8x128xf32>
    %max3A_1873 = arith.maximumf %max3A_1859, %min3A_1872 : vector<8x128xf32>
    %get3A_1874 = arith.constant 0 : index
    %get3A_1875 = arith.constant 17152 : index
    %get3A_1876 = vector.load %arg1[%get3A_1874, %get3A_1875] : memref<8x32768xf32, #tpu.memory_space<vmem>>, vector<8x128xf32>
    %exp3A_1877 = math.exp %get3A_1876 : vector<8x128xf32>
    %add3A_1878 = arith.addf %add3A_1864, %exp3A_1877 : vector<8x128xf32>
    %max3A_1879 = arith.maximumf %max3A_1865, %get3A_1876 : vector<8x128xf32>
    %min3A_1880 = arith.minimumf %max3A_1865, %get3A_1876 : vector<8x128xf32>
    %max3A_1881 = arith.maximumf %max3A_1867, %min3A_1880 : vector<8x128xf32>
    %min3A_1882 = arith.minimumf %max3A_1867, %min3A_1880 : vector<8x128xf32>
    %max3A_1883 = arith.maximumf %max3A_1869, %min3A_1882 : vector<8x128xf32>
    %min3A_1884 = arith.minimumf %max3A_1869, %min3A_1882 : vector<8x128xf32>
    %max3A_1885 = arith.maximumf %max3A_1871, %min3A_1884 : vector<8x128xf32>
    %min3A_1886 = arith.minimumf %max3A_1871, %min3A_1884 : vector<8x128xf32>
    %max3A_1887 = arith.maximumf %max3A_1873, %min3A_1886 : vector<8x128xf32>
    %get3A_1888 = arith.constant 0 : index
    %get3A_1889 = arith.constant 17280 : index
    %get3A_1890 = vector.load %arg1[%get3A_1888, %get3A_1889] : memref<8x32768xf32, #tpu.memory_space<vmem>>, vector<8x128xf32>
    %exp3A_1891 = math.exp %get3A_1890 : vector<8x128xf32>
    %add3A_1892 = arith.addf %add3A_1878, %exp3A_1891 : vector<8x128xf32>
    %max3A_1893 = arith.maximumf %max3A_1879, %get3A_1890 : vector<8x128xf32>
    %min3A_1894 = arith.minimumf %max3A_1879, %get3A_1890 : vector<8x128xf32>
    %max3A_1895 = arith.maximumf %max3A_1881, %min3A_1894 : vector<8x128xf32>
    %min3A_1896 = arith.minimumf %max3A_1881, %min3A_1894 : vector<8x128xf32>
    %max3A_1897 = arith.maximumf %max3A_1883, %min3A_1896 : vector<8x128xf32>
    %min3A_1898 = arith.minimumf %max3A_1883, %min3A_1896 : vector<8x128xf32>
    %max3A_1899 = arith.maximumf %max3A_1885, %min3A_1898 : vector<8x128xf32>
    %min3A_1900 = arith.minimumf %max3A_1885, %min3A_1898 : vector<8x128xf32>
    %max3A_1901 = arith.maximumf %max3A_1887, %min3A_1900 : vector<8x128xf32>
    %get3A_1902 = arith.constant 0 : index
    %get3A_1903 = arith.constant 17408 : index
    %get3A_1904 = vector.load %arg1[%get3A_1902, %get3A_1903] : memref<8x32768xf32, #tpu.memory_space<vmem>>, vector<8x128xf32>
    %exp3A_1905 = math.exp %get3A_1904 : vector<8x128xf32>
    %add3A_1906 = arith.addf %add3A_1892, %exp3A_1905 : vector<8x128xf32>
    %max3A_1907 = arith.maximumf %max3A_1893, %get3A_1904 : vector<8x128xf32>
    %min3A_1908 = arith.minimumf %max3A_1893, %get3A_1904 : vector<8x128xf32>
    %max3A_1909 = arith.maximumf %max3A_1895, %min3A_1908 : vector<8x128xf32>
    %min3A_1910 = arith.minimumf %max3A_1895, %min3A_1908 : vector<8x128xf32>
    %max3A_1911 = arith.maximumf %max3A_1897, %min3A_1910 : vector<8x128xf32>
    %min3A_1912 = arith.minimumf %max3A_1897, %min3A_1910 : vector<8x128xf32>
    %max3A_1913 = arith.maximumf %max3A_1899, %min3A_1912 : vector<8x128xf32>
    %min3A_1914 = arith.minimumf %max3A_1899, %min3A_1912 : vector<8x128xf32>
    %max3A_1915 = arith.maximumf %max3A_1901, %min3A_1914 : vector<8x128xf32>
    %get3A_1916 = arith.constant 0 : index
    %get3A_1917 = arith.constant 17536 : index
    %get3A_1918 = vector.load %arg1[%get3A_1916, %get3A_1917] : memref<8x32768xf32, #tpu.memory_space<vmem>>, vector<8x128xf32>
    %exp3A_1919 = math.exp %get3A_1918 : vector<8x128xf32>
    %add3A_1920 = arith.addf %add3A_1906, %exp3A_1919 : vector<8x128xf32>
    %max3A_1921 = arith.maximumf %max3A_1907, %get3A_1918 : vector<8x128xf32>
    %min3A_1922 = arith.minimumf %max3A_1907, %get3A_1918 : vector<8x128xf32>
    %max3A_1923 = arith.maximumf %max3A_1909, %min3A_1922 : vector<8x128xf32>
    %min3A_1924 = arith.minimumf %max3A_1909, %min3A_1922 : vector<8x128xf32>
    %max3A_1925 = arith.maximumf %max3A_1911, %min3A_1924 : vector<8x128xf32>
    %min3A_1926 = arith.minimumf %max3A_1911, %min3A_1924 : vector<8x128xf32>
    %max3A_1927 = arith.maximumf %max3A_1913, %min3A_1926 : vector<8x128xf32>
    %min3A_1928 = arith.minimumf %max3A_1913, %min3A_1926 : vector<8x128xf32>
    %max3A_1929 = arith.maximumf %max3A_1915, %min3A_1928 : vector<8x128xf32>
    %get3A_1930 = arith.constant 0 : index
    %get3A_1931 = arith.constant 17664 : index
    %get3A_1932 = vector.load %arg1[%get3A_1930, %get3A_1931] : memref<8x32768xf32, #tpu.memory_space<vmem>>, vector<8x128xf32>
    %exp3A_1933 = math.exp %get3A_1932 : vector<8x128xf32>
    %add3A_1934 = arith.addf %add3A_1920, %exp3A_1933 : vector<8x128xf32>
    %max3A_1935 = arith.maximumf %max3A_1921, %get3A_1932 : vector<8x128xf32>
    %min3A_1936 = arith.minimumf %max3A_1921, %get3A_1932 : vector<8x128xf32>
    %max3A_1937 = arith.maximumf %max3A_1923, %min3A_1936 : vector<8x128xf32>
    %min3A_1938 = arith.minimumf %max3A_1923, %min3A_1936 : vector<8x128xf32>
    %max3A_1939 = arith.maximumf %max3A_1925, %min3A_1938 : vector<8x128xf32>
    %min3A_1940 = arith.minimumf %max3A_1925, %min3A_1938 : vector<8x128xf32>
    %max3A_1941 = arith.maximumf %max3A_1927, %min3A_1940 : vector<8x128xf32>
    %min3A_1942 = arith.minimumf %max3A_1927, %min3A_1940 : vector<8x128xf32>
    %max3A_1943 = arith.maximumf %max3A_1929, %min3A_1942 : vector<8x128xf32>
    %get3A_1944 = arith.constant 0 : index
    %get3A_1945 = arith.constant 17792 : index
    %get3A_1946 = vector.load %arg1[%get3A_1944, %get3A_1945] : memref<8x32768xf32, #tpu.memory_space<vmem>>, vector<8x128xf32>
    %exp3A_1947 = math.exp %get3A_1946 : vector<8x128xf32>
    %add3A_1948 = arith.addf %add3A_1934, %exp3A_1947 : vector<8x128xf32>
    %max3A_1949 = arith.maximumf %max3A_1935, %get3A_1946 : vector<8x128xf32>
    %min3A_1950 = arith.minimumf %max3A_1935, %get3A_1946 : vector<8x128xf32>
    %max3A_1951 = arith.maximumf %max3A_1937, %min3A_1950 : vector<8x128xf32>
    %min3A_1952 = arith.minimumf %max3A_1937, %min3A_1950 : vector<8x128xf32>
    %max3A_1953 = arith.maximumf %max3A_1939, %min3A_1952 : vector<8x128xf32>
    %min3A_1954 = arith.minimumf %max3A_1939, %min3A_1952 : vector<8x128xf32>
    %max3A_1955 = arith.maximumf %max3A_1941, %min3A_1954 : vector<8x128xf32>
    %min3A_1956 = arith.minimumf %max3A_1941, %min3A_1954 : vector<8x128xf32>
    %max3A_1957 = arith.maximumf %max3A_1943, %min3A_1956 : vector<8x128xf32>
    %get3A_1958 = arith.constant 0 : index
    %get3A_1959 = arith.constant 17920 : index
    %get3A_1960 = vector.load %arg1[%get3A_1958, %get3A_1959] : memref<8x32768xf32, #tpu.memory_space<vmem>>, vector<8x128xf32>
    %exp3A_1961 = math.exp %get3A_1960 : vector<8x128xf32>
    %add3A_1962 = arith.addf %add3A_1948, %exp3A_1961 : vector<8x128xf32>
    %max3A_1963 = arith.maximumf %max3A_1949, %get3A_1960 : vector<8x128xf32>
    %min3A_1964 = arith.minimumf %max3A_1949, %get3A_1960 : vector<8x128xf32>
    %max3A_1965 = arith.maximumf %max3A_1951, %min3A_1964 : vector<8x128xf32>
    %min3A_1966 = arith.minimumf %max3A_1951, %min3A_1964 : vector<8x128xf32>
    %max3A_1967 = arith.maximumf %max3A_1953, %min3A_1966 : vector<8x128xf32>
    %min3A_1968 = arith.minimumf %max3A_1953, %min3A_1966 : vector<8x128xf32>
    %max3A_1969 = arith.maximumf %max3A_1955, %min3A_1968 : vector<8x128xf32>
    %min3A_1970 = arith.minimumf %max3A_1955, %min3A_1968 : vector<8x128xf32>
    %max3A_1971 = arith.maximumf %max3A_1957, %min3A_1970 : vector<8x128xf32>
    %get3A_1972 = arith.constant 0 : index
    %get3A_1973 = arith.constant 18048 : index
    %get3A_1974 = vector.load %arg1[%get3A_1972, %get3A_1973] : memref<8x32768xf32, #tpu.memory_space<vmem>>, vector<8x128xf32>
    %exp3A_1975 = math.exp %get3A_1974 : vector<8x128xf32>
    %add3A_1976 = arith.addf %add3A_1962, %exp3A_1975 : vector<8x128xf32>
    %max3A_1977 = arith.maximumf %max3A_1963, %get3A_1974 : vector<8x128xf32>
    %min3A_1978 = arith.minimumf %max3A_1963, %get3A_1974 : vector<8x128xf32>
    %max3A_1979 = arith.maximumf %max3A_1965, %min3A_1978 : vector<8x128xf32>
    %min3A_1980 = arith.minimumf %max3A_1965, %min3A_1978 : vector<8x128xf32>
    %max3A_1981 = arith.maximumf %max3A_1967, %min3A_1980 : vector<8x128xf32>
    %min3A_1982 = arith.minimumf %max3A_1967, %min3A_1980 : vector<8x128xf32>
    %max3A_1983 = arith.maximumf %max3A_1969, %min3A_1982 : vector<8x128xf32>
    %min3A_1984 = arith.minimumf %max3A_1969, %min3A_1982 : vector<8x128xf32>
    %max3A_1985 = arith.maximumf %max3A_1971, %min3A_1984 : vector<8x128xf32>
    %get3A_1986 = arith.constant 0 : index
    %get3A_1987 = arith.constant 18176 : index
    %get3A_1988 = vector.load %arg1[%get3A_1986, %get3A_1987] : memref<8x32768xf32, #tpu.memory_space<vmem>>, vector<8x128xf32>
    %exp3A_1989 = math.exp %get3A_1988 : vector<8x128xf32>
    %add3A_1990 = arith.addf %add3A_1976, %exp3A_1989 : vector<8x128xf32>
    %max3A_1991 = arith.maximumf %max3A_1977, %get3A_1988 : vector<8x128xf32>
    %min3A_1992 = arith.minimumf %max3A_1977, %get3A_1988 : vector<8x128xf32>
    %max3A_1993 = arith.maximumf %max3A_1979, %min3A_1992 : vector<8x128xf32>
    %min3A_1994 = arith.minimumf %max3A_1979, %min3A_1992 : vector<8x128xf32>
    %max3A_1995 = arith.maximumf %max3A_1981, %min3A_1994 : vector<8x128xf32>
    %min3A_1996 = arith.minimumf %max3A_1981, %min3A_1994 : vector<8x128xf32>
    %max3A_1997 = arith.maximumf %max3A_1983, %min3A_1996 : vector<8x128xf32>
    %min3A_1998 = arith.minimumf %max3A_1983, %min3A_1996 : vector<8x128xf32>
    %max3A_1999 = arith.maximumf %max3A_1985, %min3A_1998 : vector<8x128xf32>
    %get3A_2000 = arith.constant 0 : index
    %get3A_2001 = arith.constant 18304 : index
    %get3A_2002 = vector.load %arg1[%get3A_2000, %get3A_2001] : memref<8x32768xf32, #tpu.memory_space<vmem>>, vector<8x128xf32>
    %exp3A_2003 = math.exp %get3A_2002 : vector<8x128xf32>
    %add3A_2004 = arith.addf %add3A_1990, %exp3A_2003 : vector<8x128xf32>
    %max3A_2005 = arith.maximumf %max3A_1991, %get3A_2002 : vector<8x128xf32>
    %min3A_2006 = arith.minimumf %max3A_1991, %get3A_2002 : vector<8x128xf32>
    %max3A_2007 = arith.maximumf %max3A_1993, %min3A_2006 : vector<8x128xf32>
    %min3A_2008 = arith.minimumf %max3A_1993, %min3A_2006 : vector<8x128xf32>
    %max3A_2009 = arith.maximumf %max3A_1995, %min3A_2008 : vector<8x128xf32>
    %min3A_2010 = arith.minimumf %max3A_1995, %min3A_2008 : vector<8x128xf32>
    %max3A_2011 = arith.maximumf %max3A_1997, %min3A_2010 : vector<8x128xf32>
    %min3A_2012 = arith.minimumf %max3A_1997, %min3A_2010 : vector<8x128xf32>
    %max3A_2013 = arith.maximumf %max3A_1999, %min3A_2012 : vector<8x128xf32>
    %get3A_2014 = arith.constant 0 : index
    %get3A_2015 = arith.constant 18432 : index
    %get3A_2016 = vector.load %arg1[%get3A_2014, %get3A_2015] : memref<8x32768xf32, #tpu.memory_space<vmem>>, vector<8x128xf32>
    %exp3A_2017 = math.exp %get3A_2016 : vector<8x128xf32>
    %add3A_2018 = arith.addf %add3A_2004, %exp3A_2017 : vector<8x128xf32>
    %max3A_2019 = arith.maximumf %max3A_2005, %get3A_2016 : vector<8x128xf32>
    %min3A_2020 = arith.minimumf %max3A_2005, %get3A_2016 : vector<8x128xf32>
    %max3A_2021 = arith.maximumf %max3A_2007, %min3A_2020 : vector<8x128xf32>
    %min3A_2022 = arith.minimumf %max3A_2007, %min3A_2020 : vector<8x128xf32>
    %max3A_2023 = arith.maximumf %max3A_2009, %min3A_2022 : vector<8x128xf32>
    %min3A_2024 = arith.minimumf %max3A_2009, %min3A_2022 : vector<8x128xf32>
    %max3A_2025 = arith.maximumf %max3A_2011, %min3A_2024 : vector<8x128xf32>
    %min3A_2026 = arith.minimumf %max3A_2011, %min3A_2024 : vector<8x128xf32>
    %max3A_2027 = arith.maximumf %max3A_2013, %min3A_2026 : vector<8x128xf32>
    %get3A_2028 = arith.constant 0 : index
    %get3A_2029 = arith.constant 18560 : index
    %get3A_2030 = vector.load %arg1[%get3A_2028, %get3A_2029] : memref<8x32768xf32, #tpu.memory_space<vmem>>, vector<8x128xf32>
    %exp3A_2031 = math.exp %get3A_2030 : vector<8x128xf32>
    %add3A_2032 = arith.addf %add3A_2018, %exp3A_2031 : vector<8x128xf32>
    %max3A_2033 = arith.maximumf %max3A_2019, %get3A_2030 : vector<8x128xf32>
    %min3A_2034 = arith.minimumf %max3A_2019, %get3A_2030 : vector<8x128xf32>
    %max3A_2035 = arith.maximumf %max3A_2021, %min3A_2034 : vector<8x128xf32>
    %min3A_2036 = arith.minimumf %max3A_2021, %min3A_2034 : vector<8x128xf32>
    %max3A_2037 = arith.maximumf %max3A_2023, %min3A_2036 : vector<8x128xf32>
    %min3A_2038 = arith.minimumf %max3A_2023, %min3A_2036 : vector<8x128xf32>
    %max3A_2039 = arith.maximumf %max3A_2025, %min3A_2038 : vector<8x128xf32>
    %min3A_2040 = arith.minimumf %max3A_2025, %min3A_2038 : vector<8x128xf32>
    %max3A_2041 = arith.maximumf %max3A_2027, %min3A_2040 : vector<8x128xf32>
    %get3A_2042 = arith.constant 0 : index
    %get3A_2043 = arith.constant 18688 : index
    %get3A_2044 = vector.load %arg1[%get3A_2042, %get3A_2043] : memref<8x32768xf32, #tpu.memory_space<vmem>>, vector<8x128xf32>
    %exp3A_2045 = math.exp %get3A_2044 : vector<8x128xf32>
    %add3A_2046 = arith.addf %add3A_2032, %exp3A_2045 : vector<8x128xf32>
    %max3A_2047 = arith.maximumf %max3A_2033, %get3A_2044 : vector<8x128xf32>
    %min3A_2048 = arith.minimumf %max3A_2033, %get3A_2044 : vector<8x128xf32>
    %max3A_2049 = arith.maximumf %max3A_2035, %min3A_2048 : vector<8x128xf32>
    %min3A_2050 = arith.minimumf %max3A_2035, %min3A_2048 : vector<8x128xf32>
    %max3A_2051 = arith.maximumf %max3A_2037, %min3A_2050 : vector<8x128xf32>
    %min3A_2052 = arith.minimumf %max3A_2037, %min3A_2050 : vector<8x128xf32>
    %max3A_2053 = arith.maximumf %max3A_2039, %min3A_2052 : vector<8x128xf32>
    %min3A_2054 = arith.minimumf %max3A_2039, %min3A_2052 : vector<8x128xf32>
    %max3A_2055 = arith.maximumf %max3A_2041, %min3A_2054 : vector<8x128xf32>
    %get3A_2056 = arith.constant 0 : index
    %get3A_2057 = arith.constant 18816 : index
    %get3A_2058 = vector.load %arg1[%get3A_2056, %get3A_2057] : memref<8x32768xf32, #tpu.memory_space<vmem>>, vector<8x128xf32>
    %exp3A_2059 = math.exp %get3A_2058 : vector<8x128xf32>
    %add3A_2060 = arith.addf %add3A_2046, %exp3A_2059 : vector<8x128xf32>
    %max3A_2061 = arith.maximumf %max3A_2047, %get3A_2058 : vector<8x128xf32>
    %min3A_2062 = arith.minimumf %max3A_2047, %get3A_2058 : vector<8x128xf32>
    %max3A_2063 = arith.maximumf %max3A_2049, %min3A_2062 : vector<8x128xf32>
    %min3A_2064 = arith.minimumf %max3A_2049, %min3A_2062 : vector<8x128xf32>
    %max3A_2065 = arith.maximumf %max3A_2051, %min3A_2064 : vector<8x128xf32>
    %min3A_2066 = arith.minimumf %max3A_2051, %min3A_2064 : vector<8x128xf32>
    %max3A_2067 = arith.maximumf %max3A_2053, %min3A_2066 : vector<8x128xf32>
    %min3A_2068 = arith.minimumf %max3A_2053, %min3A_2066 : vector<8x128xf32>
    %max3A_2069 = arith.maximumf %max3A_2055, %min3A_2068 : vector<8x128xf32>
    %get3A_2070 = arith.constant 0 : index
    %get3A_2071 = arith.constant 18944 : index
    %get3A_2072 = vector.load %arg1[%get3A_2070, %get3A_2071] : memref<8x32768xf32, #tpu.memory_space<vmem>>, vector<8x128xf32>
    %exp3A_2073 = math.exp %get3A_2072 : vector<8x128xf32>
    %add3A_2074 = arith.addf %add3A_2060, %exp3A_2073 : vector<8x128xf32>
    %max3A_2075 = arith.maximumf %max3A_2061, %get3A_2072 : vector<8x128xf32>
    %min3A_2076 = arith.minimumf %max3A_2061, %get3A_2072 : vector<8x128xf32>
    %max3A_2077 = arith.maximumf %max3A_2063, %min3A_2076 : vector<8x128xf32>
    %min3A_2078 = arith.minimumf %max3A_2063, %min3A_2076 : vector<8x128xf32>
    %max3A_2079 = arith.maximumf %max3A_2065, %min3A_2078 : vector<8x128xf32>
    %min3A_2080 = arith.minimumf %max3A_2065, %min3A_2078 : vector<8x128xf32>
    %max3A_2081 = arith.maximumf %max3A_2067, %min3A_2080 : vector<8x128xf32>
    %min3A_2082 = arith.minimumf %max3A_2067, %min3A_2080 : vector<8x128xf32>
    %max3A_2083 = arith.maximumf %max3A_2069, %min3A_2082 : vector<8x128xf32>
    %get3A_2084 = arith.constant 0 : index
    %get3A_2085 = arith.constant 19072 : index
    %get3A_2086 = vector.load %arg1[%get3A_2084, %get3A_2085] : memref<8x32768xf32, #tpu.memory_space<vmem>>, vector<8x128xf32>
    %exp3A_2087 = math.exp %get3A_2086 : vector<8x128xf32>
    %add3A_2088 = arith.addf %add3A_2074, %exp3A_2087 : vector<8x128xf32>
    %max3A_2089 = arith.maximumf %max3A_2075, %get3A_2086 : vector<8x128xf32>
    %min3A_2090 = arith.minimumf %max3A_2075, %get3A_2086 : vector<8x128xf32>
    %max3A_2091 = arith.maximumf %max3A_2077, %min3A_2090 : vector<8x128xf32>
    %min3A_2092 = arith.minimumf %max3A_2077, %min3A_2090 : vector<8x128xf32>
    %max3A_2093 = arith.maximumf %max3A_2079, %min3A_2092 : vector<8x128xf32>
    %min3A_2094 = arith.minimumf %max3A_2079, %min3A_2092 : vector<8x128xf32>
    %max3A_2095 = arith.maximumf %max3A_2081, %min3A_2094 : vector<8x128xf32>
    %min3A_2096 = arith.minimumf %max3A_2081, %min3A_2094 : vector<8x128xf32>
    %max3A_2097 = arith.maximumf %max3A_2083, %min3A_2096 : vector<8x128xf32>
    %get3A_2098 = arith.constant 0 : index
    %get3A_2099 = arith.constant 19200 : index
    %get3A_2100 = vector.load %arg1[%get3A_2098, %get3A_2099] : memref<8x32768xf32, #tpu.memory_space<vmem>>, vector<8x128xf32>
    %exp3A_2101 = math.exp %get3A_2100 : vector<8x128xf32>
    %add3A_2102 = arith.addf %add3A_2088, %exp3A_2101 : vector<8x128xf32>
    %max3A_2103 = arith.maximumf %max3A_2089, %get3A_2100 : vector<8x128xf32>
    %min3A_2104 = arith.minimumf %max3A_2089, %get3A_2100 : vector<8x128xf32>
    %max3A_2105 = arith.maximumf %max3A_2091, %min3A_2104 : vector<8x128xf32>
    %min3A_2106 = arith.minimumf %max3A_2091, %min3A_2104 : vector<8x128xf32>
    %max3A_2107 = arith.maximumf %max3A_2093, %min3A_2106 : vector<8x128xf32>
    %min3A_2108 = arith.minimumf %max3A_2093, %min3A_2106 : vector<8x128xf32>
    %max3A_2109 = arith.maximumf %max3A_2095, %min3A_2108 : vector<8x128xf32>
    %min3A_2110 = arith.minimumf %max3A_2095, %min3A_2108 : vector<8x128xf32>
    %max3A_2111 = arith.maximumf %max3A_2097, %min3A_2110 : vector<8x128xf32>
    %get3A_2112 = arith.constant 0 : index
    %get3A_2113 = arith.constant 19328 : index
    %get3A_2114 = vector.load %arg1[%get3A_2112, %get3A_2113] : memref<8x32768xf32, #tpu.memory_space<vmem>>, vector<8x128xf32>
    %exp3A_2115 = math.exp %get3A_2114 : vector<8x128xf32>
    %add3A_2116 = arith.addf %add3A_2102, %exp3A_2115 : vector<8x128xf32>
    %max3A_2117 = arith.maximumf %max3A_2103, %get3A_2114 : vector<8x128xf32>
    %min3A_2118 = arith.minimumf %max3A_2103, %get3A_2114 : vector<8x128xf32>
    %max3A_2119 = arith.maximumf %max3A_2105, %min3A_2118 : vector<8x128xf32>
    %min3A_2120 = arith.minimumf %max3A_2105, %min3A_2118 : vector<8x128xf32>
    %max3A_2121 = arith.maximumf %max3A_2107, %min3A_2120 : vector<8x128xf32>
    %min3A_2122 = arith.minimumf %max3A_2107, %min3A_2120 : vector<8x128xf32>
    %max3A_2123 = arith.maximumf %max3A_2109, %min3A_2122 : vector<8x128xf32>
    %min3A_2124 = arith.minimumf %max3A_2109, %min3A_2122 : vector<8x128xf32>
    %max3A_2125 = arith.maximumf %max3A_2111, %min3A_2124 : vector<8x128xf32>
    %get3A_2126 = arith.constant 0 : index
    %get3A_2127 = arith.constant 19456 : index
    %get3A_2128 = vector.load %arg1[%get3A_2126, %get3A_2127] : memref<8x32768xf32, #tpu.memory_space<vmem>>, vector<8x128xf32>
    %exp3A_2129 = math.exp %get3A_2128 : vector<8x128xf32>
    %add3A_2130 = arith.addf %add3A_2116, %exp3A_2129 : vector<8x128xf32>
    %max3A_2131 = arith.maximumf %max3A_2117, %get3A_2128 : vector<8x128xf32>
    %min3A_2132 = arith.minimumf %max3A_2117, %get3A_2128 : vector<8x128xf32>
    %max3A_2133 = arith.maximumf %max3A_2119, %min3A_2132 : vector<8x128xf32>
    %min3A_2134 = arith.minimumf %max3A_2119, %min3A_2132 : vector<8x128xf32>
    %max3A_2135 = arith.maximumf %max3A_2121, %min3A_2134 : vector<8x128xf32>
    %min3A_2136 = arith.minimumf %max3A_2121, %min3A_2134 : vector<8x128xf32>
    %max3A_2137 = arith.maximumf %max3A_2123, %min3A_2136 : vector<8x128xf32>
    %min3A_2138 = arith.minimumf %max3A_2123, %min3A_2136 : vector<8x128xf32>
    %max3A_2139 = arith.maximumf %max3A_2125, %min3A_2138 : vector<8x128xf32>
    %get3A_2140 = arith.constant 0 : index
    %get3A_2141 = arith.constant 19584 : index
    %get3A_2142 = vector.load %arg1[%get3A_2140, %get3A_2141] : memref<8x32768xf32, #tpu.memory_space<vmem>>, vector<8x128xf32>
    %exp3A_2143 = math.exp %get3A_2142 : vector<8x128xf32>
    %add3A_2144 = arith.addf %add3A_2130, %exp3A_2143 : vector<8x128xf32>
    %max3A_2145 = arith.maximumf %max3A_2131, %get3A_2142 : vector<8x128xf32>
    %min3A_2146 = arith.minimumf %max3A_2131, %get3A_2142 : vector<8x128xf32>
    %max3A_2147 = arith.maximumf %max3A_2133, %min3A_2146 : vector<8x128xf32>
    %min3A_2148 = arith.minimumf %max3A_2133, %min3A_2146 : vector<8x128xf32>
    %max3A_2149 = arith.maximumf %max3A_2135, %min3A_2148 : vector<8x128xf32>
    %min3A_2150 = arith.minimumf %max3A_2135, %min3A_2148 : vector<8x128xf32>
    %max3A_2151 = arith.maximumf %max3A_2137, %min3A_2150 : vector<8x128xf32>
    %min3A_2152 = arith.minimumf %max3A_2137, %min3A_2150 : vector<8x128xf32>
    %max3A_2153 = arith.maximumf %max3A_2139, %min3A_2152 : vector<8x128xf32>
    %get3A_2154 = arith.constant 0 : index
    %get3A_2155 = arith.constant 19712 : index
    %get3A_2156 = vector.load %arg1[%get3A_2154, %get3A_2155] : memref<8x32768xf32, #tpu.memory_space<vmem>>, vector<8x128xf32>
    %exp3A_2157 = math.exp %get3A_2156 : vector<8x128xf32>
    %add3A_2158 = arith.addf %add3A_2144, %exp3A_2157 : vector<8x128xf32>
    %max3A_2159 = arith.maximumf %max3A_2145, %get3A_2156 : vector<8x128xf32>
    %min3A_2160 = arith.minimumf %max3A_2145, %get3A_2156 : vector<8x128xf32>
    %max3A_2161 = arith.maximumf %max3A_2147, %min3A_2160 : vector<8x128xf32>
    %min3A_2162 = arith.minimumf %max3A_2147, %min3A_2160 : vector<8x128xf32>
    %max3A_2163 = arith.maximumf %max3A_2149, %min3A_2162 : vector<8x128xf32>
    %min3A_2164 = arith.minimumf %max3A_2149, %min3A_2162 : vector<8x128xf32>
    %max3A_2165 = arith.maximumf %max3A_2151, %min3A_2164 : vector<8x128xf32>
    %min3A_2166 = arith.minimumf %max3A_2151, %min3A_2164 : vector<8x128xf32>
    %max3A_2167 = arith.maximumf %max3A_2153, %min3A_2166 : vector<8x128xf32>
    %get3A_2168 = arith.constant 0 : index
    %get3A_2169 = arith.constant 19840 : index
    %get3A_2170 = vector.load %arg1[%get3A_2168, %get3A_2169] : memref<8x32768xf32, #tpu.memory_space<vmem>>, vector<8x128xf32>
    %exp3A_2171 = math.exp %get3A_2170 : vector<8x128xf32>
    %add3A_2172 = arith.addf %add3A_2158, %exp3A_2171 : vector<8x128xf32>
    %max3A_2173 = arith.maximumf %max3A_2159, %get3A_2170 : vector<8x128xf32>
    %min3A_2174 = arith.minimumf %max3A_2159, %get3A_2170 : vector<8x128xf32>
    %max3A_2175 = arith.maximumf %max3A_2161, %min3A_2174 : vector<8x128xf32>
    %min3A_2176 = arith.minimumf %max3A_2161, %min3A_2174 : vector<8x128xf32>
    %max3A_2177 = arith.maximumf %max3A_2163, %min3A_2176 : vector<8x128xf32>
    %min3A_2178 = arith.minimumf %max3A_2163, %min3A_2176 : vector<8x128xf32>
    %max3A_2179 = arith.maximumf %max3A_2165, %min3A_2178 : vector<8x128xf32>
    %min3A_2180 = arith.minimumf %max3A_2165, %min3A_2178 : vector<8x128xf32>
    %max3A_2181 = arith.maximumf %max3A_2167, %min3A_2180 : vector<8x128xf32>
    %get3A_2182 = arith.constant 0 : index
    %get3A_2183 = arith.constant 19968 : index
    %get3A_2184 = vector.load %arg1[%get3A_2182, %get3A_2183] : memref<8x32768xf32, #tpu.memory_space<vmem>>, vector<8x128xf32>
    %exp3A_2185 = math.exp %get3A_2184 : vector<8x128xf32>
    %add3A_2186 = arith.addf %add3A_2172, %exp3A_2185 : vector<8x128xf32>
    %max3A_2187 = arith.maximumf %max3A_2173, %get3A_2184 : vector<8x128xf32>
    %min3A_2188 = arith.minimumf %max3A_2173, %get3A_2184 : vector<8x128xf32>
    %max3A_2189 = arith.maximumf %max3A_2175, %min3A_2188 : vector<8x128xf32>
    %min3A_2190 = arith.minimumf %max3A_2175, %min3A_2188 : vector<8x128xf32>
    %max3A_2191 = arith.maximumf %max3A_2177, %min3A_2190 : vector<8x128xf32>
    %min3A_2192 = arith.minimumf %max3A_2177, %min3A_2190 : vector<8x128xf32>
    %max3A_2193 = arith.maximumf %max3A_2179, %min3A_2192 : vector<8x128xf32>
    %min3A_2194 = arith.minimumf %max3A_2179, %min3A_2192 : vector<8x128xf32>
    %max3A_2195 = arith.maximumf %max3A_2181, %min3A_2194 : vector<8x128xf32>
    %get3A_2196 = arith.constant 0 : index
    %get3A_2197 = arith.constant 20096 : index
    %get3A_2198 = vector.load %arg1[%get3A_2196, %get3A_2197] : memref<8x32768xf32, #tpu.memory_space<vmem>>, vector<8x128xf32>
    %exp3A_2199 = math.exp %get3A_2198 : vector<8x128xf32>
    %add3A_2200 = arith.addf %add3A_2186, %exp3A_2199 : vector<8x128xf32>
    %max3A_2201 = arith.maximumf %max3A_2187, %get3A_2198 : vector<8x128xf32>
    %min3A_2202 = arith.minimumf %max3A_2187, %get3A_2198 : vector<8x128xf32>
    %max3A_2203 = arith.maximumf %max3A_2189, %min3A_2202 : vector<8x128xf32>
    %min3A_2204 = arith.minimumf %max3A_2189, %min3A_2202 : vector<8x128xf32>
    %max3A_2205 = arith.maximumf %max3A_2191, %min3A_2204 : vector<8x128xf32>
    %min3A_2206 = arith.minimumf %max3A_2191, %min3A_2204 : vector<8x128xf32>
    %max3A_2207 = arith.maximumf %max3A_2193, %min3A_2206 : vector<8x128xf32>
    %min3A_2208 = arith.minimumf %max3A_2193, %min3A_2206 : vector<8x128xf32>
    %max3A_2209 = arith.maximumf %max3A_2195, %min3A_2208 : vector<8x128xf32>
    %get3A_2210 = arith.constant 0 : index
    %get3A_2211 = arith.constant 20224 : index
    %get3A_2212 = vector.load %arg1[%get3A_2210, %get3A_2211] : memref<8x32768xf32, #tpu.memory_space<vmem>>, vector<8x128xf32>
    %exp3A_2213 = math.exp %get3A_2212 : vector<8x128xf32>
    %add3A_2214 = arith.addf %add3A_2200, %exp3A_2213 : vector<8x128xf32>
    %max3A_2215 = arith.maximumf %max3A_2201, %get3A_2212 : vector<8x128xf32>
    %min3A_2216 = arith.minimumf %max3A_2201, %get3A_2212 : vector<8x128xf32>
    %max3A_2217 = arith.maximumf %max3A_2203, %min3A_2216 : vector<8x128xf32>
    %min3A_2218 = arith.minimumf %max3A_2203, %min3A_2216 : vector<8x128xf32>
    %max3A_2219 = arith.maximumf %max3A_2205, %min3A_2218 : vector<8x128xf32>
    %min3A_2220 = arith.minimumf %max3A_2205, %min3A_2218 : vector<8x128xf32>
    %max3A_2221 = arith.maximumf %max3A_2207, %min3A_2220 : vector<8x128xf32>
    %min3A_2222 = arith.minimumf %max3A_2207, %min3A_2220 : vector<8x128xf32>
    %max3A_2223 = arith.maximumf %max3A_2209, %min3A_2222 : vector<8x128xf32>
    %get3A_2224 = arith.constant 0 : index
    %get3A_2225 = arith.constant 20352 : index
    %get3A_2226 = vector.load %arg1[%get3A_2224, %get3A_2225] : memref<8x32768xf32, #tpu.memory_space<vmem>>, vector<8x128xf32>
    %exp3A_2227 = math.exp %get3A_2226 : vector<8x128xf32>
    %add3A_2228 = arith.addf %add3A_2214, %exp3A_2227 : vector<8x128xf32>
    %max3A_2229 = arith.maximumf %max3A_2215, %get3A_2226 : vector<8x128xf32>
    %min3A_2230 = arith.minimumf %max3A_2215, %get3A_2226 : vector<8x128xf32>
    %max3A_2231 = arith.maximumf %max3A_2217, %min3A_2230 : vector<8x128xf32>
    %min3A_2232 = arith.minimumf %max3A_2217, %min3A_2230 : vector<8x128xf32>
    %max3A_2233 = arith.maximumf %max3A_2219, %min3A_2232 : vector<8x128xf32>
    %min3A_2234 = arith.minimumf %max3A_2219, %min3A_2232 : vector<8x128xf32>
    %max3A_2235 = arith.maximumf %max3A_2221, %min3A_2234 : vector<8x128xf32>
    %min3A_2236 = arith.minimumf %max3A_2221, %min3A_2234 : vector<8x128xf32>
    %max3A_2237 = arith.maximumf %max3A_2223, %min3A_2236 : vector<8x128xf32>
    %get3A_2238 = arith.constant 0 : index
    %get3A_2239 = arith.constant 20480 : index
    %get3A_2240 = vector.load %arg1[%get3A_2238, %get3A_2239] : memref<8x32768xf32, #tpu.memory_space<vmem>>, vector<8x128xf32>
    %exp3A_2241 = math.exp %get3A_2240 : vector<8x128xf32>
    %add3A_2242 = arith.addf %add3A_2228, %exp3A_2241 : vector<8x128xf32>
    %max3A_2243 = arith.maximumf %max3A_2229, %get3A_2240 : vector<8x128xf32>
    %min3A_2244 = arith.minimumf %max3A_2229, %get3A_2240 : vector<8x128xf32>
    %max3A_2245 = arith.maximumf %max3A_2231, %min3A_2244 : vector<8x128xf32>
    %min3A_2246 = arith.minimumf %max3A_2231, %min3A_2244 : vector<8x128xf32>
    %max3A_2247 = arith.maximumf %max3A_2233, %min3A_2246 : vector<8x128xf32>
    %min3A_2248 = arith.minimumf %max3A_2233, %min3A_2246 : vector<8x128xf32>
    %max3A_2249 = arith.maximumf %max3A_2235, %min3A_2248 : vector<8x128xf32>
    %min3A_2250 = arith.minimumf %max3A_2235, %min3A_2248 : vector<8x128xf32>
    %max3A_2251 = arith.maximumf %max3A_2237, %min3A_2250 : vector<8x128xf32>
    %get3A_2252 = arith.constant 0 : index
    %get3A_2253 = arith.constant 20608 : index
    %get3A_2254 = vector.load %arg1[%get3A_2252, %get3A_2253] : memref<8x32768xf32, #tpu.memory_space<vmem>>, vector<8x128xf32>
    %exp3A_2255 = math.exp %get3A_2254 : vector<8x128xf32>
    %add3A_2256 = arith.addf %add3A_2242, %exp3A_2255 : vector<8x128xf32>
    %max3A_2257 = arith.maximumf %max3A_2243, %get3A_2254 : vector<8x128xf32>
    %min3A_2258 = arith.minimumf %max3A_2243, %get3A_2254 : vector<8x128xf32>
    %max3A_2259 = arith.maximumf %max3A_2245, %min3A_2258 : vector<8x128xf32>
    %min3A_2260 = arith.minimumf %max3A_2245, %min3A_2258 : vector<8x128xf32>
    %max3A_2261 = arith.maximumf %max3A_2247, %min3A_2260 : vector<8x128xf32>
    %min3A_2262 = arith.minimumf %max3A_2247, %min3A_2260 : vector<8x128xf32>
    %max3A_2263 = arith.maximumf %max3A_2249, %min3A_2262 : vector<8x128xf32>
    %min3A_2264 = arith.minimumf %max3A_2249, %min3A_2262 : vector<8x128xf32>
    %max3A_2265 = arith.maximumf %max3A_2251, %min3A_2264 : vector<8x128xf32>
    %get3A_2266 = arith.constant 0 : index
    %get3A_2267 = arith.constant 20736 : index
    %get3A_2268 = vector.load %arg1[%get3A_2266, %get3A_2267] : memref<8x32768xf32, #tpu.memory_space<vmem>>, vector<8x128xf32>
    %exp3A_2269 = math.exp %get3A_2268 : vector<8x128xf32>
    %add3A_2270 = arith.addf %add3A_2256, %exp3A_2269 : vector<8x128xf32>
    %max3A_2271 = arith.maximumf %max3A_2257, %get3A_2268 : vector<8x128xf32>
    %min3A_2272 = arith.minimumf %max3A_2257, %get3A_2268 : vector<8x128xf32>
    %max3A_2273 = arith.maximumf %max3A_2259, %min3A_2272 : vector<8x128xf32>
    %min3A_2274 = arith.minimumf %max3A_2259, %min3A_2272 : vector<8x128xf32>
    %max3A_2275 = arith.maximumf %max3A_2261, %min3A_2274 : vector<8x128xf32>
    %min3A_2276 = arith.minimumf %max3A_2261, %min3A_2274 : vector<8x128xf32>
    %max3A_2277 = arith.maximumf %max3A_2263, %min3A_2276 : vector<8x128xf32>
    %min3A_2278 = arith.minimumf %max3A_2263, %min3A_2276 : vector<8x128xf32>
    %max3A_2279 = arith.maximumf %max3A_2265, %min3A_2278 : vector<8x128xf32>
    %get3A_2280 = arith.constant 0 : index
    %get3A_2281 = arith.constant 20864 : index
    %get3A_2282 = vector.load %arg1[%get3A_2280, %get3A_2281] : memref<8x32768xf32, #tpu.memory_space<vmem>>, vector<8x128xf32>
    %exp3A_2283 = math.exp %get3A_2282 : vector<8x128xf32>
    %add3A_2284 = arith.addf %add3A_2270, %exp3A_2283 : vector<8x128xf32>
    %max3A_2285 = arith.maximumf %max3A_2271, %get3A_2282 : vector<8x128xf32>
    %min3A_2286 = arith.minimumf %max3A_2271, %get3A_2282 : vector<8x128xf32>
    %max3A_2287 = arith.maximumf %max3A_2273, %min3A_2286 : vector<8x128xf32>
    %min3A_2288 = arith.minimumf %max3A_2273, %min3A_2286 : vector<8x128xf32>
    %max3A_2289 = arith.maximumf %max3A_2275, %min3A_2288 : vector<8x128xf32>
    %min3A_2290 = arith.minimumf %max3A_2275, %min3A_2288 : vector<8x128xf32>
    %max3A_2291 = arith.maximumf %max3A_2277, %min3A_2290 : vector<8x128xf32>
    %min3A_2292 = arith.minimumf %max3A_2277, %min3A_2290 : vector<8x128xf32>
    %max3A_2293 = arith.maximumf %max3A_2279, %min3A_2292 : vector<8x128xf32>
    %get3A_2294 = arith.constant 0 : index
    %get3A_2295 = arith.constant 20992 : index
    %get3A_2296 = vector.load %arg1[%get3A_2294, %get3A_2295] : memref<8x32768xf32, #tpu.memory_space<vmem>>, vector<8x128xf32>
    %exp3A_2297 = math.exp %get3A_2296 : vector<8x128xf32>
    %add3A_2298 = arith.addf %add3A_2284, %exp3A_2297 : vector<8x128xf32>
    %max3A_2299 = arith.maximumf %max3A_2285, %get3A_2296 : vector<8x128xf32>
    %min3A_2300 = arith.minimumf %max3A_2285, %get3A_2296 : vector<8x128xf32>
    %max3A_2301 = arith.maximumf %max3A_2287, %min3A_2300 : vector<8x128xf32>
    %min3A_2302 = arith.minimumf %max3A_2287, %min3A_2300 : vector<8x128xf32>
    %max3A_2303 = arith.maximumf %max3A_2289, %min3A_2302 : vector<8x128xf32>
    %min3A_2304 = arith.minimumf %max3A_2289, %min3A_2302 : vector<8x128xf32>
    %max3A_2305 = arith.maximumf %max3A_2291, %min3A_2304 : vector<8x128xf32>
    %min3A_2306 = arith.minimumf %max3A_2291, %min3A_2304 : vector<8x128xf32>
    %max3A_2307 = arith.maximumf %max3A_2293, %min3A_2306 : vector<8x128xf32>
    %get3A_2308 = arith.constant 0 : index
    %get3A_2309 = arith.constant 21120 : index
    %get3A_2310 = vector.load %arg1[%get3A_2308, %get3A_2309] : memref<8x32768xf32, #tpu.memory_space<vmem>>, vector<8x128xf32>
    %exp3A_2311 = math.exp %get3A_2310 : vector<8x128xf32>
    %add3A_2312 = arith.addf %add3A_2298, %exp3A_2311 : vector<8x128xf32>
    %max3A_2313 = arith.maximumf %max3A_2299, %get3A_2310 : vector<8x128xf32>
    %min3A_2314 = arith.minimumf %max3A_2299, %get3A_2310 : vector<8x128xf32>
    %max3A_2315 = arith.maximumf %max3A_2301, %min3A_2314 : vector<8x128xf32>
    %min3A_2316 = arith.minimumf %max3A_2301, %min3A_2314 : vector<8x128xf32>
    %max3A_2317 = arith.maximumf %max3A_2303, %min3A_2316 : vector<8x128xf32>
    %min3A_2318 = arith.minimumf %max3A_2303, %min3A_2316 : vector<8x128xf32>
    %max3A_2319 = arith.maximumf %max3A_2305, %min3A_2318 : vector<8x128xf32>
    %min3A_2320 = arith.minimumf %max3A_2305, %min3A_2318 : vector<8x128xf32>
    %max3A_2321 = arith.maximumf %max3A_2307, %min3A_2320 : vector<8x128xf32>
    %get3A_2322 = arith.constant 0 : index
    %get3A_2323 = arith.constant 21248 : index
    %get3A_2324 = vector.load %arg1[%get3A_2322, %get3A_2323] : memref<8x32768xf32, #tpu.memory_space<vmem>>, vector<8x128xf32>
    %exp3A_2325 = math.exp %get3A_2324 : vector<8x128xf32>
    %add3A_2326 = arith.addf %add3A_2312, %exp3A_2325 : vector<8x128xf32>
    %max3A_2327 = arith.maximumf %max3A_2313, %get3A_2324 : vector<8x128xf32>
    %min3A_2328 = arith.minimumf %max3A_2313, %get3A_2324 : vector<8x128xf32>
    %max3A_2329 = arith.maximumf %max3A_2315, %min3A_2328 : vector<8x128xf32>
    %min3A_2330 = arith.minimumf %max3A_2315, %min3A_2328 : vector<8x128xf32>
    %max3A_2331 = arith.maximumf %max3A_2317, %min3A_2330 : vector<8x128xf32>
    %min3A_2332 = arith.minimumf %max3A_2317, %min3A_2330 : vector<8x128xf32>
    %max3A_2333 = arith.maximumf %max3A_2319, %min3A_2332 : vector<8x128xf32>
    %min3A_2334 = arith.minimumf %max3A_2319, %min3A_2332 : vector<8x128xf32>
    %max3A_2335 = arith.maximumf %max3A_2321, %min3A_2334 : vector<8x128xf32>
    %get3A_2336 = arith.constant 0 : index
    %get3A_2337 = arith.constant 21376 : index
    %get3A_2338 = vector.load %arg1[%get3A_2336, %get3A_2337] : memref<8x32768xf32, #tpu.memory_space<vmem>>, vector<8x128xf32>
    %exp3A_2339 = math.exp %get3A_2338 : vector<8x128xf32>
    %add3A_2340 = arith.addf %add3A_2326, %exp3A_2339 : vector<8x128xf32>
    %max3A_2341 = arith.maximumf %max3A_2327, %get3A_2338 : vector<8x128xf32>
    %min3A_2342 = arith.minimumf %max3A_2327, %get3A_2338 : vector<8x128xf32>
    %max3A_2343 = arith.maximumf %max3A_2329, %min3A_2342 : vector<8x128xf32>
    %min3A_2344 = arith.minimumf %max3A_2329, %min3A_2342 : vector<8x128xf32>
    %max3A_2345 = arith.maximumf %max3A_2331, %min3A_2344 : vector<8x128xf32>
    %min3A_2346 = arith.minimumf %max3A_2331, %min3A_2344 : vector<8x128xf32>
    %max3A_2347 = arith.maximumf %max3A_2333, %min3A_2346 : vector<8x128xf32>
    %min3A_2348 = arith.minimumf %max3A_2333, %min3A_2346 : vector<8x128xf32>
    %max3A_2349 = arith.maximumf %max3A_2335, %min3A_2348 : vector<8x128xf32>
    %get3A_2350 = arith.constant 0 : index
    %get3A_2351 = arith.constant 21504 : index
    %get3A_2352 = vector.load %arg1[%get3A_2350, %get3A_2351] : memref<8x32768xf32, #tpu.memory_space<vmem>>, vector<8x128xf32>
    %exp3A_2353 = math.exp %get3A_2352 : vector<8x128xf32>
    %add3A_2354 = arith.addf %add3A_2340, %exp3A_2353 : vector<8x128xf32>
    %max3A_2355 = arith.maximumf %max3A_2341, %get3A_2352 : vector<8x128xf32>
    %min3A_2356 = arith.minimumf %max3A_2341, %get3A_2352 : vector<8x128xf32>
    %max3A_2357 = arith.maximumf %max3A_2343, %min3A_2356 : vector<8x128xf32>
    %min3A_2358 = arith.minimumf %max3A_2343, %min3A_2356 : vector<8x128xf32>
    %max3A_2359 = arith.maximumf %max3A_2345, %min3A_2358 : vector<8x128xf32>
    %min3A_2360 = arith.minimumf %max3A_2345, %min3A_2358 : vector<8x128xf32>
    %max3A_2361 = arith.maximumf %max3A_2347, %min3A_2360 : vector<8x128xf32>
    %min3A_2362 = arith.minimumf %max3A_2347, %min3A_2360 : vector<8x128xf32>
    %max3A_2363 = arith.maximumf %max3A_2349, %min3A_2362 : vector<8x128xf32>
    %get3A_2364 = arith.constant 0 : index
    %get3A_2365 = arith.constant 21632 : index
    %get3A_2366 = vector.load %arg1[%get3A_2364, %get3A_2365] : memref<8x32768xf32, #tpu.memory_space<vmem>>, vector<8x128xf32>
    %exp3A_2367 = math.exp %get3A_2366 : vector<8x128xf32>
    %add3A_2368 = arith.addf %add3A_2354, %exp3A_2367 : vector<8x128xf32>
    %max3A_2369 = arith.maximumf %max3A_2355, %get3A_2366 : vector<8x128xf32>
    %min3A_2370 = arith.minimumf %max3A_2355, %get3A_2366 : vector<8x128xf32>
    %max3A_2371 = arith.maximumf %max3A_2357, %min3A_2370 : vector<8x128xf32>
    %min3A_2372 = arith.minimumf %max3A_2357, %min3A_2370 : vector<8x128xf32>
    %max3A_2373 = arith.maximumf %max3A_2359, %min3A_2372 : vector<8x128xf32>
    %min3A_2374 = arith.minimumf %max3A_2359, %min3A_2372 : vector<8x128xf32>
    %max3A_2375 = arith.maximumf %max3A_2361, %min3A_2374 : vector<8x128xf32>
    %min3A_2376 = arith.minimumf %max3A_2361, %min3A_2374 : vector<8x128xf32>
    %max3A_2377 = arith.maximumf %max3A_2363, %min3A_2376 : vector<8x128xf32>
    %get3A_2378 = arith.constant 0 : index
    %get3A_2379 = arith.constant 21760 : index
    %get3A_2380 = vector.load %arg1[%get3A_2378, %get3A_2379] : memref<8x32768xf32, #tpu.memory_space<vmem>>, vector<8x128xf32>
    %exp3A_2381 = math.exp %get3A_2380 : vector<8x128xf32>
    %add3A_2382 = arith.addf %add3A_2368, %exp3A_2381 : vector<8x128xf32>
    %max3A_2383 = arith.maximumf %max3A_2369, %get3A_2380 : vector<8x128xf32>
    %min3A_2384 = arith.minimumf %max3A_2369, %get3A_2380 : vector<8x128xf32>
    %max3A_2385 = arith.maximumf %max3A_2371, %min3A_2384 : vector<8x128xf32>
    %min3A_2386 = arith.minimumf %max3A_2371, %min3A_2384 : vector<8x128xf32>
    %max3A_2387 = arith.maximumf %max3A_2373, %min3A_2386 : vector<8x128xf32>
    %min3A_2388 = arith.minimumf %max3A_2373, %min3A_2386 : vector<8x128xf32>
    %max3A_2389 = arith.maximumf %max3A_2375, %min3A_2388 : vector<8x128xf32>
    %min3A_2390 = arith.minimumf %max3A_2375, %min3A_2388 : vector<8x128xf32>
    %max3A_2391 = arith.maximumf %max3A_2377, %min3A_2390 : vector<8x128xf32>
    %get3A_2392 = arith.constant 0 : index
    %get3A_2393 = arith.constant 21888 : index
    %get3A_2394 = vector.load %arg1[%get3A_2392, %get3A_2393] : memref<8x32768xf32, #tpu.memory_space<vmem>>, vector<8x128xf32>
    %exp3A_2395 = math.exp %get3A_2394 : vector<8x128xf32>
    %add3A_2396 = arith.addf %add3A_2382, %exp3A_2395 : vector<8x128xf32>
    %max3A_2397 = arith.maximumf %max3A_2383, %get3A_2394 : vector<8x128xf32>
    %min3A_2398 = arith.minimumf %max3A_2383, %get3A_2394 : vector<8x128xf32>
    %max3A_2399 = arith.maximumf %max3A_2385, %min3A_2398 : vector<8x128xf32>
    %min3A_2400 = arith.minimumf %max3A_2385, %min3A_2398 : vector<8x128xf32>
    %max3A_2401 = arith.maximumf %max3A_2387, %min3A_2400 : vector<8x128xf32>
    %min3A_2402 = arith.minimumf %max3A_2387, %min3A_2400 : vector<8x128xf32>
    %max3A_2403 = arith.maximumf %max3A_2389, %min3A_2402 : vector<8x128xf32>
    %min3A_2404 = arith.minimumf %max3A_2389, %min3A_2402 : vector<8x128xf32>
    %max3A_2405 = arith.maximumf %max3A_2391, %min3A_2404 : vector<8x128xf32>
    %get3A_2406 = arith.constant 0 : index
    %get3A_2407 = arith.constant 22016 : index
    %get3A_2408 = vector.load %arg1[%get3A_2406, %get3A_2407] : memref<8x32768xf32, #tpu.memory_space<vmem>>, vector<8x128xf32>
    %exp3A_2409 = math.exp %get3A_2408 : vector<8x128xf32>
    %add3A_2410 = arith.addf %add3A_2396, %exp3A_2409 : vector<8x128xf32>
    %max3A_2411 = arith.maximumf %max3A_2397, %get3A_2408 : vector<8x128xf32>
    %min3A_2412 = arith.minimumf %max3A_2397, %get3A_2408 : vector<8x128xf32>
    %max3A_2413 = arith.maximumf %max3A_2399, %min3A_2412 : vector<8x128xf32>
    %min3A_2414 = arith.minimumf %max3A_2399, %min3A_2412 : vector<8x128xf32>
    %max3A_2415 = arith.maximumf %max3A_2401, %min3A_2414 : vector<8x128xf32>
    %min3A_2416 = arith.minimumf %max3A_2401, %min3A_2414 : vector<8x128xf32>
    %max3A_2417 = arith.maximumf %max3A_2403, %min3A_2416 : vector<8x128xf32>
    %min3A_2418 = arith.minimumf %max3A_2403, %min3A_2416 : vector<8x128xf32>
    %max3A_2419 = arith.maximumf %max3A_2405, %min3A_2418 : vector<8x128xf32>
    %get3A_2420 = arith.constant 0 : index
    %get3A_2421 = arith.constant 22144 : index
    %get3A_2422 = vector.load %arg1[%get3A_2420, %get3A_2421] : memref<8x32768xf32, #tpu.memory_space<vmem>>, vector<8x128xf32>
    %exp3A_2423 = math.exp %get3A_2422 : vector<8x128xf32>
    %add3A_2424 = arith.addf %add3A_2410, %exp3A_2423 : vector<8x128xf32>
    %max3A_2425 = arith.maximumf %max3A_2411, %get3A_2422 : vector<8x128xf32>
    %min3A_2426 = arith.minimumf %max3A_2411, %get3A_2422 : vector<8x128xf32>
    %max3A_2427 = arith.maximumf %max3A_2413, %min3A_2426 : vector<8x128xf32>
    %min3A_2428 = arith.minimumf %max3A_2413, %min3A_2426 : vector<8x128xf32>
    %max3A_2429 = arith.maximumf %max3A_2415, %min3A_2428 : vector<8x128xf32>
    %min3A_2430 = arith.minimumf %max3A_2415, %min3A_2428 : vector<8x128xf32>
    %max3A_2431 = arith.maximumf %max3A_2417, %min3A_2430 : vector<8x128xf32>
    %min3A_2432 = arith.minimumf %max3A_2417, %min3A_2430 : vector<8x128xf32>
    %max3A_2433 = arith.maximumf %max3A_2419, %min3A_2432 : vector<8x128xf32>
    %get3A_2434 = arith.constant 0 : index
    %get3A_2435 = arith.constant 22272 : index
    %get3A_2436 = vector.load %arg1[%get3A_2434, %get3A_2435] : memref<8x32768xf32, #tpu.memory_space<vmem>>, vector<8x128xf32>
    %exp3A_2437 = math.exp %get3A_2436 : vector<8x128xf32>
    %add3A_2438 = arith.addf %add3A_2424, %exp3A_2437 : vector<8x128xf32>
    %max3A_2439 = arith.maximumf %max3A_2425, %get3A_2436 : vector<8x128xf32>
    %min3A_2440 = arith.minimumf %max3A_2425, %get3A_2436 : vector<8x128xf32>
    %max3A_2441 = arith.maximumf %max3A_2427, %min3A_2440 : vector<8x128xf32>
    %min3A_2442 = arith.minimumf %max3A_2427, %min3A_2440 : vector<8x128xf32>
    %max3A_2443 = arith.maximumf %max3A_2429, %min3A_2442 : vector<8x128xf32>
    %min3A_2444 = arith.minimumf %max3A_2429, %min3A_2442 : vector<8x128xf32>
    %max3A_2445 = arith.maximumf %max3A_2431, %min3A_2444 : vector<8x128xf32>
    %min3A_2446 = arith.minimumf %max3A_2431, %min3A_2444 : vector<8x128xf32>
    %max3A_2447 = arith.maximumf %max3A_2433, %min3A_2446 : vector<8x128xf32>
    %get3A_2448 = arith.constant 0 : index
    %get3A_2449 = arith.constant 22400 : index
    %get3A_2450 = vector.load %arg1[%get3A_2448, %get3A_2449] : memref<8x32768xf32, #tpu.memory_space<vmem>>, vector<8x128xf32>
    %exp3A_2451 = math.exp %get3A_2450 : vector<8x128xf32>
    %add3A_2452 = arith.addf %add3A_2438, %exp3A_2451 : vector<8x128xf32>
    %max3A_2453 = arith.maximumf %max3A_2439, %get3A_2450 : vector<8x128xf32>
    %min3A_2454 = arith.minimumf %max3A_2439, %get3A_2450 : vector<8x128xf32>
    %max3A_2455 = arith.maximumf %max3A_2441, %min3A_2454 : vector<8x128xf32>
    %min3A_2456 = arith.minimumf %max3A_2441, %min3A_2454 : vector<8x128xf32>
    %max3A_2457 = arith.maximumf %max3A_2443, %min3A_2456 : vector<8x128xf32>
    %min3A_2458 = arith.minimumf %max3A_2443, %min3A_2456 : vector<8x128xf32>
    %max3A_2459 = arith.maximumf %max3A_2445, %min3A_2458 : vector<8x128xf32>
    %min3A_2460 = arith.minimumf %max3A_2445, %min3A_2458 : vector<8x128xf32>
    %max3A_2461 = arith.maximumf %max3A_2447, %min3A_2460 : vector<8x128xf32>
    %get3A_2462 = arith.constant 0 : index
    %get3A_2463 = arith.constant 22528 : index
    %get3A_2464 = vector.load %arg1[%get3A_2462, %get3A_2463] : memref<8x32768xf32, #tpu.memory_space<vmem>>, vector<8x128xf32>
    %exp3A_2465 = math.exp %get3A_2464 : vector<8x128xf32>
    %add3A_2466 = arith.addf %add3A_2452, %exp3A_2465 : vector<8x128xf32>
    %max3A_2467 = arith.maximumf %max3A_2453, %get3A_2464 : vector<8x128xf32>
    %min3A_2468 = arith.minimumf %max3A_2453, %get3A_2464 : vector<8x128xf32>
    %max3A_2469 = arith.maximumf %max3A_2455, %min3A_2468 : vector<8x128xf32>
    %min3A_2470 = arith.minimumf %max3A_2455, %min3A_2468 : vector<8x128xf32>
    %max3A_2471 = arith.maximumf %max3A_2457, %min3A_2470 : vector<8x128xf32>
    %min3A_2472 = arith.minimumf %max3A_2457, %min3A_2470 : vector<8x128xf32>
    %max3A_2473 = arith.maximumf %max3A_2459, %min3A_2472 : vector<8x128xf32>
    %min3A_2474 = arith.minimumf %max3A_2459, %min3A_2472 : vector<8x128xf32>
    %max3A_2475 = arith.maximumf %max3A_2461, %min3A_2474 : vector<8x128xf32>
    %get3A_2476 = arith.constant 0 : index
    %get3A_2477 = arith.constant 22656 : index
    %get3A_2478 = vector.load %arg1[%get3A_2476, %get3A_2477] : memref<8x32768xf32, #tpu.memory_space<vmem>>, vector<8x128xf32>
    %exp3A_2479 = math.exp %get3A_2478 : vector<8x128xf32>
    %add3A_2480 = arith.addf %add3A_2466, %exp3A_2479 : vector<8x128xf32>
    %max3A_2481 = arith.maximumf %max3A_2467, %get3A_2478 : vector<8x128xf32>
    %min3A_2482 = arith.minimumf %max3A_2467, %get3A_2478 : vector<8x128xf32>
    %max3A_2483 = arith.maximumf %max3A_2469, %min3A_2482 : vector<8x128xf32>
    %min3A_2484 = arith.minimumf %max3A_2469, %min3A_2482 : vector<8x128xf32>
    %max3A_2485 = arith.maximumf %max3A_2471, %min3A_2484 : vector<8x128xf32>
    %min3A_2486 = arith.minimumf %max3A_2471, %min3A_2484 : vector<8x128xf32>
    %max3A_2487 = arith.maximumf %max3A_2473, %min3A_2486 : vector<8x128xf32>
    %min3A_2488 = arith.minimumf %max3A_2473, %min3A_2486 : vector<8x128xf32>
    %max3A_2489 = arith.maximumf %max3A_2475, %min3A_2488 : vector<8x128xf32>
    %get3A_2490 = arith.constant 0 : index
    %get3A_2491 = arith.constant 22784 : index
    %get3A_2492 = vector.load %arg1[%get3A_2490, %get3A_2491] : memref<8x32768xf32, #tpu.memory_space<vmem>>, vector<8x128xf32>
    %exp3A_2493 = math.exp %get3A_2492 : vector<8x128xf32>
    %add3A_2494 = arith.addf %add3A_2480, %exp3A_2493 : vector<8x128xf32>
    %max3A_2495 = arith.maximumf %max3A_2481, %get3A_2492 : vector<8x128xf32>
    %min3A_2496 = arith.minimumf %max3A_2481, %get3A_2492 : vector<8x128xf32>
    %max3A_2497 = arith.maximumf %max3A_2483, %min3A_2496 : vector<8x128xf32>
    %min3A_2498 = arith.minimumf %max3A_2483, %min3A_2496 : vector<8x128xf32>
    %max3A_2499 = arith.maximumf %max3A_2485, %min3A_2498 : vector<8x128xf32>
    %min3A_2500 = arith.minimumf %max3A_2485, %min3A_2498 : vector<8x128xf32>
    %max3A_2501 = arith.maximumf %max3A_2487, %min3A_2500 : vector<8x128xf32>
    %min3A_2502 = arith.minimumf %max3A_2487, %min3A_2500 : vector<8x128xf32>
    %max3A_2503 = arith.maximumf %max3A_2489, %min3A_2502 : vector<8x128xf32>
    %get3A_2504 = arith.constant 0 : index
    %get3A_2505 = arith.constant 22912 : index
    %get3A_2506 = vector.load %arg1[%get3A_2504, %get3A_2505] : memref<8x32768xf32, #tpu.memory_space<vmem>>, vector<8x128xf32>
    %exp3A_2507 = math.exp %get3A_2506 : vector<8x128xf32>
    %add3A_2508 = arith.addf %add3A_2494, %exp3A_2507 : vector<8x128xf32>
    %max3A_2509 = arith.maximumf %max3A_2495, %get3A_2506 : vector<8x128xf32>
    %min3A_2510 = arith.minimumf %max3A_2495, %get3A_2506 : vector<8x128xf32>
    %max3A_2511 = arith.maximumf %max3A_2497, %min3A_2510 : vector<8x128xf32>
    %min3A_2512 = arith.minimumf %max3A_2497, %min3A_2510 : vector<8x128xf32>
    %max3A_2513 = arith.maximumf %max3A_2499, %min3A_2512 : vector<8x128xf32>
    %min3A_2514 = arith.minimumf %max3A_2499, %min3A_2512 : vector<8x128xf32>
    %max3A_2515 = arith.maximumf %max3A_2501, %min3A_2514 : vector<8x128xf32>
    %min3A_2516 = arith.minimumf %max3A_2501, %min3A_2514 : vector<8x128xf32>
    %max3A_2517 = arith.maximumf %max3A_2503, %min3A_2516 : vector<8x128xf32>
    %get3A_2518 = arith.constant 0 : index
    %get3A_2519 = arith.constant 23040 : index
    %get3A_2520 = vector.load %arg1[%get3A_2518, %get3A_2519] : memref<8x32768xf32, #tpu.memory_space<vmem>>, vector<8x128xf32>
    %exp3A_2521 = math.exp %get3A_2520 : vector<8x128xf32>
    %add3A_2522 = arith.addf %add3A_2508, %exp3A_2521 : vector<8x128xf32>
    %max3A_2523 = arith.maximumf %max3A_2509, %get3A_2520 : vector<8x128xf32>
    %min3A_2524 = arith.minimumf %max3A_2509, %get3A_2520 : vector<8x128xf32>
    %max3A_2525 = arith.maximumf %max3A_2511, %min3A_2524 : vector<8x128xf32>
    %min3A_2526 = arith.minimumf %max3A_2511, %min3A_2524 : vector<8x128xf32>
    %max3A_2527 = arith.maximumf %max3A_2513, %min3A_2526 : vector<8x128xf32>
    %min3A_2528 = arith.minimumf %max3A_2513, %min3A_2526 : vector<8x128xf32>
    %max3A_2529 = arith.maximumf %max3A_2515, %min3A_2528 : vector<8x128xf32>
    %min3A_2530 = arith.minimumf %max3A_2515, %min3A_2528 : vector<8x128xf32>
    %max3A_2531 = arith.maximumf %max3A_2517, %min3A_2530 : vector<8x128xf32>
    %get3A_2532 = arith.constant 0 : index
    %get3A_2533 = arith.constant 23168 : index
    %get3A_2534 = vector.load %arg1[%get3A_2532, %get3A_2533] : memref<8x32768xf32, #tpu.memory_space<vmem>>, vector<8x128xf32>
    %exp3A_2535 = math.exp %get3A_2534 : vector<8x128xf32>
    %add3A_2536 = arith.addf %add3A_2522, %exp3A_2535 : vector<8x128xf32>
    %max3A_2537 = arith.maximumf %max3A_2523, %get3A_2534 : vector<8x128xf32>
    %min3A_2538 = arith.minimumf %max3A_2523, %get3A_2534 : vector<8x128xf32>
    %max3A_2539 = arith.maximumf %max3A_2525, %min3A_2538 : vector<8x128xf32>
    %min3A_2540 = arith.minimumf %max3A_2525, %min3A_2538 : vector<8x128xf32>
    %max3A_2541 = arith.maximumf %max3A_2527, %min3A_2540 : vector<8x128xf32>
    %min3A_2542 = arith.minimumf %max3A_2527, %min3A_2540 : vector<8x128xf32>
    %max3A_2543 = arith.maximumf %max3A_2529, %min3A_2542 : vector<8x128xf32>
    %min3A_2544 = arith.minimumf %max3A_2529, %min3A_2542 : vector<8x128xf32>
    %max3A_2545 = arith.maximumf %max3A_2531, %min3A_2544 : vector<8x128xf32>
    %get3A_2546 = arith.constant 0 : index
    %get3A_2547 = arith.constant 23296 : index
    %get3A_2548 = vector.load %arg1[%get3A_2546, %get3A_2547] : memref<8x32768xf32, #tpu.memory_space<vmem>>, vector<8x128xf32>
    %exp3A_2549 = math.exp %get3A_2548 : vector<8x128xf32>
    %add3A_2550 = arith.addf %add3A_2536, %exp3A_2549 : vector<8x128xf32>
    %max3A_2551 = arith.maximumf %max3A_2537, %get3A_2548 : vector<8x128xf32>
    %min3A_2552 = arith.minimumf %max3A_2537, %get3A_2548 : vector<8x128xf32>
    %max3A_2553 = arith.maximumf %max3A_2539, %min3A_2552 : vector<8x128xf32>
    %min3A_2554 = arith.minimumf %max3A_2539, %min3A_2552 : vector<8x128xf32>
    %max3A_2555 = arith.maximumf %max3A_2541, %min3A_2554 : vector<8x128xf32>
    %min3A_2556 = arith.minimumf %max3A_2541, %min3A_2554 : vector<8x128xf32>
    %max3A_2557 = arith.maximumf %max3A_2543, %min3A_2556 : vector<8x128xf32>
    %min3A_2558 = arith.minimumf %max3A_2543, %min3A_2556 : vector<8x128xf32>
    %max3A_2559 = arith.maximumf %max3A_2545, %min3A_2558 : vector<8x128xf32>
    %get3A_2560 = arith.constant 0 : index
    %get3A_2561 = arith.constant 23424 : index
    %get3A_2562 = vector.load %arg1[%get3A_2560, %get3A_2561] : memref<8x32768xf32, #tpu.memory_space<vmem>>, vector<8x128xf32>
    %exp3A_2563 = math.exp %get3A_2562 : vector<8x128xf32>
    %add3A_2564 = arith.addf %add3A_2550, %exp3A_2563 : vector<8x128xf32>
    %max3A_2565 = arith.maximumf %max3A_2551, %get3A_2562 : vector<8x128xf32>
    %min3A_2566 = arith.minimumf %max3A_2551, %get3A_2562 : vector<8x128xf32>
    %max3A_2567 = arith.maximumf %max3A_2553, %min3A_2566 : vector<8x128xf32>
    %min3A_2568 = arith.minimumf %max3A_2553, %min3A_2566 : vector<8x128xf32>
    %max3A_2569 = arith.maximumf %max3A_2555, %min3A_2568 : vector<8x128xf32>
    %min3A_2570 = arith.minimumf %max3A_2555, %min3A_2568 : vector<8x128xf32>
    %max3A_2571 = arith.maximumf %max3A_2557, %min3A_2570 : vector<8x128xf32>
    %min3A_2572 = arith.minimumf %max3A_2557, %min3A_2570 : vector<8x128xf32>
    %max3A_2573 = arith.maximumf %max3A_2559, %min3A_2572 : vector<8x128xf32>
    %get3A_2574 = arith.constant 0 : index
    %get3A_2575 = arith.constant 23552 : index
    %get3A_2576 = vector.load %arg1[%get3A_2574, %get3A_2575] : memref<8x32768xf32, #tpu.memory_space<vmem>>, vector<8x128xf32>
    %exp3A_2577 = math.exp %get3A_2576 : vector<8x128xf32>
    %add3A_2578 = arith.addf %add3A_2564, %exp3A_2577 : vector<8x128xf32>
    %max3A_2579 = arith.maximumf %max3A_2565, %get3A_2576 : vector<8x128xf32>
    %min3A_2580 = arith.minimumf %max3A_2565, %get3A_2576 : vector<8x128xf32>
    %max3A_2581 = arith.maximumf %max3A_2567, %min3A_2580 : vector<8x128xf32>
    %min3A_2582 = arith.minimumf %max3A_2567, %min3A_2580 : vector<8x128xf32>
    %max3A_2583 = arith.maximumf %max3A_2569, %min3A_2582 : vector<8x128xf32>
    %min3A_2584 = arith.minimumf %max3A_2569, %min3A_2582 : vector<8x128xf32>
    %max3A_2585 = arith.maximumf %max3A_2571, %min3A_2584 : vector<8x128xf32>
    %min3A_2586 = arith.minimumf %max3A_2571, %min3A_2584 : vector<8x128xf32>
    %max3A_2587 = arith.maximumf %max3A_2573, %min3A_2586 : vector<8x128xf32>
    %get3A_2588 = arith.constant 0 : index
    %get3A_2589 = arith.constant 23680 : index
    %get3A_2590 = vector.load %arg1[%get3A_2588, %get3A_2589] : memref<8x32768xf32, #tpu.memory_space<vmem>>, vector<8x128xf32>
    %exp3A_2591 = math.exp %get3A_2590 : vector<8x128xf32>
    %add3A_2592 = arith.addf %add3A_2578, %exp3A_2591 : vector<8x128xf32>
    %max3A_2593 = arith.maximumf %max3A_2579, %get3A_2590 : vector<8x128xf32>
    %min3A_2594 = arith.minimumf %max3A_2579, %get3A_2590 : vector<8x128xf32>
    %max3A_2595 = arith.maximumf %max3A_2581, %min3A_2594 : vector<8x128xf32>
    %min3A_2596 = arith.minimumf %max3A_2581, %min3A_2594 : vector<8x128xf32>
    %max3A_2597 = arith.maximumf %max3A_2583, %min3A_2596 : vector<8x128xf32>
    %min3A_2598 = arith.minimumf %max3A_2583, %min3A_2596 : vector<8x128xf32>
    %max3A_2599 = arith.maximumf %max3A_2585, %min3A_2598 : vector<8x128xf32>
    %min3A_2600 = arith.minimumf %max3A_2585, %min3A_2598 : vector<8x128xf32>
    %max3A_2601 = arith.maximumf %max3A_2587, %min3A_2600 : vector<8x128xf32>
    %get3A_2602 = arith.constant 0 : index
    %get3A_2603 = arith.constant 23808 : index
    %get3A_2604 = vector.load %arg1[%get3A_2602, %get3A_2603] : memref<8x32768xf32, #tpu.memory_space<vmem>>, vector<8x128xf32>
    %exp3A_2605 = math.exp %get3A_2604 : vector<8x128xf32>
    %add3A_2606 = arith.addf %add3A_2592, %exp3A_2605 : vector<8x128xf32>
    %max3A_2607 = arith.maximumf %max3A_2593, %get3A_2604 : vector<8x128xf32>
    %min3A_2608 = arith.minimumf %max3A_2593, %get3A_2604 : vector<8x128xf32>
    %max3A_2609 = arith.maximumf %max3A_2595, %min3A_2608 : vector<8x128xf32>
    %min3A_2610 = arith.minimumf %max3A_2595, %min3A_2608 : vector<8x128xf32>
    %max3A_2611 = arith.maximumf %max3A_2597, %min3A_2610 : vector<8x128xf32>
    %min3A_2612 = arith.minimumf %max3A_2597, %min3A_2610 : vector<8x128xf32>
    %max3A_2613 = arith.maximumf %max3A_2599, %min3A_2612 : vector<8x128xf32>
    %min3A_2614 = arith.minimumf %max3A_2599, %min3A_2612 : vector<8x128xf32>
    %max3A_2615 = arith.maximumf %max3A_2601, %min3A_2614 : vector<8x128xf32>
    %get3A_2616 = arith.constant 0 : index
    %get3A_2617 = arith.constant 23936 : index
    %get3A_2618 = vector.load %arg1[%get3A_2616, %get3A_2617] : memref<8x32768xf32, #tpu.memory_space<vmem>>, vector<8x128xf32>
    %exp3A_2619 = math.exp %get3A_2618 : vector<8x128xf32>
    %add3A_2620 = arith.addf %add3A_2606, %exp3A_2619 : vector<8x128xf32>
    %max3A_2621 = arith.maximumf %max3A_2607, %get3A_2618 : vector<8x128xf32>
    %min3A_2622 = arith.minimumf %max3A_2607, %get3A_2618 : vector<8x128xf32>
    %max3A_2623 = arith.maximumf %max3A_2609, %min3A_2622 : vector<8x128xf32>
    %min3A_2624 = arith.minimumf %max3A_2609, %min3A_2622 : vector<8x128xf32>
    %max3A_2625 = arith.maximumf %max3A_2611, %min3A_2624 : vector<8x128xf32>
    %min3A_2626 = arith.minimumf %max3A_2611, %min3A_2624 : vector<8x128xf32>
    %max3A_2627 = arith.maximumf %max3A_2613, %min3A_2626 : vector<8x128xf32>
    %min3A_2628 = arith.minimumf %max3A_2613, %min3A_2626 : vector<8x128xf32>
    %max3A_2629 = arith.maximumf %max3A_2615, %min3A_2628 : vector<8x128xf32>
    %get3A_2630 = arith.constant 0 : index
    %get3A_2631 = arith.constant 24064 : index
    %get3A_2632 = vector.load %arg1[%get3A_2630, %get3A_2631] : memref<8x32768xf32, #tpu.memory_space<vmem>>, vector<8x128xf32>
    %exp3A_2633 = math.exp %get3A_2632 : vector<8x128xf32>
    %add3A_2634 = arith.addf %add3A_2620, %exp3A_2633 : vector<8x128xf32>
    %max3A_2635 = arith.maximumf %max3A_2621, %get3A_2632 : vector<8x128xf32>
    %min3A_2636 = arith.minimumf %max3A_2621, %get3A_2632 : vector<8x128xf32>
    %max3A_2637 = arith.maximumf %max3A_2623, %min3A_2636 : vector<8x128xf32>
    %min3A_2638 = arith.minimumf %max3A_2623, %min3A_2636 : vector<8x128xf32>
    %max3A_2639 = arith.maximumf %max3A_2625, %min3A_2638 : vector<8x128xf32>
    %min3A_2640 = arith.minimumf %max3A_2625, %min3A_2638 : vector<8x128xf32>
    %max3A_2641 = arith.maximumf %max3A_2627, %min3A_2640 : vector<8x128xf32>
    %min3A_2642 = arith.minimumf %max3A_2627, %min3A_2640 : vector<8x128xf32>
    %max3A_2643 = arith.maximumf %max3A_2629, %min3A_2642 : vector<8x128xf32>
    %get3A_2644 = arith.constant 0 : index
    %get3A_2645 = arith.constant 24192 : index
    %get3A_2646 = vector.load %arg1[%get3A_2644, %get3A_2645] : memref<8x32768xf32, #tpu.memory_space<vmem>>, vector<8x128xf32>
    %exp3A_2647 = math.exp %get3A_2646 : vector<8x128xf32>
    %add3A_2648 = arith.addf %add3A_2634, %exp3A_2647 : vector<8x128xf32>
    %max3A_2649 = arith.maximumf %max3A_2635, %get3A_2646 : vector<8x128xf32>
    %min3A_2650 = arith.minimumf %max3A_2635, %get3A_2646 : vector<8x128xf32>
    %max3A_2651 = arith.maximumf %max3A_2637, %min3A_2650 : vector<8x128xf32>
    %min3A_2652 = arith.minimumf %max3A_2637, %min3A_2650 : vector<8x128xf32>
    %max3A_2653 = arith.maximumf %max3A_2639, %min3A_2652 : vector<8x128xf32>
    %min3A_2654 = arith.minimumf %max3A_2639, %min3A_2652 : vector<8x128xf32>
    %max3A_2655 = arith.maximumf %max3A_2641, %min3A_2654 : vector<8x128xf32>
    %min3A_2656 = arith.minimumf %max3A_2641, %min3A_2654 : vector<8x128xf32>
    %max3A_2657 = arith.maximumf %max3A_2643, %min3A_2656 : vector<8x128xf32>
    %get3A_2658 = arith.constant 0 : index
    %get3A_2659 = arith.constant 24320 : index
    %get3A_2660 = vector.load %arg1[%get3A_2658, %get3A_2659] : memref<8x32768xf32, #tpu.memory_space<vmem>>, vector<8x128xf32>
    %exp3A_2661 = math.exp %get3A_2660 : vector<8x128xf32>
    %add3A_2662 = arith.addf %add3A_2648, %exp3A_2661 : vector<8x128xf32>
    %max3A_2663 = arith.maximumf %max3A_2649, %get3A_2660 : vector<8x128xf32>
    %min3A_2664 = arith.minimumf %max3A_2649, %get3A_2660 : vector<8x128xf32>
    %max3A_2665 = arith.maximumf %max3A_2651, %min3A_2664 : vector<8x128xf32>
    %min3A_2666 = arith.minimumf %max3A_2651, %min3A_2664 : vector<8x128xf32>
    %max3A_2667 = arith.maximumf %max3A_2653, %min3A_2666 : vector<8x128xf32>
    %min3A_2668 = arith.minimumf %max3A_2653, %min3A_2666 : vector<8x128xf32>
    %max3A_2669 = arith.maximumf %max3A_2655, %min3A_2668 : vector<8x128xf32>
    %min3A_2670 = arith.minimumf %max3A_2655, %min3A_2668 : vector<8x128xf32>
    %max3A_2671 = arith.maximumf %max3A_2657, %min3A_2670 : vector<8x128xf32>
    %get3A_2672 = arith.constant 0 : index
    %get3A_2673 = arith.constant 24448 : index
    %get3A_2674 = vector.load %arg1[%get3A_2672, %get3A_2673] : memref<8x32768xf32, #tpu.memory_space<vmem>>, vector<8x128xf32>
    %exp3A_2675 = math.exp %get3A_2674 : vector<8x128xf32>
    %add3A_2676 = arith.addf %add3A_2662, %exp3A_2675 : vector<8x128xf32>
    %max3A_2677 = arith.maximumf %max3A_2663, %get3A_2674 : vector<8x128xf32>
    %min3A_2678 = arith.minimumf %max3A_2663, %get3A_2674 : vector<8x128xf32>
    %max3A_2679 = arith.maximumf %max3A_2665, %min3A_2678 : vector<8x128xf32>
    %min3A_2680 = arith.minimumf %max3A_2665, %min3A_2678 : vector<8x128xf32>
    %max3A_2681 = arith.maximumf %max3A_2667, %min3A_2680 : vector<8x128xf32>
    %min3A_2682 = arith.minimumf %max3A_2667, %min3A_2680 : vector<8x128xf32>
    %max3A_2683 = arith.maximumf %max3A_2669, %min3A_2682 : vector<8x128xf32>
    %min3A_2684 = arith.minimumf %max3A_2669, %min3A_2682 : vector<8x128xf32>
    %max3A_2685 = arith.maximumf %max3A_2671, %min3A_2684 : vector<8x128xf32>
    %get3A_2686 = arith.constant 0 : index
    %get3A_2687 = arith.constant 24576 : index
    %get3A_2688 = vector.load %arg1[%get3A_2686, %get3A_2687] : memref<8x32768xf32, #tpu.memory_space<vmem>>, vector<8x128xf32>
    %exp3A_2689 = math.exp %get3A_2688 : vector<8x128xf32>
    %add3A_2690 = arith.addf %add3A_2676, %exp3A_2689 : vector<8x128xf32>
    %max3A_2691 = arith.maximumf %max3A_2677, %get3A_2688 : vector<8x128xf32>
    %min3A_2692 = arith.minimumf %max3A_2677, %get3A_2688 : vector<8x128xf32>
    %max3A_2693 = arith.maximumf %max3A_2679, %min3A_2692 : vector<8x128xf32>
    %min3A_2694 = arith.minimumf %max3A_2679, %min3A_2692 : vector<8x128xf32>
    %max3A_2695 = arith.maximumf %max3A_2681, %min3A_2694 : vector<8x128xf32>
    %min3A_2696 = arith.minimumf %max3A_2681, %min3A_2694 : vector<8x128xf32>
    %max3A_2697 = arith.maximumf %max3A_2683, %min3A_2696 : vector<8x128xf32>
    %min3A_2698 = arith.minimumf %max3A_2683, %min3A_2696 : vector<8x128xf32>
    %max3A_2699 = arith.maximumf %max3A_2685, %min3A_2698 : vector<8x128xf32>
    %get3A_2700 = arith.constant 0 : index
    %get3A_2701 = arith.constant 24704 : index
    %get3A_2702 = vector.load %arg1[%get3A_2700, %get3A_2701] : memref<8x32768xf32, #tpu.memory_space<vmem>>, vector<8x128xf32>
    %exp3A_2703 = math.exp %get3A_2702 : vector<8x128xf32>
    %add3A_2704 = arith.addf %add3A_2690, %exp3A_2703 : vector<8x128xf32>
    %max3A_2705 = arith.maximumf %max3A_2691, %get3A_2702 : vector<8x128xf32>
    %min3A_2706 = arith.minimumf %max3A_2691, %get3A_2702 : vector<8x128xf32>
    %max3A_2707 = arith.maximumf %max3A_2693, %min3A_2706 : vector<8x128xf32>
    %min3A_2708 = arith.minimumf %max3A_2693, %min3A_2706 : vector<8x128xf32>
    %max3A_2709 = arith.maximumf %max3A_2695, %min3A_2708 : vector<8x128xf32>
    %min3A_2710 = arith.minimumf %max3A_2695, %min3A_2708 : vector<8x128xf32>
    %max3A_2711 = arith.maximumf %max3A_2697, %min3A_2710 : vector<8x128xf32>
    %min3A_2712 = arith.minimumf %max3A_2697, %min3A_2710 : vector<8x128xf32>
    %max3A_2713 = arith.maximumf %max3A_2699, %min3A_2712 : vector<8x128xf32>
    %get3A_2714 = arith.constant 0 : index
    %get3A_2715 = arith.constant 24832 : index
    %get3A_2716 = vector.load %arg1[%get3A_2714, %get3A_2715] : memref<8x32768xf32, #tpu.memory_space<vmem>>, vector<8x128xf32>
    %exp3A_2717 = math.exp %get3A_2716 : vector<8x128xf32>
    %add3A_2718 = arith.addf %add3A_2704, %exp3A_2717 : vector<8x128xf32>
    %max3A_2719 = arith.maximumf %max3A_2705, %get3A_2716 : vector<8x128xf32>
    %min3A_2720 = arith.minimumf %max3A_2705, %get3A_2716 : vector<8x128xf32>
    %max3A_2721 = arith.maximumf %max3A_2707, %min3A_2720 : vector<8x128xf32>
    %min3A_2722 = arith.minimumf %max3A_2707, %min3A_2720 : vector<8x128xf32>
    %max3A_2723 = arith.maximumf %max3A_2709, %min3A_2722 : vector<8x128xf32>
    %min3A_2724 = arith.minimumf %max3A_2709, %min3A_2722 : vector<8x128xf32>
    %max3A_2725 = arith.maximumf %max3A_2711, %min3A_2724 : vector<8x128xf32>
    %min3A_2726 = arith.minimumf %max3A_2711, %min3A_2724 : vector<8x128xf32>
    %max3A_2727 = arith.maximumf %max3A_2713, %min3A_2726 : vector<8x128xf32>
    %get3A_2728 = arith.constant 0 : index
    %get3A_2729 = arith.constant 24960 : index
    %get3A_2730 = vector.load %arg1[%get3A_2728, %get3A_2729] : memref<8x32768xf32, #tpu.memory_space<vmem>>, vector<8x128xf32>
    %exp3A_2731 = math.exp %get3A_2730 : vector<8x128xf32>
    %add3A_2732 = arith.addf %add3A_2718, %exp3A_2731 : vector<8x128xf32>
    %max3A_2733 = arith.maximumf %max3A_2719, %get3A_2730 : vector<8x128xf32>
    %min3A_2734 = arith.minimumf %max3A_2719, %get3A_2730 : vector<8x128xf32>
    %max3A_2735 = arith.maximumf %max3A_2721, %min3A_2734 : vector<8x128xf32>
    %min3A_2736 = arith.minimumf %max3A_2721, %min3A_2734 : vector<8x128xf32>
    %max3A_2737 = arith.maximumf %max3A_2723, %min3A_2736 : vector<8x128xf32>
    %min3A_2738 = arith.minimumf %max3A_2723, %min3A_2736 : vector<8x128xf32>
    %max3A_2739 = arith.maximumf %max3A_2725, %min3A_2738 : vector<8x128xf32>
    %min3A_2740 = arith.minimumf %max3A_2725, %min3A_2738 : vector<8x128xf32>
    %max3A_2741 = arith.maximumf %max3A_2727, %min3A_2740 : vector<8x128xf32>
    %get3A_2742 = arith.constant 0 : index
    %get3A_2743 = arith.constant 25088 : index
    %get3A_2744 = vector.load %arg1[%get3A_2742, %get3A_2743] : memref<8x32768xf32, #tpu.memory_space<vmem>>, vector<8x128xf32>
    %exp3A_2745 = math.exp %get3A_2744 : vector<8x128xf32>
    %add3A_2746 = arith.addf %add3A_2732, %exp3A_2745 : vector<8x128xf32>
    %max3A_2747 = arith.maximumf %max3A_2733, %get3A_2744 : vector<8x128xf32>
    %min3A_2748 = arith.minimumf %max3A_2733, %get3A_2744 : vector<8x128xf32>
    %max3A_2749 = arith.maximumf %max3A_2735, %min3A_2748 : vector<8x128xf32>
    %min3A_2750 = arith.minimumf %max3A_2735, %min3A_2748 : vector<8x128xf32>
    %max3A_2751 = arith.maximumf %max3A_2737, %min3A_2750 : vector<8x128xf32>
    %min3A_2752 = arith.minimumf %max3A_2737, %min3A_2750 : vector<8x128xf32>
    %max3A_2753 = arith.maximumf %max3A_2739, %min3A_2752 : vector<8x128xf32>
    %min3A_2754 = arith.minimumf %max3A_2739, %min3A_2752 : vector<8x128xf32>
    %max3A_2755 = arith.maximumf %max3A_2741, %min3A_2754 : vector<8x128xf32>
    %get3A_2756 = arith.constant 0 : index
    %get3A_2757 = arith.constant 25216 : index
    %get3A_2758 = vector.load %arg1[%get3A_2756, %get3A_2757] : memref<8x32768xf32, #tpu.memory_space<vmem>>, vector<8x128xf32>
    %exp3A_2759 = math.exp %get3A_2758 : vector<8x128xf32>
    %add3A_2760 = arith.addf %add3A_2746, %exp3A_2759 : vector<8x128xf32>
    %max3A_2761 = arith.maximumf %max3A_2747, %get3A_2758 : vector<8x128xf32>
    %min3A_2762 = arith.minimumf %max3A_2747, %get3A_2758 : vector<8x128xf32>
    %max3A_2763 = arith.maximumf %max3A_2749, %min3A_2762 : vector<8x128xf32>
    %min3A_2764 = arith.minimumf %max3A_2749, %min3A_2762 : vector<8x128xf32>
    %max3A_2765 = arith.maximumf %max3A_2751, %min3A_2764 : vector<8x128xf32>
    %min3A_2766 = arith.minimumf %max3A_2751, %min3A_2764 : vector<8x128xf32>
    %max3A_2767 = arith.maximumf %max3A_2753, %min3A_2766 : vector<8x128xf32>
    %min3A_2768 = arith.minimumf %max3A_2753, %min3A_2766 : vector<8x128xf32>
    %max3A_2769 = arith.maximumf %max3A_2755, %min3A_2768 : vector<8x128xf32>
    %get3A_2770 = arith.constant 0 : index
    %get3A_2771 = arith.constant 25344 : index
    %get3A_2772 = vector.load %arg1[%get3A_2770, %get3A_2771] : memref<8x32768xf32, #tpu.memory_space<vmem>>, vector<8x128xf32>
    %exp3A_2773 = math.exp %get3A_2772 : vector<8x128xf32>
    %add3A_2774 = arith.addf %add3A_2760, %exp3A_2773 : vector<8x128xf32>
    %max3A_2775 = arith.maximumf %max3A_2761, %get3A_2772 : vector<8x128xf32>
    %min3A_2776 = arith.minimumf %max3A_2761, %get3A_2772 : vector<8x128xf32>
    %max3A_2777 = arith.maximumf %max3A_2763, %min3A_2776 : vector<8x128xf32>
    %min3A_2778 = arith.minimumf %max3A_2763, %min3A_2776 : vector<8x128xf32>
    %max3A_2779 = arith.maximumf %max3A_2765, %min3A_2778 : vector<8x128xf32>
    %min3A_2780 = arith.minimumf %max3A_2765, %min3A_2778 : vector<8x128xf32>
    %max3A_2781 = arith.maximumf %max3A_2767, %min3A_2780 : vector<8x128xf32>
    %min3A_2782 = arith.minimumf %max3A_2767, %min3A_2780 : vector<8x128xf32>
    %max3A_2783 = arith.maximumf %max3A_2769, %min3A_2782 : vector<8x128xf32>
    %get3A_2784 = arith.constant 0 : index
    %get3A_2785 = arith.constant 25472 : index
    %get3A_2786 = vector.load %arg1[%get3A_2784, %get3A_2785] : memref<8x32768xf32, #tpu.memory_space<vmem>>, vector<8x128xf32>
    %exp3A_2787 = math.exp %get3A_2786 : vector<8x128xf32>
    %add3A_2788 = arith.addf %add3A_2774, %exp3A_2787 : vector<8x128xf32>
    %max3A_2789 = arith.maximumf %max3A_2775, %get3A_2786 : vector<8x128xf32>
    %min3A_2790 = arith.minimumf %max3A_2775, %get3A_2786 : vector<8x128xf32>
    %max3A_2791 = arith.maximumf %max3A_2777, %min3A_2790 : vector<8x128xf32>
    %min3A_2792 = arith.minimumf %max3A_2777, %min3A_2790 : vector<8x128xf32>
    %max3A_2793 = arith.maximumf %max3A_2779, %min3A_2792 : vector<8x128xf32>
    %min3A_2794 = arith.minimumf %max3A_2779, %min3A_2792 : vector<8x128xf32>
    %max3A_2795 = arith.maximumf %max3A_2781, %min3A_2794 : vector<8x128xf32>
    %min3A_2796 = arith.minimumf %max3A_2781, %min3A_2794 : vector<8x128xf32>
    %max3A_2797 = arith.maximumf %max3A_2783, %min3A_2796 : vector<8x128xf32>
    %get3A_2798 = arith.constant 0 : index
    %get3A_2799 = arith.constant 25600 : index
    %get3A_2800 = vector.load %arg1[%get3A_2798, %get3A_2799] : memref<8x32768xf32, #tpu.memory_space<vmem>>, vector<8x128xf32>
    %exp3A_2801 = math.exp %get3A_2800 : vector<8x128xf32>
    %add3A_2802 = arith.addf %add3A_2788, %exp3A_2801 : vector<8x128xf32>
    %max3A_2803 = arith.maximumf %max3A_2789, %get3A_2800 : vector<8x128xf32>
    %min3A_2804 = arith.minimumf %max3A_2789, %get3A_2800 : vector<8x128xf32>
    %max3A_2805 = arith.maximumf %max3A_2791, %min3A_2804 : vector<8x128xf32>
    %min3A_2806 = arith.minimumf %max3A_2791, %min3A_2804 : vector<8x128xf32>
    %max3A_2807 = arith.maximumf %max3A_2793, %min3A_2806 : vector<8x128xf32>
    %min3A_2808 = arith.minimumf %max3A_2793, %min3A_2806 : vector<8x128xf32>
    %max3A_2809 = arith.maximumf %max3A_2795, %min3A_2808 : vector<8x128xf32>
    %min3A_2810 = arith.minimumf %max3A_2795, %min3A_2808 : vector<8x128xf32>
    %max3A_2811 = arith.maximumf %max3A_2797, %min3A_2810 : vector<8x128xf32>
    %get3A_2812 = arith.constant 0 : index
    %get3A_2813 = arith.constant 25728 : index
    %get3A_2814 = vector.load %arg1[%get3A_2812, %get3A_2813] : memref<8x32768xf32, #tpu.memory_space<vmem>>, vector<8x128xf32>
    %exp3A_2815 = math.exp %get3A_2814 : vector<8x128xf32>
    %add3A_2816 = arith.addf %add3A_2802, %exp3A_2815 : vector<8x128xf32>
    %max3A_2817 = arith.maximumf %max3A_2803, %get3A_2814 : vector<8x128xf32>
    %min3A_2818 = arith.minimumf %max3A_2803, %get3A_2814 : vector<8x128xf32>
    %max3A_2819 = arith.maximumf %max3A_2805, %min3A_2818 : vector<8x128xf32>
    %min3A_2820 = arith.minimumf %max3A_2805, %min3A_2818 : vector<8x128xf32>
    %max3A_2821 = arith.maximumf %max3A_2807, %min3A_2820 : vector<8x128xf32>
    %min3A_2822 = arith.minimumf %max3A_2807, %min3A_2820 : vector<8x128xf32>
    %max3A_2823 = arith.maximumf %max3A_2809, %min3A_2822 : vector<8x128xf32>
    %min3A_2824 = arith.minimumf %max3A_2809, %min3A_2822 : vector<8x128xf32>
    %max3A_2825 = arith.maximumf %max3A_2811, %min3A_2824 : vector<8x128xf32>
    %get3A_2826 = arith.constant 0 : index
    %get3A_2827 = arith.constant 25856 : index
    %get3A_2828 = vector.load %arg1[%get3A_2826, %get3A_2827] : memref<8x32768xf32, #tpu.memory_space<vmem>>, vector<8x128xf32>
    %exp3A_2829 = math.exp %get3A_2828 : vector<8x128xf32>
    %add3A_2830 = arith.addf %add3A_2816, %exp3A_2829 : vector<8x128xf32>
    %max3A_2831 = arith.maximumf %max3A_2817, %get3A_2828 : vector<8x128xf32>
    %min3A_2832 = arith.minimumf %max3A_2817, %get3A_2828 : vector<8x128xf32>
    %max3A_2833 = arith.maximumf %max3A_2819, %min3A_2832 : vector<8x128xf32>
    %min3A_2834 = arith.minimumf %max3A_2819, %min3A_2832 : vector<8x128xf32>
    %max3A_2835 = arith.maximumf %max3A_2821, %min3A_2834 : vector<8x128xf32>
    %min3A_2836 = arith.minimumf %max3A_2821, %min3A_2834 : vector<8x128xf32>
    %max3A_2837 = arith.maximumf %max3A_2823, %min3A_2836 : vector<8x128xf32>
    %min3A_2838 = arith.minimumf %max3A_2823, %min3A_2836 : vector<8x128xf32>
    %max3A_2839 = arith.maximumf %max3A_2825, %min3A_2838 : vector<8x128xf32>
    %get3A_2840 = arith.constant 0 : index
    %get3A_2841 = arith.constant 25984 : index
    %get3A_2842 = vector.load %arg1[%get3A_2840, %get3A_2841] : memref<8x32768xf32, #tpu.memory_space<vmem>>, vector<8x128xf32>
    %exp3A_2843 = math.exp %get3A_2842 : vector<8x128xf32>
    %add3A_2844 = arith.addf %add3A_2830, %exp3A_2843 : vector<8x128xf32>
    %max3A_2845 = arith.maximumf %max3A_2831, %get3A_2842 : vector<8x128xf32>
    %min3A_2846 = arith.minimumf %max3A_2831, %get3A_2842 : vector<8x128xf32>
    %max3A_2847 = arith.maximumf %max3A_2833, %min3A_2846 : vector<8x128xf32>
    %min3A_2848 = arith.minimumf %max3A_2833, %min3A_2846 : vector<8x128xf32>
    %max3A_2849 = arith.maximumf %max3A_2835, %min3A_2848 : vector<8x128xf32>
    %min3A_2850 = arith.minimumf %max3A_2835, %min3A_2848 : vector<8x128xf32>
    %max3A_2851 = arith.maximumf %max3A_2837, %min3A_2850 : vector<8x128xf32>
    %min3A_2852 = arith.minimumf %max3A_2837, %min3A_2850 : vector<8x128xf32>
    %max3A_2853 = arith.maximumf %max3A_2839, %min3A_2852 : vector<8x128xf32>
    %get3A_2854 = arith.constant 0 : index
    %get3A_2855 = arith.constant 26112 : index
    %get3A_2856 = vector.load %arg1[%get3A_2854, %get3A_2855] : memref<8x32768xf32, #tpu.memory_space<vmem>>, vector<8x128xf32>
    %exp3A_2857 = math.exp %get3A_2856 : vector<8x128xf32>
    %add3A_2858 = arith.addf %add3A_2844, %exp3A_2857 : vector<8x128xf32>
    %max3A_2859 = arith.maximumf %max3A_2845, %get3A_2856 : vector<8x128xf32>
    %min3A_2860 = arith.minimumf %max3A_2845, %get3A_2856 : vector<8x128xf32>
    %max3A_2861 = arith.maximumf %max3A_2847, %min3A_2860 : vector<8x128xf32>
    %min3A_2862 = arith.minimumf %max3A_2847, %min3A_2860 : vector<8x128xf32>
    %max3A_2863 = arith.maximumf %max3A_2849, %min3A_2862 : vector<8x128xf32>
    %min3A_2864 = arith.minimumf %max3A_2849, %min3A_2862 : vector<8x128xf32>
    %max3A_2865 = arith.maximumf %max3A_2851, %min3A_2864 : vector<8x128xf32>
    %min3A_2866 = arith.minimumf %max3A_2851, %min3A_2864 : vector<8x128xf32>
    %max3A_2867 = arith.maximumf %max3A_2853, %min3A_2866 : vector<8x128xf32>
    %get3A_2868 = arith.constant 0 : index
    %get3A_2869 = arith.constant 26240 : index
    %get3A_2870 = vector.load %arg1[%get3A_2868, %get3A_2869] : memref<8x32768xf32, #tpu.memory_space<vmem>>, vector<8x128xf32>
    %exp3A_2871 = math.exp %get3A_2870 : vector<8x128xf32>
    %add3A_2872 = arith.addf %add3A_2858, %exp3A_2871 : vector<8x128xf32>
    %max3A_2873 = arith.maximumf %max3A_2859, %get3A_2870 : vector<8x128xf32>
    %min3A_2874 = arith.minimumf %max3A_2859, %get3A_2870 : vector<8x128xf32>
    %max3A_2875 = arith.maximumf %max3A_2861, %min3A_2874 : vector<8x128xf32>
    %min3A_2876 = arith.minimumf %max3A_2861, %min3A_2874 : vector<8x128xf32>
    %max3A_2877 = arith.maximumf %max3A_2863, %min3A_2876 : vector<8x128xf32>
    %min3A_2878 = arith.minimumf %max3A_2863, %min3A_2876 : vector<8x128xf32>
    %max3A_2879 = arith.maximumf %max3A_2865, %min3A_2878 : vector<8x128xf32>
    %min3A_2880 = arith.minimumf %max3A_2865, %min3A_2878 : vector<8x128xf32>
    %max3A_2881 = arith.maximumf %max3A_2867, %min3A_2880 : vector<8x128xf32>
    %get3A_2882 = arith.constant 0 : index
    %get3A_2883 = arith.constant 26368 : index
    %get3A_2884 = vector.load %arg1[%get3A_2882, %get3A_2883] : memref<8x32768xf32, #tpu.memory_space<vmem>>, vector<8x128xf32>
    %exp3A_2885 = math.exp %get3A_2884 : vector<8x128xf32>
    %add3A_2886 = arith.addf %add3A_2872, %exp3A_2885 : vector<8x128xf32>
    %max3A_2887 = arith.maximumf %max3A_2873, %get3A_2884 : vector<8x128xf32>
    %min3A_2888 = arith.minimumf %max3A_2873, %get3A_2884 : vector<8x128xf32>
    %max3A_2889 = arith.maximumf %max3A_2875, %min3A_2888 : vector<8x128xf32>
    %min3A_2890 = arith.minimumf %max3A_2875, %min3A_2888 : vector<8x128xf32>
    %max3A_2891 = arith.maximumf %max3A_2877, %min3A_2890 : vector<8x128xf32>
    %min3A_2892 = arith.minimumf %max3A_2877, %min3A_2890 : vector<8x128xf32>
    %max3A_2893 = arith.maximumf %max3A_2879, %min3A_2892 : vector<8x128xf32>
    %min3A_2894 = arith.minimumf %max3A_2879, %min3A_2892 : vector<8x128xf32>
    %max3A_2895 = arith.maximumf %max3A_2881, %min3A_2894 : vector<8x128xf32>
    %get3A_2896 = arith.constant 0 : index
    %get3A_2897 = arith.constant 26496 : index
    %get3A_2898 = vector.load %arg1[%get3A_2896, %get3A_2897] : memref<8x32768xf32, #tpu.memory_space<vmem>>, vector<8x128xf32>
    %exp3A_2899 = math.exp %get3A_2898 : vector<8x128xf32>
    %add3A_2900 = arith.addf %add3A_2886, %exp3A_2899 : vector<8x128xf32>
    %max3A_2901 = arith.maximumf %max3A_2887, %get3A_2898 : vector<8x128xf32>
    %min3A_2902 = arith.minimumf %max3A_2887, %get3A_2898 : vector<8x128xf32>
    %max3A_2903 = arith.maximumf %max3A_2889, %min3A_2902 : vector<8x128xf32>
    %min3A_2904 = arith.minimumf %max3A_2889, %min3A_2902 : vector<8x128xf32>
    %max3A_2905 = arith.maximumf %max3A_2891, %min3A_2904 : vector<8x128xf32>
    %min3A_2906 = arith.minimumf %max3A_2891, %min3A_2904 : vector<8x128xf32>
    %max3A_2907 = arith.maximumf %max3A_2893, %min3A_2906 : vector<8x128xf32>
    %min3A_2908 = arith.minimumf %max3A_2893, %min3A_2906 : vector<8x128xf32>
    %max3A_2909 = arith.maximumf %max3A_2895, %min3A_2908 : vector<8x128xf32>
    %get3A_2910 = arith.constant 0 : index
    %get3A_2911 = arith.constant 26624 : index
    %get3A_2912 = vector.load %arg1[%get3A_2910, %get3A_2911] : memref<8x32768xf32, #tpu.memory_space<vmem>>, vector<8x128xf32>
    %exp3A_2913 = math.exp %get3A_2912 : vector<8x128xf32>
    %add3A_2914 = arith.addf %add3A_2900, %exp3A_2913 : vector<8x128xf32>
    %max3A_2915 = arith.maximumf %max3A_2901, %get3A_2912 : vector<8x128xf32>
    %min3A_2916 = arith.minimumf %max3A_2901, %get3A_2912 : vector<8x128xf32>
    %max3A_2917 = arith.maximumf %max3A_2903, %min3A_2916 : vector<8x128xf32>
    %min3A_2918 = arith.minimumf %max3A_2903, %min3A_2916 : vector<8x128xf32>
    %max3A_2919 = arith.maximumf %max3A_2905, %min3A_2918 : vector<8x128xf32>
    %min3A_2920 = arith.minimumf %max3A_2905, %min3A_2918 : vector<8x128xf32>
    %max3A_2921 = arith.maximumf %max3A_2907, %min3A_2920 : vector<8x128xf32>
    %min3A_2922 = arith.minimumf %max3A_2907, %min3A_2920 : vector<8x128xf32>
    %max3A_2923 = arith.maximumf %max3A_2909, %min3A_2922 : vector<8x128xf32>
    %get3A_2924 = arith.constant 0 : index
    %get3A_2925 = arith.constant 26752 : index
    %get3A_2926 = vector.load %arg1[%get3A_2924, %get3A_2925] : memref<8x32768xf32, #tpu.memory_space<vmem>>, vector<8x128xf32>
    %exp3A_2927 = math.exp %get3A_2926 : vector<8x128xf32>
    %add3A_2928 = arith.addf %add3A_2914, %exp3A_2927 : vector<8x128xf32>
    %max3A_2929 = arith.maximumf %max3A_2915, %get3A_2926 : vector<8x128xf32>
    %min3A_2930 = arith.minimumf %max3A_2915, %get3A_2926 : vector<8x128xf32>
    %max3A_2931 = arith.maximumf %max3A_2917, %min3A_2930 : vector<8x128xf32>
    %min3A_2932 = arith.minimumf %max3A_2917, %min3A_2930 : vector<8x128xf32>
    %max3A_2933 = arith.maximumf %max3A_2919, %min3A_2932 : vector<8x128xf32>
    %min3A_2934 = arith.minimumf %max3A_2919, %min3A_2932 : vector<8x128xf32>
    %max3A_2935 = arith.maximumf %max3A_2921, %min3A_2934 : vector<8x128xf32>
    %min3A_2936 = arith.minimumf %max3A_2921, %min3A_2934 : vector<8x128xf32>
    %max3A_2937 = arith.maximumf %max3A_2923, %min3A_2936 : vector<8x128xf32>
    %get3A_2938 = arith.constant 0 : index
    %get3A_2939 = arith.constant 26880 : index
    %get3A_2940 = vector.load %arg1[%get3A_2938, %get3A_2939] : memref<8x32768xf32, #tpu.memory_space<vmem>>, vector<8x128xf32>
    %exp3A_2941 = math.exp %get3A_2940 : vector<8x128xf32>
    %add3A_2942 = arith.addf %add3A_2928, %exp3A_2941 : vector<8x128xf32>
    %max3A_2943 = arith.maximumf %max3A_2929, %get3A_2940 : vector<8x128xf32>
    %min3A_2944 = arith.minimumf %max3A_2929, %get3A_2940 : vector<8x128xf32>
    %max3A_2945 = arith.maximumf %max3A_2931, %min3A_2944 : vector<8x128xf32>
    %min3A_2946 = arith.minimumf %max3A_2931, %min3A_2944 : vector<8x128xf32>
    %max3A_2947 = arith.maximumf %max3A_2933, %min3A_2946 : vector<8x128xf32>
    %min3A_2948 = arith.minimumf %max3A_2933, %min3A_2946 : vector<8x128xf32>
    %max3A_2949 = arith.maximumf %max3A_2935, %min3A_2948 : vector<8x128xf32>
    %min3A_2950 = arith.minimumf %max3A_2935, %min3A_2948 : vector<8x128xf32>
    %max3A_2951 = arith.maximumf %max3A_2937, %min3A_2950 : vector<8x128xf32>
    %get3A_2952 = arith.constant 0 : index
    %get3A_2953 = arith.constant 27008 : index
    %get3A_2954 = vector.load %arg1[%get3A_2952, %get3A_2953] : memref<8x32768xf32, #tpu.memory_space<vmem>>, vector<8x128xf32>
    %exp3A_2955 = math.exp %get3A_2954 : vector<8x128xf32>
    %add3A_2956 = arith.addf %add3A_2942, %exp3A_2955 : vector<8x128xf32>
    %max3A_2957 = arith.maximumf %max3A_2943, %get3A_2954 : vector<8x128xf32>
    %min3A_2958 = arith.minimumf %max3A_2943, %get3A_2954 : vector<8x128xf32>
    %max3A_2959 = arith.maximumf %max3A_2945, %min3A_2958 : vector<8x128xf32>
    %min3A_2960 = arith.minimumf %max3A_2945, %min3A_2958 : vector<8x128xf32>
    %max3A_2961 = arith.maximumf %max3A_2947, %min3A_2960 : vector<8x128xf32>
    %min3A_2962 = arith.minimumf %max3A_2947, %min3A_2960 : vector<8x128xf32>
    %max3A_2963 = arith.maximumf %max3A_2949, %min3A_2962 : vector<8x128xf32>
    %min3A_2964 = arith.minimumf %max3A_2949, %min3A_2962 : vector<8x128xf32>
    %max3A_2965 = arith.maximumf %max3A_2951, %min3A_2964 : vector<8x128xf32>
    %get3A_2966 = arith.constant 0 : index
    %get3A_2967 = arith.constant 27136 : index
    %get3A_2968 = vector.load %arg1[%get3A_2966, %get3A_2967] : memref<8x32768xf32, #tpu.memory_space<vmem>>, vector<8x128xf32>
    %exp3A_2969 = math.exp %get3A_2968 : vector<8x128xf32>
    %add3A_2970 = arith.addf %add3A_2956, %exp3A_2969 : vector<8x128xf32>
    %max3A_2971 = arith.maximumf %max3A_2957, %get3A_2968 : vector<8x128xf32>
    %min3A_2972 = arith.minimumf %max3A_2957, %get3A_2968 : vector<8x128xf32>
    %max3A_2973 = arith.maximumf %max3A_2959, %min3A_2972 : vector<8x128xf32>
    %min3A_2974 = arith.minimumf %max3A_2959, %min3A_2972 : vector<8x128xf32>
    %max3A_2975 = arith.maximumf %max3A_2961, %min3A_2974 : vector<8x128xf32>
    %min3A_2976 = arith.minimumf %max3A_2961, %min3A_2974 : vector<8x128xf32>
    %max3A_2977 = arith.maximumf %max3A_2963, %min3A_2976 : vector<8x128xf32>
    %min3A_2978 = arith.minimumf %max3A_2963, %min3A_2976 : vector<8x128xf32>
    %max3A_2979 = arith.maximumf %max3A_2965, %min3A_2978 : vector<8x128xf32>
    %get3A_2980 = arith.constant 0 : index
    %get3A_2981 = arith.constant 27264 : index
    %get3A_2982 = vector.load %arg1[%get3A_2980, %get3A_2981] : memref<8x32768xf32, #tpu.memory_space<vmem>>, vector<8x128xf32>
    %exp3A_2983 = math.exp %get3A_2982 : vector<8x128xf32>
    %add3A_2984 = arith.addf %add3A_2970, %exp3A_2983 : vector<8x128xf32>
    %max3A_2985 = arith.maximumf %max3A_2971, %get3A_2982 : vector<8x128xf32>
    %min3A_2986 = arith.minimumf %max3A_2971, %get3A_2982 : vector<8x128xf32>
    %max3A_2987 = arith.maximumf %max3A_2973, %min3A_2986 : vector<8x128xf32>
    %min3A_2988 = arith.minimumf %max3A_2973, %min3A_2986 : vector<8x128xf32>
    %max3A_2989 = arith.maximumf %max3A_2975, %min3A_2988 : vector<8x128xf32>
    %min3A_2990 = arith.minimumf %max3A_2975, %min3A_2988 : vector<8x128xf32>
    %max3A_2991 = arith.maximumf %max3A_2977, %min3A_2990 : vector<8x128xf32>
    %min3A_2992 = arith.minimumf %max3A_2977, %min3A_2990 : vector<8x128xf32>
    %max3A_2993 = arith.maximumf %max3A_2979, %min3A_2992 : vector<8x128xf32>
    %get3A_2994 = arith.constant 0 : index
    %get3A_2995 = arith.constant 27392 : index
    %get3A_2996 = vector.load %arg1[%get3A_2994, %get3A_2995] : memref<8x32768xf32, #tpu.memory_space<vmem>>, vector<8x128xf32>
    %exp3A_2997 = math.exp %get3A_2996 : vector<8x128xf32>
    %add3A_2998 = arith.addf %add3A_2984, %exp3A_2997 : vector<8x128xf32>
    %max3A_2999 = arith.maximumf %max3A_2985, %get3A_2996 : vector<8x128xf32>
    %min3A_3000 = arith.minimumf %max3A_2985, %get3A_2996 : vector<8x128xf32>
    %max3A_3001 = arith.maximumf %max3A_2987, %min3A_3000 : vector<8x128xf32>
    %min3A_3002 = arith.minimumf %max3A_2987, %min3A_3000 : vector<8x128xf32>
    %max3A_3003 = arith.maximumf %max3A_2989, %min3A_3002 : vector<8x128xf32>
    %min3A_3004 = arith.minimumf %max3A_2989, %min3A_3002 : vector<8x128xf32>
    %max3A_3005 = arith.maximumf %max3A_2991, %min3A_3004 : vector<8x128xf32>
    %min3A_3006 = arith.minimumf %max3A_2991, %min3A_3004 : vector<8x128xf32>
    %max3A_3007 = arith.maximumf %max3A_2993, %min3A_3006 : vector<8x128xf32>
    %get3A_3008 = arith.constant 0 : index
    %get3A_3009 = arith.constant 27520 : index
    %get3A_3010 = vector.load %arg1[%get3A_3008, %get3A_3009] : memref<8x32768xf32, #tpu.memory_space<vmem>>, vector<8x128xf32>
    %exp3A_3011 = math.exp %get3A_3010 : vector<8x128xf32>
    %add3A_3012 = arith.addf %add3A_2998, %exp3A_3011 : vector<8x128xf32>
    %max3A_3013 = arith.maximumf %max3A_2999, %get3A_3010 : vector<8x128xf32>
    %min3A_3014 = arith.minimumf %max3A_2999, %get3A_3010 : vector<8x128xf32>
    %max3A_3015 = arith.maximumf %max3A_3001, %min3A_3014 : vector<8x128xf32>
    %min3A_3016 = arith.minimumf %max3A_3001, %min3A_3014 : vector<8x128xf32>
    %max3A_3017 = arith.maximumf %max3A_3003, %min3A_3016 : vector<8x128xf32>
    %min3A_3018 = arith.minimumf %max3A_3003, %min3A_3016 : vector<8x128xf32>
    %max3A_3019 = arith.maximumf %max3A_3005, %min3A_3018 : vector<8x128xf32>
    %min3A_3020 = arith.minimumf %max3A_3005, %min3A_3018 : vector<8x128xf32>
    %max3A_3021 = arith.maximumf %max3A_3007, %min3A_3020 : vector<8x128xf32>
    %get3A_3022 = arith.constant 0 : index
    %get3A_3023 = arith.constant 27648 : index
    %get3A_3024 = vector.load %arg1[%get3A_3022, %get3A_3023] : memref<8x32768xf32, #tpu.memory_space<vmem>>, vector<8x128xf32>
    %exp3A_3025 = math.exp %get3A_3024 : vector<8x128xf32>
    %add3A_3026 = arith.addf %add3A_3012, %exp3A_3025 : vector<8x128xf32>
    %max3A_3027 = arith.maximumf %max3A_3013, %get3A_3024 : vector<8x128xf32>
    %min3A_3028 = arith.minimumf %max3A_3013, %get3A_3024 : vector<8x128xf32>
    %max3A_3029 = arith.maximumf %max3A_3015, %min3A_3028 : vector<8x128xf32>
    %min3A_3030 = arith.minimumf %max3A_3015, %min3A_3028 : vector<8x128xf32>
    %max3A_3031 = arith.maximumf %max3A_3017, %min3A_3030 : vector<8x128xf32>
    %min3A_3032 = arith.minimumf %max3A_3017, %min3A_3030 : vector<8x128xf32>
    %max3A_3033 = arith.maximumf %max3A_3019, %min3A_3032 : vector<8x128xf32>
    %min3A_3034 = arith.minimumf %max3A_3019, %min3A_3032 : vector<8x128xf32>
    %max3A_3035 = arith.maximumf %max3A_3021, %min3A_3034 : vector<8x128xf32>
    %get3A_3036 = arith.constant 0 : index
    %get3A_3037 = arith.constant 27776 : index
    %get3A_3038 = vector.load %arg1[%get3A_3036, %get3A_3037] : memref<8x32768xf32, #tpu.memory_space<vmem>>, vector<8x128xf32>
    %exp3A_3039 = math.exp %get3A_3038 : vector<8x128xf32>
    %add3A_3040 = arith.addf %add3A_3026, %exp3A_3039 : vector<8x128xf32>
    %max3A_3041 = arith.maximumf %max3A_3027, %get3A_3038 : vector<8x128xf32>
    %min3A_3042 = arith.minimumf %max3A_3027, %get3A_3038 : vector<8x128xf32>
    %max3A_3043 = arith.maximumf %max3A_3029, %min3A_3042 : vector<8x128xf32>
    %min3A_3044 = arith.minimumf %max3A_3029, %min3A_3042 : vector<8x128xf32>
    %max3A_3045 = arith.maximumf %max3A_3031, %min3A_3044 : vector<8x128xf32>
    %min3A_3046 = arith.minimumf %max3A_3031, %min3A_3044 : vector<8x128xf32>
    %max3A_3047 = arith.maximumf %max3A_3033, %min3A_3046 : vector<8x128xf32>
    %min3A_3048 = arith.minimumf %max3A_3033, %min3A_3046 : vector<8x128xf32>
    %max3A_3049 = arith.maximumf %max3A_3035, %min3A_3048 : vector<8x128xf32>
    %get3A_3050 = arith.constant 0 : index
    %get3A_3051 = arith.constant 27904 : index
    %get3A_3052 = vector.load %arg1[%get3A_3050, %get3A_3051] : memref<8x32768xf32, #tpu.memory_space<vmem>>, vector<8x128xf32>
    %exp3A_3053 = math.exp %get3A_3052 : vector<8x128xf32>
    %add3A_3054 = arith.addf %add3A_3040, %exp3A_3053 : vector<8x128xf32>
    %max3A_3055 = arith.maximumf %max3A_3041, %get3A_3052 : vector<8x128xf32>
    %min3A_3056 = arith.minimumf %max3A_3041, %get3A_3052 : vector<8x128xf32>
    %max3A_3057 = arith.maximumf %max3A_3043, %min3A_3056 : vector<8x128xf32>
    %min3A_3058 = arith.minimumf %max3A_3043, %min3A_3056 : vector<8x128xf32>
    %max3A_3059 = arith.maximumf %max3A_3045, %min3A_3058 : vector<8x128xf32>
    %min3A_3060 = arith.minimumf %max3A_3045, %min3A_3058 : vector<8x128xf32>
    %max3A_3061 = arith.maximumf %max3A_3047, %min3A_3060 : vector<8x128xf32>
    %min3A_3062 = arith.minimumf %max3A_3047, %min3A_3060 : vector<8x128xf32>
    %max3A_3063 = arith.maximumf %max3A_3049, %min3A_3062 : vector<8x128xf32>
    %get3A_3064 = arith.constant 0 : index
    %get3A_3065 = arith.constant 28032 : index
    %get3A_3066 = vector.load %arg1[%get3A_3064, %get3A_3065] : memref<8x32768xf32, #tpu.memory_space<vmem>>, vector<8x128xf32>
    %exp3A_3067 = math.exp %get3A_3066 : vector<8x128xf32>
    %add3A_3068 = arith.addf %add3A_3054, %exp3A_3067 : vector<8x128xf32>
    %max3A_3069 = arith.maximumf %max3A_3055, %get3A_3066 : vector<8x128xf32>
    %min3A_3070 = arith.minimumf %max3A_3055, %get3A_3066 : vector<8x128xf32>
    %max3A_3071 = arith.maximumf %max3A_3057, %min3A_3070 : vector<8x128xf32>
    %min3A_3072 = arith.minimumf %max3A_3057, %min3A_3070 : vector<8x128xf32>
    %max3A_3073 = arith.maximumf %max3A_3059, %min3A_3072 : vector<8x128xf32>
    %min3A_3074 = arith.minimumf %max3A_3059, %min3A_3072 : vector<8x128xf32>
    %max3A_3075 = arith.maximumf %max3A_3061, %min3A_3074 : vector<8x128xf32>
    %min3A_3076 = arith.minimumf %max3A_3061, %min3A_3074 : vector<8x128xf32>
    %max3A_3077 = arith.maximumf %max3A_3063, %min3A_3076 : vector<8x128xf32>
    %get3A_3078 = arith.constant 0 : index
    %get3A_3079 = arith.constant 28160 : index
    %get3A_3080 = vector.load %arg1[%get3A_3078, %get3A_3079] : memref<8x32768xf32, #tpu.memory_space<vmem>>, vector<8x128xf32>
    %exp3A_3081 = math.exp %get3A_3080 : vector<8x128xf32>
    %add3A_3082 = arith.addf %add3A_3068, %exp3A_3081 : vector<8x128xf32>
    %max3A_3083 = arith.maximumf %max3A_3069, %get3A_3080 : vector<8x128xf32>
    %min3A_3084 = arith.minimumf %max3A_3069, %get3A_3080 : vector<8x128xf32>
    %max3A_3085 = arith.maximumf %max3A_3071, %min3A_3084 : vector<8x128xf32>
    %min3A_3086 = arith.minimumf %max3A_3071, %min3A_3084 : vector<8x128xf32>
    %max3A_3087 = arith.maximumf %max3A_3073, %min3A_3086 : vector<8x128xf32>
    %min3A_3088 = arith.minimumf %max3A_3073, %min3A_3086 : vector<8x128xf32>
    %max3A_3089 = arith.maximumf %max3A_3075, %min3A_3088 : vector<8x128xf32>
    %min3A_3090 = arith.minimumf %max3A_3075, %min3A_3088 : vector<8x128xf32>
    %max3A_3091 = arith.maximumf %max3A_3077, %min3A_3090 : vector<8x128xf32>
    %get3A_3092 = arith.constant 0 : index
    %get3A_3093 = arith.constant 28288 : index
    %get3A_3094 = vector.load %arg1[%get3A_3092, %get3A_3093] : memref<8x32768xf32, #tpu.memory_space<vmem>>, vector<8x128xf32>
    %exp3A_3095 = math.exp %get3A_3094 : vector<8x128xf32>
    %add3A_3096 = arith.addf %add3A_3082, %exp3A_3095 : vector<8x128xf32>
    %max3A_3097 = arith.maximumf %max3A_3083, %get3A_3094 : vector<8x128xf32>
    %min3A_3098 = arith.minimumf %max3A_3083, %get3A_3094 : vector<8x128xf32>
    %max3A_3099 = arith.maximumf %max3A_3085, %min3A_3098 : vector<8x128xf32>
    %min3A_3100 = arith.minimumf %max3A_3085, %min3A_3098 : vector<8x128xf32>
    %max3A_3101 = arith.maximumf %max3A_3087, %min3A_3100 : vector<8x128xf32>
    %min3A_3102 = arith.minimumf %max3A_3087, %min3A_3100 : vector<8x128xf32>
    %max3A_3103 = arith.maximumf %max3A_3089, %min3A_3102 : vector<8x128xf32>
    %min3A_3104 = arith.minimumf %max3A_3089, %min3A_3102 : vector<8x128xf32>
    %max3A_3105 = arith.maximumf %max3A_3091, %min3A_3104 : vector<8x128xf32>
    %get3A_3106 = arith.constant 0 : index
    %get3A_3107 = arith.constant 28416 : index
    %get3A_3108 = vector.load %arg1[%get3A_3106, %get3A_3107] : memref<8x32768xf32, #tpu.memory_space<vmem>>, vector<8x128xf32>
    %exp3A_3109 = math.exp %get3A_3108 : vector<8x128xf32>
    %add3A_3110 = arith.addf %add3A_3096, %exp3A_3109 : vector<8x128xf32>
    %max3A_3111 = arith.maximumf %max3A_3097, %get3A_3108 : vector<8x128xf32>
    %min3A_3112 = arith.minimumf %max3A_3097, %get3A_3108 : vector<8x128xf32>
    %max3A_3113 = arith.maximumf %max3A_3099, %min3A_3112 : vector<8x128xf32>
    %min3A_3114 = arith.minimumf %max3A_3099, %min3A_3112 : vector<8x128xf32>
    %max3A_3115 = arith.maximumf %max3A_3101, %min3A_3114 : vector<8x128xf32>
    %min3A_3116 = arith.minimumf %max3A_3101, %min3A_3114 : vector<8x128xf32>
    %max3A_3117 = arith.maximumf %max3A_3103, %min3A_3116 : vector<8x128xf32>
    %min3A_3118 = arith.minimumf %max3A_3103, %min3A_3116 : vector<8x128xf32>
    %max3A_3119 = arith.maximumf %max3A_3105, %min3A_3118 : vector<8x128xf32>
    %get3A_3120 = arith.constant 0 : index
    %get3A_3121 = arith.constant 28544 : index
    %get3A_3122 = vector.load %arg1[%get3A_3120, %get3A_3121] : memref<8x32768xf32, #tpu.memory_space<vmem>>, vector<8x128xf32>
    %exp3A_3123 = math.exp %get3A_3122 : vector<8x128xf32>
    %add3A_3124 = arith.addf %add3A_3110, %exp3A_3123 : vector<8x128xf32>
    %max3A_3125 = arith.maximumf %max3A_3111, %get3A_3122 : vector<8x128xf32>
    %min3A_3126 = arith.minimumf %max3A_3111, %get3A_3122 : vector<8x128xf32>
    %max3A_3127 = arith.maximumf %max3A_3113, %min3A_3126 : vector<8x128xf32>
    %min3A_3128 = arith.minimumf %max3A_3113, %min3A_3126 : vector<8x128xf32>
    %max3A_3129 = arith.maximumf %max3A_3115, %min3A_3128 : vector<8x128xf32>
    %min3A_3130 = arith.minimumf %max3A_3115, %min3A_3128 : vector<8x128xf32>
    %max3A_3131 = arith.maximumf %max3A_3117, %min3A_3130 : vector<8x128xf32>
    %min3A_3132 = arith.minimumf %max3A_3117, %min3A_3130 : vector<8x128xf32>
    %max3A_3133 = arith.maximumf %max3A_3119, %min3A_3132 : vector<8x128xf32>
    %get3A_3134 = arith.constant 0 : index
    %get3A_3135 = arith.constant 28672 : index
    %get3A_3136 = vector.load %arg1[%get3A_3134, %get3A_3135] : memref<8x32768xf32, #tpu.memory_space<vmem>>, vector<8x128xf32>
    %exp3A_3137 = math.exp %get3A_3136 : vector<8x128xf32>
    %add3A_3138 = arith.addf %add3A_3124, %exp3A_3137 : vector<8x128xf32>
    %max3A_3139 = arith.maximumf %max3A_3125, %get3A_3136 : vector<8x128xf32>
    %min3A_3140 = arith.minimumf %max3A_3125, %get3A_3136 : vector<8x128xf32>
    %max3A_3141 = arith.maximumf %max3A_3127, %min3A_3140 : vector<8x128xf32>
    %min3A_3142 = arith.minimumf %max3A_3127, %min3A_3140 : vector<8x128xf32>
    %max3A_3143 = arith.maximumf %max3A_3129, %min3A_3142 : vector<8x128xf32>
    %min3A_3144 = arith.minimumf %max3A_3129, %min3A_3142 : vector<8x128xf32>
    %max3A_3145 = arith.maximumf %max3A_3131, %min3A_3144 : vector<8x128xf32>
    %min3A_3146 = arith.minimumf %max3A_3131, %min3A_3144 : vector<8x128xf32>
    %max3A_3147 = arith.maximumf %max3A_3133, %min3A_3146 : vector<8x128xf32>
    %get3A_3148 = arith.constant 0 : index
    %get3A_3149 = arith.constant 28800 : index
    %get3A_3150 = vector.load %arg1[%get3A_3148, %get3A_3149] : memref<8x32768xf32, #tpu.memory_space<vmem>>, vector<8x128xf32>
    %exp3A_3151 = math.exp %get3A_3150 : vector<8x128xf32>
    %add3A_3152 = arith.addf %add3A_3138, %exp3A_3151 : vector<8x128xf32>
    %max3A_3153 = arith.maximumf %max3A_3139, %get3A_3150 : vector<8x128xf32>
    %min3A_3154 = arith.minimumf %max3A_3139, %get3A_3150 : vector<8x128xf32>
    %max3A_3155 = arith.maximumf %max3A_3141, %min3A_3154 : vector<8x128xf32>
    %min3A_3156 = arith.minimumf %max3A_3141, %min3A_3154 : vector<8x128xf32>
    %max3A_3157 = arith.maximumf %max3A_3143, %min3A_3156 : vector<8x128xf32>
    %min3A_3158 = arith.minimumf %max3A_3143, %min3A_3156 : vector<8x128xf32>
    %max3A_3159 = arith.maximumf %max3A_3145, %min3A_3158 : vector<8x128xf32>
    %min3A_3160 = arith.minimumf %max3A_3145, %min3A_3158 : vector<8x128xf32>
    %max3A_3161 = arith.maximumf %max3A_3147, %min3A_3160 : vector<8x128xf32>
    %get3A_3162 = arith.constant 0 : index
    %get3A_3163 = arith.constant 28928 : index
    %get3A_3164 = vector.load %arg1[%get3A_3162, %get3A_3163] : memref<8x32768xf32, #tpu.memory_space<vmem>>, vector<8x128xf32>
    %exp3A_3165 = math.exp %get3A_3164 : vector<8x128xf32>
    %add3A_3166 = arith.addf %add3A_3152, %exp3A_3165 : vector<8x128xf32>
    %max3A_3167 = arith.maximumf %max3A_3153, %get3A_3164 : vector<8x128xf32>
    %min3A_3168 = arith.minimumf %max3A_3153, %get3A_3164 : vector<8x128xf32>
    %max3A_3169 = arith.maximumf %max3A_3155, %min3A_3168 : vector<8x128xf32>
    %min3A_3170 = arith.minimumf %max3A_3155, %min3A_3168 : vector<8x128xf32>
    %max3A_3171 = arith.maximumf %max3A_3157, %min3A_3170 : vector<8x128xf32>
    %min3A_3172 = arith.minimumf %max3A_3157, %min3A_3170 : vector<8x128xf32>
    %max3A_3173 = arith.maximumf %max3A_3159, %min3A_3172 : vector<8x128xf32>
    %min3A_3174 = arith.minimumf %max3A_3159, %min3A_3172 : vector<8x128xf32>
    %max3A_3175 = arith.maximumf %max3A_3161, %min3A_3174 : vector<8x128xf32>
    %get3A_3176 = arith.constant 0 : index
    %get3A_3177 = arith.constant 29056 : index
    %get3A_3178 = vector.load %arg1[%get3A_3176, %get3A_3177] : memref<8x32768xf32, #tpu.memory_space<vmem>>, vector<8x128xf32>
    %exp3A_3179 = math.exp %get3A_3178 : vector<8x128xf32>
    %add3A_3180 = arith.addf %add3A_3166, %exp3A_3179 : vector<8x128xf32>
    %max3A_3181 = arith.maximumf %max3A_3167, %get3A_3178 : vector<8x128xf32>
    %min3A_3182 = arith.minimumf %max3A_3167, %get3A_3178 : vector<8x128xf32>
    %max3A_3183 = arith.maximumf %max3A_3169, %min3A_3182 : vector<8x128xf32>
    %min3A_3184 = arith.minimumf %max3A_3169, %min3A_3182 : vector<8x128xf32>
    %max3A_3185 = arith.maximumf %max3A_3171, %min3A_3184 : vector<8x128xf32>
    %min3A_3186 = arith.minimumf %max3A_3171, %min3A_3184 : vector<8x128xf32>
    %max3A_3187 = arith.maximumf %max3A_3173, %min3A_3186 : vector<8x128xf32>
    %min3A_3188 = arith.minimumf %max3A_3173, %min3A_3186 : vector<8x128xf32>
    %max3A_3189 = arith.maximumf %max3A_3175, %min3A_3188 : vector<8x128xf32>
    %get3A_3190 = arith.constant 0 : index
    %get3A_3191 = arith.constant 29184 : index
    %get3A_3192 = vector.load %arg1[%get3A_3190, %get3A_3191] : memref<8x32768xf32, #tpu.memory_space<vmem>>, vector<8x128xf32>
    %exp3A_3193 = math.exp %get3A_3192 : vector<8x128xf32>
    %add3A_3194 = arith.addf %add3A_3180, %exp3A_3193 : vector<8x128xf32>
    %max3A_3195 = arith.maximumf %max3A_3181, %get3A_3192 : vector<8x128xf32>
    %min3A_3196 = arith.minimumf %max3A_3181, %get3A_3192 : vector<8x128xf32>
    %max3A_3197 = arith.maximumf %max3A_3183, %min3A_3196 : vector<8x128xf32>
    %min3A_3198 = arith.minimumf %max3A_3183, %min3A_3196 : vector<8x128xf32>
    %max3A_3199 = arith.maximumf %max3A_3185, %min3A_3198 : vector<8x128xf32>
    %min3A_3200 = arith.minimumf %max3A_3185, %min3A_3198 : vector<8x128xf32>
    %max3A_3201 = arith.maximumf %max3A_3187, %min3A_3200 : vector<8x128xf32>
    %min3A_3202 = arith.minimumf %max3A_3187, %min3A_3200 : vector<8x128xf32>
    %max3A_3203 = arith.maximumf %max3A_3189, %min3A_3202 : vector<8x128xf32>
    %get3A_3204 = arith.constant 0 : index
    %get3A_3205 = arith.constant 29312 : index
    %get3A_3206 = vector.load %arg1[%get3A_3204, %get3A_3205] : memref<8x32768xf32, #tpu.memory_space<vmem>>, vector<8x128xf32>
    %exp3A_3207 = math.exp %get3A_3206 : vector<8x128xf32>
    %add3A_3208 = arith.addf %add3A_3194, %exp3A_3207 : vector<8x128xf32>
    %max3A_3209 = arith.maximumf %max3A_3195, %get3A_3206 : vector<8x128xf32>
    %min3A_3210 = arith.minimumf %max3A_3195, %get3A_3206 : vector<8x128xf32>
    %max3A_3211 = arith.maximumf %max3A_3197, %min3A_3210 : vector<8x128xf32>
    %min3A_3212 = arith.minimumf %max3A_3197, %min3A_3210 : vector<8x128xf32>
    %max3A_3213 = arith.maximumf %max3A_3199, %min3A_3212 : vector<8x128xf32>
    %min3A_3214 = arith.minimumf %max3A_3199, %min3A_3212 : vector<8x128xf32>
    %max3A_3215 = arith.maximumf %max3A_3201, %min3A_3214 : vector<8x128xf32>
    %min3A_3216 = arith.minimumf %max3A_3201, %min3A_3214 : vector<8x128xf32>
    %max3A_3217 = arith.maximumf %max3A_3203, %min3A_3216 : vector<8x128xf32>
    %get3A_3218 = arith.constant 0 : index
    %get3A_3219 = arith.constant 29440 : index
    %get3A_3220 = vector.load %arg1[%get3A_3218, %get3A_3219] : memref<8x32768xf32, #tpu.memory_space<vmem>>, vector<8x128xf32>
    %exp3A_3221 = math.exp %get3A_3220 : vector<8x128xf32>
    %add3A_3222 = arith.addf %add3A_3208, %exp3A_3221 : vector<8x128xf32>
    %max3A_3223 = arith.maximumf %max3A_3209, %get3A_3220 : vector<8x128xf32>
    %min3A_3224 = arith.minimumf %max3A_3209, %get3A_3220 : vector<8x128xf32>
    %max3A_3225 = arith.maximumf %max3A_3211, %min3A_3224 : vector<8x128xf32>
    %min3A_3226 = arith.minimumf %max3A_3211, %min3A_3224 : vector<8x128xf32>
    %max3A_3227 = arith.maximumf %max3A_3213, %min3A_3226 : vector<8x128xf32>
    %min3A_3228 = arith.minimumf %max3A_3213, %min3A_3226 : vector<8x128xf32>
    %max3A_3229 = arith.maximumf %max3A_3215, %min3A_3228 : vector<8x128xf32>
    %min3A_3230 = arith.minimumf %max3A_3215, %min3A_3228 : vector<8x128xf32>
    %max3A_3231 = arith.maximumf %max3A_3217, %min3A_3230 : vector<8x128xf32>
    %get3A_3232 = arith.constant 0 : index
    %get3A_3233 = arith.constant 29568 : index
    %get3A_3234 = vector.load %arg1[%get3A_3232, %get3A_3233] : memref<8x32768xf32, #tpu.memory_space<vmem>>, vector<8x128xf32>
    %exp3A_3235 = math.exp %get3A_3234 : vector<8x128xf32>
    %add3A_3236 = arith.addf %add3A_3222, %exp3A_3235 : vector<8x128xf32>
    %max3A_3237 = arith.maximumf %max3A_3223, %get3A_3234 : vector<8x128xf32>
    %min3A_3238 = arith.minimumf %max3A_3223, %get3A_3234 : vector<8x128xf32>
    %max3A_3239 = arith.maximumf %max3A_3225, %min3A_3238 : vector<8x128xf32>
    %min3A_3240 = arith.minimumf %max3A_3225, %min3A_3238 : vector<8x128xf32>
    %max3A_3241 = arith.maximumf %max3A_3227, %min3A_3240 : vector<8x128xf32>
    %min3A_3242 = arith.minimumf %max3A_3227, %min3A_3240 : vector<8x128xf32>
    %max3A_3243 = arith.maximumf %max3A_3229, %min3A_3242 : vector<8x128xf32>
    %min3A_3244 = arith.minimumf %max3A_3229, %min3A_3242 : vector<8x128xf32>
    %max3A_3245 = arith.maximumf %max3A_3231, %min3A_3244 : vector<8x128xf32>
    %get3A_3246 = arith.constant 0 : index
    %get3A_3247 = arith.constant 29696 : index
    %get3A_3248 = vector.load %arg1[%get3A_3246, %get3A_3247] : memref<8x32768xf32, #tpu.memory_space<vmem>>, vector<8x128xf32>
    %exp3A_3249 = math.exp %get3A_3248 : vector<8x128xf32>
    %add3A_3250 = arith.addf %add3A_3236, %exp3A_3249 : vector<8x128xf32>
    %max3A_3251 = arith.maximumf %max3A_3237, %get3A_3248 : vector<8x128xf32>
    %min3A_3252 = arith.minimumf %max3A_3237, %get3A_3248 : vector<8x128xf32>
    %max3A_3253 = arith.maximumf %max3A_3239, %min3A_3252 : vector<8x128xf32>
    %min3A_3254 = arith.minimumf %max3A_3239, %min3A_3252 : vector<8x128xf32>
    %max3A_3255 = arith.maximumf %max3A_3241, %min3A_3254 : vector<8x128xf32>
    %min3A_3256 = arith.minimumf %max3A_3241, %min3A_3254 : vector<8x128xf32>
    %max3A_3257 = arith.maximumf %max3A_3243, %min3A_3256 : vector<8x128xf32>
    %min3A_3258 = arith.minimumf %max3A_3243, %min3A_3256 : vector<8x128xf32>
    %max3A_3259 = arith.maximumf %max3A_3245, %min3A_3258 : vector<8x128xf32>
    %get3A_3260 = arith.constant 0 : index
    %get3A_3261 = arith.constant 29824 : index
    %get3A_3262 = vector.load %arg1[%get3A_3260, %get3A_3261] : memref<8x32768xf32, #tpu.memory_space<vmem>>, vector<8x128xf32>
    %exp3A_3263 = math.exp %get3A_3262 : vector<8x128xf32>
    %add3A_3264 = arith.addf %add3A_3250, %exp3A_3263 : vector<8x128xf32>
    %max3A_3265 = arith.maximumf %max3A_3251, %get3A_3262 : vector<8x128xf32>
    %min3A_3266 = arith.minimumf %max3A_3251, %get3A_3262 : vector<8x128xf32>
    %max3A_3267 = arith.maximumf %max3A_3253, %min3A_3266 : vector<8x128xf32>
    %min3A_3268 = arith.minimumf %max3A_3253, %min3A_3266 : vector<8x128xf32>
    %max3A_3269 = arith.maximumf %max3A_3255, %min3A_3268 : vector<8x128xf32>
    %min3A_3270 = arith.minimumf %max3A_3255, %min3A_3268 : vector<8x128xf32>
    %max3A_3271 = arith.maximumf %max3A_3257, %min3A_3270 : vector<8x128xf32>
    %min3A_3272 = arith.minimumf %max3A_3257, %min3A_3270 : vector<8x128xf32>
    %max3A_3273 = arith.maximumf %max3A_3259, %min3A_3272 : vector<8x128xf32>
    %get3A_3274 = arith.constant 0 : index
    %get3A_3275 = arith.constant 29952 : index
    %get3A_3276 = vector.load %arg1[%get3A_3274, %get3A_3275] : memref<8x32768xf32, #tpu.memory_space<vmem>>, vector<8x128xf32>
    %exp3A_3277 = math.exp %get3A_3276 : vector<8x128xf32>
    %add3A_3278 = arith.addf %add3A_3264, %exp3A_3277 : vector<8x128xf32>
    %max3A_3279 = arith.maximumf %max3A_3265, %get3A_3276 : vector<8x128xf32>
    %min3A_3280 = arith.minimumf %max3A_3265, %get3A_3276 : vector<8x128xf32>
    %max3A_3281 = arith.maximumf %max3A_3267, %min3A_3280 : vector<8x128xf32>
    %min3A_3282 = arith.minimumf %max3A_3267, %min3A_3280 : vector<8x128xf32>
    %max3A_3283 = arith.maximumf %max3A_3269, %min3A_3282 : vector<8x128xf32>
    %min3A_3284 = arith.minimumf %max3A_3269, %min3A_3282 : vector<8x128xf32>
    %max3A_3285 = arith.maximumf %max3A_3271, %min3A_3284 : vector<8x128xf32>
    %min3A_3286 = arith.minimumf %max3A_3271, %min3A_3284 : vector<8x128xf32>
    %max3A_3287 = arith.maximumf %max3A_3273, %min3A_3286 : vector<8x128xf32>
    %get3A_3288 = arith.constant 0 : index
    %get3A_3289 = arith.constant 30080 : index
    %get3A_3290 = vector.load %arg1[%get3A_3288, %get3A_3289] : memref<8x32768xf32, #tpu.memory_space<vmem>>, vector<8x128xf32>
    %exp3A_3291 = math.exp %get3A_3290 : vector<8x128xf32>
    %add3A_3292 = arith.addf %add3A_3278, %exp3A_3291 : vector<8x128xf32>
    %max3A_3293 = arith.maximumf %max3A_3279, %get3A_3290 : vector<8x128xf32>
    %min3A_3294 = arith.minimumf %max3A_3279, %get3A_3290 : vector<8x128xf32>
    %max3A_3295 = arith.maximumf %max3A_3281, %min3A_3294 : vector<8x128xf32>
    %min3A_3296 = arith.minimumf %max3A_3281, %min3A_3294 : vector<8x128xf32>
    %max3A_3297 = arith.maximumf %max3A_3283, %min3A_3296 : vector<8x128xf32>
    %min3A_3298 = arith.minimumf %max3A_3283, %min3A_3296 : vector<8x128xf32>
    %max3A_3299 = arith.maximumf %max3A_3285, %min3A_3298 : vector<8x128xf32>
    %min3A_3300 = arith.minimumf %max3A_3285, %min3A_3298 : vector<8x128xf32>
    %max3A_3301 = arith.maximumf %max3A_3287, %min3A_3300 : vector<8x128xf32>
    %get3A_3302 = arith.constant 0 : index
    %get3A_3303 = arith.constant 30208 : index
    %get3A_3304 = vector.load %arg1[%get3A_3302, %get3A_3303] : memref<8x32768xf32, #tpu.memory_space<vmem>>, vector<8x128xf32>
    %exp3A_3305 = math.exp %get3A_3304 : vector<8x128xf32>
    %add3A_3306 = arith.addf %add3A_3292, %exp3A_3305 : vector<8x128xf32>
    %max3A_3307 = arith.maximumf %max3A_3293, %get3A_3304 : vector<8x128xf32>
    %min3A_3308 = arith.minimumf %max3A_3293, %get3A_3304 : vector<8x128xf32>
    %max3A_3309 = arith.maximumf %max3A_3295, %min3A_3308 : vector<8x128xf32>
    %min3A_3310 = arith.minimumf %max3A_3295, %min3A_3308 : vector<8x128xf32>
    %max3A_3311 = arith.maximumf %max3A_3297, %min3A_3310 : vector<8x128xf32>
    %min3A_3312 = arith.minimumf %max3A_3297, %min3A_3310 : vector<8x128xf32>
    %max3A_3313 = arith.maximumf %max3A_3299, %min3A_3312 : vector<8x128xf32>
    %min3A_3314 = arith.minimumf %max3A_3299, %min3A_3312 : vector<8x128xf32>
    %max3A_3315 = arith.maximumf %max3A_3301, %min3A_3314 : vector<8x128xf32>
    %get3A_3316 = arith.constant 0 : index
    %get3A_3317 = arith.constant 30336 : index
    %get3A_3318 = vector.load %arg1[%get3A_3316, %get3A_3317] : memref<8x32768xf32, #tpu.memory_space<vmem>>, vector<8x128xf32>
    %exp3A_3319 = math.exp %get3A_3318 : vector<8x128xf32>
    %add3A_3320 = arith.addf %add3A_3306, %exp3A_3319 : vector<8x128xf32>
    %max3A_3321 = arith.maximumf %max3A_3307, %get3A_3318 : vector<8x128xf32>
    %min3A_3322 = arith.minimumf %max3A_3307, %get3A_3318 : vector<8x128xf32>
    %max3A_3323 = arith.maximumf %max3A_3309, %min3A_3322 : vector<8x128xf32>
    %min3A_3324 = arith.minimumf %max3A_3309, %min3A_3322 : vector<8x128xf32>
    %max3A_3325 = arith.maximumf %max3A_3311, %min3A_3324 : vector<8x128xf32>
    %min3A_3326 = arith.minimumf %max3A_3311, %min3A_3324 : vector<8x128xf32>
    %max3A_3327 = arith.maximumf %max3A_3313, %min3A_3326 : vector<8x128xf32>
    %min3A_3328 = arith.minimumf %max3A_3313, %min3A_3326 : vector<8x128xf32>
    %max3A_3329 = arith.maximumf %max3A_3315, %min3A_3328 : vector<8x128xf32>
    %get3A_3330 = arith.constant 0 : index
    %get3A_3331 = arith.constant 30464 : index
    %get3A_3332 = vector.load %arg1[%get3A_3330, %get3A_3331] : memref<8x32768xf32, #tpu.memory_space<vmem>>, vector<8x128xf32>
    %exp3A_3333 = math.exp %get3A_3332 : vector<8x128xf32>
    %add3A_3334 = arith.addf %add3A_3320, %exp3A_3333 : vector<8x128xf32>
    %max3A_3335 = arith.maximumf %max3A_3321, %get3A_3332 : vector<8x128xf32>
    %min3A_3336 = arith.minimumf %max3A_3321, %get3A_3332 : vector<8x128xf32>
    %max3A_3337 = arith.maximumf %max3A_3323, %min3A_3336 : vector<8x128xf32>
    %min3A_3338 = arith.minimumf %max3A_3323, %min3A_3336 : vector<8x128xf32>
    %max3A_3339 = arith.maximumf %max3A_3325, %min3A_3338 : vector<8x128xf32>
    %min3A_3340 = arith.minimumf %max3A_3325, %min3A_3338 : vector<8x128xf32>
    %max3A_3341 = arith.maximumf %max3A_3327, %min3A_3340 : vector<8x128xf32>
    %min3A_3342 = arith.minimumf %max3A_3327, %min3A_3340 : vector<8x128xf32>
    %max3A_3343 = arith.maximumf %max3A_3329, %min3A_3342 : vector<8x128xf32>
    %get3A_3344 = arith.constant 0 : index
    %get3A_3345 = arith.constant 30592 : index
    %get3A_3346 = vector.load %arg1[%get3A_3344, %get3A_3345] : memref<8x32768xf32, #tpu.memory_space<vmem>>, vector<8x128xf32>
    %exp3A_3347 = math.exp %get3A_3346 : vector<8x128xf32>
    %add3A_3348 = arith.addf %add3A_3334, %exp3A_3347 : vector<8x128xf32>
    %max3A_3349 = arith.maximumf %max3A_3335, %get3A_3346 : vector<8x128xf32>
    %min3A_3350 = arith.minimumf %max3A_3335, %get3A_3346 : vector<8x128xf32>
    %max3A_3351 = arith.maximumf %max3A_3337, %min3A_3350 : vector<8x128xf32>
    %min3A_3352 = arith.minimumf %max3A_3337, %min3A_3350 : vector<8x128xf32>
    %max3A_3353 = arith.maximumf %max3A_3339, %min3A_3352 : vector<8x128xf32>
    %min3A_3354 = arith.minimumf %max3A_3339, %min3A_3352 : vector<8x128xf32>
    %max3A_3355 = arith.maximumf %max3A_3341, %min3A_3354 : vector<8x128xf32>
    %min3A_3356 = arith.minimumf %max3A_3341, %min3A_3354 : vector<8x128xf32>
    %max3A_3357 = arith.maximumf %max3A_3343, %min3A_3356 : vector<8x128xf32>
    %get3A_3358 = arith.constant 0 : index
    %get3A_3359 = arith.constant 30720 : index
    %get3A_3360 = vector.load %arg1[%get3A_3358, %get3A_3359] : memref<8x32768xf32, #tpu.memory_space<vmem>>, vector<8x128xf32>
    %exp3A_3361 = math.exp %get3A_3360 : vector<8x128xf32>
    %add3A_3362 = arith.addf %add3A_3348, %exp3A_3361 : vector<8x128xf32>
    %max3A_3363 = arith.maximumf %max3A_3349, %get3A_3360 : vector<8x128xf32>
    %min3A_3364 = arith.minimumf %max3A_3349, %get3A_3360 : vector<8x128xf32>
    %max3A_3365 = arith.maximumf %max3A_3351, %min3A_3364 : vector<8x128xf32>
    %min3A_3366 = arith.minimumf %max3A_3351, %min3A_3364 : vector<8x128xf32>
    %max3A_3367 = arith.maximumf %max3A_3353, %min3A_3366 : vector<8x128xf32>
    %min3A_3368 = arith.minimumf %max3A_3353, %min3A_3366 : vector<8x128xf32>
    %max3A_3369 = arith.maximumf %max3A_3355, %min3A_3368 : vector<8x128xf32>
    %min3A_3370 = arith.minimumf %max3A_3355, %min3A_3368 : vector<8x128xf32>
    %max3A_3371 = arith.maximumf %max3A_3357, %min3A_3370 : vector<8x128xf32>
    %get3A_3372 = arith.constant 0 : index
    %get3A_3373 = arith.constant 30848 : index
    %get3A_3374 = vector.load %arg1[%get3A_3372, %get3A_3373] : memref<8x32768xf32, #tpu.memory_space<vmem>>, vector<8x128xf32>
    %exp3A_3375 = math.exp %get3A_3374 : vector<8x128xf32>
    %add3A_3376 = arith.addf %add3A_3362, %exp3A_3375 : vector<8x128xf32>
    %max3A_3377 = arith.maximumf %max3A_3363, %get3A_3374 : vector<8x128xf32>
    %min3A_3378 = arith.minimumf %max3A_3363, %get3A_3374 : vector<8x128xf32>
    %max3A_3379 = arith.maximumf %max3A_3365, %min3A_3378 : vector<8x128xf32>
    %min3A_3380 = arith.minimumf %max3A_3365, %min3A_3378 : vector<8x128xf32>
    %max3A_3381 = arith.maximumf %max3A_3367, %min3A_3380 : vector<8x128xf32>
    %min3A_3382 = arith.minimumf %max3A_3367, %min3A_3380 : vector<8x128xf32>
    %max3A_3383 = arith.maximumf %max3A_3369, %min3A_3382 : vector<8x128xf32>
    %min3A_3384 = arith.minimumf %max3A_3369, %min3A_3382 : vector<8x128xf32>
    %max3A_3385 = arith.maximumf %max3A_3371, %min3A_3384 : vector<8x128xf32>
    %get3A_3386 = arith.constant 0 : index
    %get3A_3387 = arith.constant 30976 : index
    %get3A_3388 = vector.load %arg1[%get3A_3386, %get3A_3387] : memref<8x32768xf32, #tpu.memory_space<vmem>>, vector<8x128xf32>
    %exp3A_3389 = math.exp %get3A_3388 : vector<8x128xf32>
    %add3A_3390 = arith.addf %add3A_3376, %exp3A_3389 : vector<8x128xf32>
    %max3A_3391 = arith.maximumf %max3A_3377, %get3A_3388 : vector<8x128xf32>
    %min3A_3392 = arith.minimumf %max3A_3377, %get3A_3388 : vector<8x128xf32>
    %max3A_3393 = arith.maximumf %max3A_3379, %min3A_3392 : vector<8x128xf32>
    %min3A_3394 = arith.minimumf %max3A_3379, %min3A_3392 : vector<8x128xf32>
    %max3A_3395 = arith.maximumf %max3A_3381, %min3A_3394 : vector<8x128xf32>
    %min3A_3396 = arith.minimumf %max3A_3381, %min3A_3394 : vector<8x128xf32>
    %max3A_3397 = arith.maximumf %max3A_3383, %min3A_3396 : vector<8x128xf32>
    %min3A_3398 = arith.minimumf %max3A_3383, %min3A_3396 : vector<8x128xf32>
    %max3A_3399 = arith.maximumf %max3A_3385, %min3A_3398 : vector<8x128xf32>
    %get3A_3400 = arith.constant 0 : index
    %get3A_3401 = arith.constant 31104 : index
    %get3A_3402 = vector.load %arg1[%get3A_3400, %get3A_3401] : memref<8x32768xf32, #tpu.memory_space<vmem>>, vector<8x128xf32>
    %exp3A_3403 = math.exp %get3A_3402 : vector<8x128xf32>
    %add3A_3404 = arith.addf %add3A_3390, %exp3A_3403 : vector<8x128xf32>
    %max3A_3405 = arith.maximumf %max3A_3391, %get3A_3402 : vector<8x128xf32>
    %min3A_3406 = arith.minimumf %max3A_3391, %get3A_3402 : vector<8x128xf32>
    %max3A_3407 = arith.maximumf %max3A_3393, %min3A_3406 : vector<8x128xf32>
    %min3A_3408 = arith.minimumf %max3A_3393, %min3A_3406 : vector<8x128xf32>
    %max3A_3409 = arith.maximumf %max3A_3395, %min3A_3408 : vector<8x128xf32>
    %min3A_3410 = arith.minimumf %max3A_3395, %min3A_3408 : vector<8x128xf32>
    %max3A_3411 = arith.maximumf %max3A_3397, %min3A_3410 : vector<8x128xf32>
    %min3A_3412 = arith.minimumf %max3A_3397, %min3A_3410 : vector<8x128xf32>
    %max3A_3413 = arith.maximumf %max3A_3399, %min3A_3412 : vector<8x128xf32>
    %get3A_3414 = arith.constant 0 : index
    %get3A_3415 = arith.constant 31232 : index
    %get3A_3416 = vector.load %arg1[%get3A_3414, %get3A_3415] : memref<8x32768xf32, #tpu.memory_space<vmem>>, vector<8x128xf32>
    %exp3A_3417 = math.exp %get3A_3416 : vector<8x128xf32>
    %add3A_3418 = arith.addf %add3A_3404, %exp3A_3417 : vector<8x128xf32>
    %max3A_3419 = arith.maximumf %max3A_3405, %get3A_3416 : vector<8x128xf32>
    %min3A_3420 = arith.minimumf %max3A_3405, %get3A_3416 : vector<8x128xf32>
    %max3A_3421 = arith.maximumf %max3A_3407, %min3A_3420 : vector<8x128xf32>
    %min3A_3422 = arith.minimumf %max3A_3407, %min3A_3420 : vector<8x128xf32>
    %max3A_3423 = arith.maximumf %max3A_3409, %min3A_3422 : vector<8x128xf32>
    %min3A_3424 = arith.minimumf %max3A_3409, %min3A_3422 : vector<8x128xf32>
    %max3A_3425 = arith.maximumf %max3A_3411, %min3A_3424 : vector<8x128xf32>
    %min3A_3426 = arith.minimumf %max3A_3411, %min3A_3424 : vector<8x128xf32>
    %max3A_3427 = arith.maximumf %max3A_3413, %min3A_3426 : vector<8x128xf32>
    %get3A_3428 = arith.constant 0 : index
    %get3A_3429 = arith.constant 31360 : index
    %get3A_3430 = vector.load %arg1[%get3A_3428, %get3A_3429] : memref<8x32768xf32, #tpu.memory_space<vmem>>, vector<8x128xf32>
    %exp3A_3431 = math.exp %get3A_3430 : vector<8x128xf32>
    %add3A_3432 = arith.addf %add3A_3418, %exp3A_3431 : vector<8x128xf32>
    %max3A_3433 = arith.maximumf %max3A_3419, %get3A_3430 : vector<8x128xf32>
    %min3A_3434 = arith.minimumf %max3A_3419, %get3A_3430 : vector<8x128xf32>
    %max3A_3435 = arith.maximumf %max3A_3421, %min3A_3434 : vector<8x128xf32>
    %min3A_3436 = arith.minimumf %max3A_3421, %min3A_3434 : vector<8x128xf32>
    %max3A_3437 = arith.maximumf %max3A_3423, %min3A_3436 : vector<8x128xf32>
    %min3A_3438 = arith.minimumf %max3A_3423, %min3A_3436 : vector<8x128xf32>
    %max3A_3439 = arith.maximumf %max3A_3425, %min3A_3438 : vector<8x128xf32>
    %min3A_3440 = arith.minimumf %max3A_3425, %min3A_3438 : vector<8x128xf32>
    %max3A_3441 = arith.maximumf %max3A_3427, %min3A_3440 : vector<8x128xf32>
    %get3A_3442 = arith.constant 0 : index
    %get3A_3443 = arith.constant 31488 : index
    %get3A_3444 = vector.load %arg1[%get3A_3442, %get3A_3443] : memref<8x32768xf32, #tpu.memory_space<vmem>>, vector<8x128xf32>
    %exp3A_3445 = math.exp %get3A_3444 : vector<8x128xf32>
    %add3A_3446 = arith.addf %add3A_3432, %exp3A_3445 : vector<8x128xf32>
    %max3A_3447 = arith.maximumf %max3A_3433, %get3A_3444 : vector<8x128xf32>
    %min3A_3448 = arith.minimumf %max3A_3433, %get3A_3444 : vector<8x128xf32>
    %max3A_3449 = arith.maximumf %max3A_3435, %min3A_3448 : vector<8x128xf32>
    %min3A_3450 = arith.minimumf %max3A_3435, %min3A_3448 : vector<8x128xf32>
    %max3A_3451 = arith.maximumf %max3A_3437, %min3A_3450 : vector<8x128xf32>
    %min3A_3452 = arith.minimumf %max3A_3437, %min3A_3450 : vector<8x128xf32>
    %max3A_3453 = arith.maximumf %max3A_3439, %min3A_3452 : vector<8x128xf32>
    %min3A_3454 = arith.minimumf %max3A_3439, %min3A_3452 : vector<8x128xf32>
    %max3A_3455 = arith.maximumf %max3A_3441, %min3A_3454 : vector<8x128xf32>
    %get3A_3456 = arith.constant 0 : index
    %get3A_3457 = arith.constant 31616 : index
    %get3A_3458 = vector.load %arg1[%get3A_3456, %get3A_3457] : memref<8x32768xf32, #tpu.memory_space<vmem>>, vector<8x128xf32>
    %exp3A_3459 = math.exp %get3A_3458 : vector<8x128xf32>
    %add3A_3460 = arith.addf %add3A_3446, %exp3A_3459 : vector<8x128xf32>
    %max3A_3461 = arith.maximumf %max3A_3447, %get3A_3458 : vector<8x128xf32>
    %min3A_3462 = arith.minimumf %max3A_3447, %get3A_3458 : vector<8x128xf32>
    %max3A_3463 = arith.maximumf %max3A_3449, %min3A_3462 : vector<8x128xf32>
    %min3A_3464 = arith.minimumf %max3A_3449, %min3A_3462 : vector<8x128xf32>
    %max3A_3465 = arith.maximumf %max3A_3451, %min3A_3464 : vector<8x128xf32>
    %min3A_3466 = arith.minimumf %max3A_3451, %min3A_3464 : vector<8x128xf32>
    %max3A_3467 = arith.maximumf %max3A_3453, %min3A_3466 : vector<8x128xf32>
    %min3A_3468 = arith.minimumf %max3A_3453, %min3A_3466 : vector<8x128xf32>
    %max3A_3469 = arith.maximumf %max3A_3455, %min3A_3468 : vector<8x128xf32>
    %get3A_3470 = arith.constant 0 : index
    %get3A_3471 = arith.constant 31744 : index
    %get3A_3472 = vector.load %arg1[%get3A_3470, %get3A_3471] : memref<8x32768xf32, #tpu.memory_space<vmem>>, vector<8x128xf32>
    %exp3A_3473 = math.exp %get3A_3472 : vector<8x128xf32>
    %add3A_3474 = arith.addf %add3A_3460, %exp3A_3473 : vector<8x128xf32>
    %max3A_3475 = arith.maximumf %max3A_3461, %get3A_3472 : vector<8x128xf32>
    %min3A_3476 = arith.minimumf %max3A_3461, %get3A_3472 : vector<8x128xf32>
    %max3A_3477 = arith.maximumf %max3A_3463, %min3A_3476 : vector<8x128xf32>
    %min3A_3478 = arith.minimumf %max3A_3463, %min3A_3476 : vector<8x128xf32>
    %max3A_3479 = arith.maximumf %max3A_3465, %min3A_3478 : vector<8x128xf32>
    %min3A_3480 = arith.minimumf %max3A_3465, %min3A_3478 : vector<8x128xf32>
    %max3A_3481 = arith.maximumf %max3A_3467, %min3A_3480 : vector<8x128xf32>
    %min3A_3482 = arith.minimumf %max3A_3467, %min3A_3480 : vector<8x128xf32>
    %max3A_3483 = arith.maximumf %max3A_3469, %min3A_3482 : vector<8x128xf32>
    %get3A_3484 = arith.constant 0 : index
    %get3A_3485 = arith.constant 31872 : index
    %get3A_3486 = vector.load %arg1[%get3A_3484, %get3A_3485] : memref<8x32768xf32, #tpu.memory_space<vmem>>, vector<8x128xf32>
    %exp3A_3487 = math.exp %get3A_3486 : vector<8x128xf32>
    %add3A_3488 = arith.addf %add3A_3474, %exp3A_3487 : vector<8x128xf32>
    %max3A_3489 = arith.maximumf %max3A_3475, %get3A_3486 : vector<8x128xf32>
    %min3A_3490 = arith.minimumf %max3A_3475, %get3A_3486 : vector<8x128xf32>
    %max3A_3491 = arith.maximumf %max3A_3477, %min3A_3490 : vector<8x128xf32>
    %min3A_3492 = arith.minimumf %max3A_3477, %min3A_3490 : vector<8x128xf32>
    %max3A_3493 = arith.maximumf %max3A_3479, %min3A_3492 : vector<8x128xf32>
    %min3A_3494 = arith.minimumf %max3A_3479, %min3A_3492 : vector<8x128xf32>
    %max3A_3495 = arith.maximumf %max3A_3481, %min3A_3494 : vector<8x128xf32>
    %min3A_3496 = arith.minimumf %max3A_3481, %min3A_3494 : vector<8x128xf32>
    %max3A_3497 = arith.maximumf %max3A_3483, %min3A_3496 : vector<8x128xf32>
    %get3A_3498 = arith.constant 0 : index
    %get3A_3499 = arith.constant 32000 : index
    %get3A_3500 = vector.load %arg1[%get3A_3498, %get3A_3499] : memref<8x32768xf32, #tpu.memory_space<vmem>>, vector<8x128xf32>
    %exp3A_3501 = math.exp %get3A_3500 : vector<8x128xf32>
    %add3A_3502 = arith.addf %add3A_3488, %exp3A_3501 : vector<8x128xf32>
    %max3A_3503 = arith.maximumf %max3A_3489, %get3A_3500 : vector<8x128xf32>
    %min3A_3504 = arith.minimumf %max3A_3489, %get3A_3500 : vector<8x128xf32>
    %max3A_3505 = arith.maximumf %max3A_3491, %min3A_3504 : vector<8x128xf32>
    %min3A_3506 = arith.minimumf %max3A_3491, %min3A_3504 : vector<8x128xf32>
    %max3A_3507 = arith.maximumf %max3A_3493, %min3A_3506 : vector<8x128xf32>
    %min3A_3508 = arith.minimumf %max3A_3493, %min3A_3506 : vector<8x128xf32>
    %max3A_3509 = arith.maximumf %max3A_3495, %min3A_3508 : vector<8x128xf32>
    %min3A_3510 = arith.minimumf %max3A_3495, %min3A_3508 : vector<8x128xf32>
    %max3A_3511 = arith.maximumf %max3A_3497, %min3A_3510 : vector<8x128xf32>
    %get3A_3512 = arith.constant 0 : index
    %get3A_3513 = arith.constant 32128 : index
    %get3A_3514 = vector.load %arg1[%get3A_3512, %get3A_3513] : memref<8x32768xf32, #tpu.memory_space<vmem>>, vector<8x128xf32>
    %exp3A_3515 = math.exp %get3A_3514 : vector<8x128xf32>
    %add3A_3516 = arith.addf %add3A_3502, %exp3A_3515 : vector<8x128xf32>
    %max3A_3517 = arith.maximumf %max3A_3503, %get3A_3514 : vector<8x128xf32>
    %min3A_3518 = arith.minimumf %max3A_3503, %get3A_3514 : vector<8x128xf32>
    %max3A_3519 = arith.maximumf %max3A_3505, %min3A_3518 : vector<8x128xf32>
    %min3A_3520 = arith.minimumf %max3A_3505, %min3A_3518 : vector<8x128xf32>
    %max3A_3521 = arith.maximumf %max3A_3507, %min3A_3520 : vector<8x128xf32>
    %min3A_3522 = arith.minimumf %max3A_3507, %min3A_3520 : vector<8x128xf32>
    %max3A_3523 = arith.maximumf %max3A_3509, %min3A_3522 : vector<8x128xf32>
    %min3A_3524 = arith.minimumf %max3A_3509, %min3A_3522 : vector<8x128xf32>
    %max3A_3525 = arith.maximumf %max3A_3511, %min3A_3524 : vector<8x128xf32>
    %get3A_3526 = arith.constant 0 : index
    %get3A_3527 = arith.constant 32256 : index
    %get3A_3528 = vector.load %arg1[%get3A_3526, %get3A_3527] : memref<8x32768xf32, #tpu.memory_space<vmem>>, vector<8x128xf32>
    %exp3A_3529 = math.exp %get3A_3528 : vector<8x128xf32>
    %add3A_3530 = arith.addf %add3A_3516, %exp3A_3529 : vector<8x128xf32>
    %max3A_3531 = arith.maximumf %max3A_3517, %get3A_3528 : vector<8x128xf32>
    %min3A_3532 = arith.minimumf %max3A_3517, %get3A_3528 : vector<8x128xf32>
    %max3A_3533 = arith.maximumf %max3A_3519, %min3A_3532 : vector<8x128xf32>
    %min3A_3534 = arith.minimumf %max3A_3519, %min3A_3532 : vector<8x128xf32>
    %max3A_3535 = arith.maximumf %max3A_3521, %min3A_3534 : vector<8x128xf32>
    %min3A_3536 = arith.minimumf %max3A_3521, %min3A_3534 : vector<8x128xf32>
    %max3A_3537 = arith.maximumf %max3A_3523, %min3A_3536 : vector<8x128xf32>
    %min3A_3538 = arith.minimumf %max3A_3523, %min3A_3536 : vector<8x128xf32>
    %max3A_3539 = arith.maximumf %max3A_3525, %min3A_3538 : vector<8x128xf32>
    %get3A_3540 = arith.constant 0 : index
    %get3A_3541 = arith.constant 32384 : index
    %get3A_3542 = vector.load %arg1[%get3A_3540, %get3A_3541] : memref<8x32768xf32, #tpu.memory_space<vmem>>, vector<8x128xf32>
    %exp3A_3543 = math.exp %get3A_3542 : vector<8x128xf32>
    %add3A_3544 = arith.addf %add3A_3530, %exp3A_3543 : vector<8x128xf32>
    %max3A_3545 = arith.maximumf %max3A_3531, %get3A_3542 : vector<8x128xf32>
    %min3A_3546 = arith.minimumf %max3A_3531, %get3A_3542 : vector<8x128xf32>
    %max3A_3547 = arith.maximumf %max3A_3533, %min3A_3546 : vector<8x128xf32>
    %min3A_3548 = arith.minimumf %max3A_3533, %min3A_3546 : vector<8x128xf32>
    %max3A_3549 = arith.maximumf %max3A_3535, %min3A_3548 : vector<8x128xf32>
    %min3A_3550 = arith.minimumf %max3A_3535, %min3A_3548 : vector<8x128xf32>
    %max3A_3551 = arith.maximumf %max3A_3537, %min3A_3550 : vector<8x128xf32>
    %min3A_3552 = arith.minimumf %max3A_3537, %min3A_3550 : vector<8x128xf32>
    %max3A_3553 = arith.maximumf %max3A_3539, %min3A_3552 : vector<8x128xf32>
    %get3A_3554 = arith.constant 0 : index
    %get3A_3555 = arith.constant 32512 : index
    %get3A_3556 = vector.load %arg1[%get3A_3554, %get3A_3555] : memref<8x32768xf32, #tpu.memory_space<vmem>>, vector<8x128xf32>
    %exp3A_3557 = math.exp %get3A_3556 : vector<8x128xf32>
    %add3A_3558 = arith.addf %add3A_3544, %exp3A_3557 : vector<8x128xf32>
    %max3A_3559 = arith.maximumf %max3A_3545, %get3A_3556 : vector<8x128xf32>
    %min3A_3560 = arith.minimumf %max3A_3545, %get3A_3556 : vector<8x128xf32>
    %max3A_3561 = arith.maximumf %max3A_3547, %min3A_3560 : vector<8x128xf32>
    %min3A_3562 = arith.minimumf %max3A_3547, %min3A_3560 : vector<8x128xf32>
    %max3A_3563 = arith.maximumf %max3A_3549, %min3A_3562 : vector<8x128xf32>
    %min3A_3564 = arith.minimumf %max3A_3549, %min3A_3562 : vector<8x128xf32>
    %max3A_3565 = arith.maximumf %max3A_3551, %min3A_3564 : vector<8x128xf32>
    %min3A_3566 = arith.minimumf %max3A_3551, %min3A_3564 : vector<8x128xf32>
    %max3A_3567 = arith.maximumf %max3A_3553, %min3A_3566 : vector<8x128xf32>
    %get3A_3568 = arith.constant 0 : index
    %get3A_3569 = arith.constant 32640 : index
    %get3A_3570 = vector.load %arg1[%get3A_3568, %get3A_3569] : memref<8x32768xf32, #tpu.memory_space<vmem>>, vector<8x128xf32>
    %exp3A_3571 = math.exp %get3A_3570 : vector<8x128xf32>
    %add3A_3572 = arith.addf %add3A_3558, %exp3A_3571 : vector<8x128xf32>
    %max3A_3573 = arith.maximumf %max3A_3559, %get3A_3570 : vector<8x128xf32>
    %min3A_3574 = arith.minimumf %max3A_3559, %get3A_3570 : vector<8x128xf32>
    %max3A_3575 = arith.maximumf %max3A_3561, %min3A_3574 : vector<8x128xf32>
    %min3A_3576 = arith.minimumf %max3A_3561, %min3A_3574 : vector<8x128xf32>
    %max3A_3577 = arith.maximumf %max3A_3563, %min3A_3576 : vector<8x128xf32>
    %min3A_3578 = arith.minimumf %max3A_3563, %min3A_3576 : vector<8x128xf32>
    %max3A_3579 = arith.maximumf %max3A_3565, %min3A_3578 : vector<8x128xf32>
    %min3A_3580 = arith.minimumf %max3A_3565, %min3A_3578 : vector<8x128xf32>
    %max3A_3581 = arith.maximumf %max3A_3567, %min3A_3580 : vector<8x128xf32>
    %reduce_sum3A = arith.constant dense<0.000000e+00> : vector<8xf32>
    %reduce_sum3A_3582 = vector.multi_reduction <add>, %add3A_3572, %reduce_sum3A [1] : vector<8x128xf32> to vector<8xf32>
    %broadcast_in_dim3A_3583 = vector.shape_cast %reduce_sum3A_3582 : vector<8xf32> to vector<8x1xf32>
    %swap3A = arith.constant 0 : index
    %swap3A_3584 = arith.constant 0 : index
    %swap3A_3585 = vector.load %arg2[%swap3A, %swap3A_3584] : memref<8x1xf32, #tpu.memory_space<vmem>>, vector<8x1xf32>
    tpu.vector_store %arg2[%swap3A, %swap3A_3584], %broadcast_in_dim3A_3583 {strides = array<i32>} : memref<8x1xf32, #tpu.memory_space<vmem>>, vector<8x1xf32>,
    %concatenate3A = tpu.concatenate %max3A_3573, %max3A_3575, %max3A_3577, %max3A_3579, %max3A_3581 in 1 : vector<8x128xf32>, vector<8x128xf32>, vector<8x128xf32>, vector<8x128xf32>, vector<8x128xf32> -> vector<8x640xf32>
    %swap3A_3586 = arith.constant 0 : index
    %swap3A_3587 = arith.constant 0 : index
    %swap3A_3588 = vector.load %arg3[%swap3A_3586, %swap3A_3587] : memref<8x640xf32, #tpu.memory_space<vmem>>, vector<8x640xf32>
    tpu.vector_store %arg3[%swap3A_3586, %swap3A_3587], %concatenate3A {strides = array<i32>} : memref<8x640xf32, #tpu.memory_space<vmem>>, vector<8x640xf32>,
    return
  }
  func.func @transform_0(%arg0: i32) -> (i32, i32) {
    %c0_i32 = arith.constant 0 : i32
    %c0_i32_0 = arith.constant 0 : i32
    return %arg0, %c0_i32 : i32, i32
  }
  func.func @transform_1(%arg0: i32) -> (i32, i32) {
    %c0_i32 = arith.constant 0 : i32
    %c0_i32_0 = arith.constant 0 : i32
    return %arg0, %c0_i32 : i32, i32
  }
  func.func @transform_2(%arg0: i32) -> (i32, i32) {
    %c0_i32 = arith.constant 0 : i32
    %c0_i32_0 = arith.constant 0 : i32
    return %arg0, %c0_i32 : i32, i32
  }
}

</mosaic_0001>

<sc_bundles>
// kernel: kernel.5.cloned.1.call-start
scs
__scs_entry_jumppad:
0x0: {  	(pc) =	sbr.rel $0x88, $3  }
0x1: {  	(tag) =	ssettag $0x0;
	lr =	simm.s32 $0x1  }
0x2: {  	[smem:$0x3F9F] =	sst lr;
	_ =	strace $0xD0000000  }
0x3: {  	_ = 	snop  }
0x4: {  	_ = 	snop  }
0x5: {  	_ = 	snop  }
0x6: {  	_ = 	snop  }
0x7: {  	_ = 	snop  }
__scs_overlays_trampoline_lowered:
0x8: {  	[smem:$0x3FAE] =	sst s0  }
0x9: {  	[smem:$0x3FAF] =	sst s1  }
0xa: {  	[smem:$0x3FB0] =	sst s2  }
0xb: {  	[smem:$0x3FB1] =	sst s3  }
0xc: {  	[smem:$0x3FB2] =	sst s4  }
0xd: {  	[smem:$0x3FB3] =	sst s5  }
0xe: {  	[smem:$0x3FB4] =	sst s6  }
0xf: {  	[smem:$0x3FB5] =	sst s7  }
0x10: {  	[smem:$0x3FB6] =	sst s8  }
0x11: {  	[smem:$0x3FB7] =	sst s9;
	s0 =	simm.s32 @!p0 $0x0  }
0x12: {  	s1 =	sld [smem:$0x3F9D];
	s0 =	simm.s32 @p0 $0x1  }
0x13: {  	[smem:$0x3FB8] =	sst s0;
	s0 =	simm.s32 @!p1 $0x0  }
0x14: {  	s2 =	sld [smem:$0x3F9C];
	s0 =	simm.s32 @p1 $0x1  }
0x15: {  	[smem:$0x3FB9] =	sst s0;
	s0 =	simm.s32 @!p2 $0x0  }
0x16: {  	s3 =	sld [smem:$0x3FDB];
	s0 =	simm.s32 @p2 $0x1  }
0x17: {  	s4 =	simm.s32 $0x1BF5;
	[smem:$0x3FBB] =	sst s0  }
0x18: {  	s0 =	sld [smem:$0x3F9E];
	_ =	swait.ge [sflag:s4], $0x0  }
0x19: {  	s7 =	sld [smem:$0x3F9F]  }
0x1a: {  	s8 =	sadd.s32 $0xFFFFE003, lr  }
0x1b: {  	s9 =	sadd.s32 $0xFFFFFEF7, lr;
	s5 =	simm.s32 $0xFFFFFFFF;
	p2 =	slt.u32 s8, $0xFFFFF086  }
0x1c: {  	p1 =	slt.u32 s9, $0xF7A;
	s5 =	simm.s32 @!p2 $0x0  }
0x1d: {  	s5 =	simm.s32 @p1 $0x1;
	p0 =	seq.s32 s7, s2  }
0x1e: {  	s7 =	smul.u32 @!p0 $0xF7A, s2;
	p2 =	seq.s32 @!p0 s5, $0x0  }
0x1f: {  	s9 =	smul.u32 $0xF7A, s1;
	s8 =	simm.s32 @!p0 $0x1BF5;
	p2 =	por !p2, p0  }
0x20: {  	[sflag:s8] =	ssyncset.s32 @!p0 $0xFFFFF086;
	s6 =	sadd.s32 @!p0 s3, s7;
	s7 =	simm.s32 @!p0 $0x108  }
0x21: {  	s3 =	sadd.s32 s3, s9;
	s6 =	sadd.s32 @!p0 $0x88, s6;
	s7 =	simm.s32 @p2 $0x1082  }
0x22: {  	[simem:s7], [sflag:s8] =	dma.local @!p0 [hbm:s6], $0xF7A  }
0x23: {  	s9 =	sor.u32 $0xD0000000, s2;
	s6 =	simm.s32 $0x108;
	_ =	swait.ge @!p0 [sflag:s8], $0x0  }
0x24: {  	s3 =	sadd.s32 $0x88, s3;
	s6 =	simm.s32 @!p1 $0x1082;
	[sflag:s4] =	ssyncset.s32 $0xFFFFF086  }
0x25: {  	[simem:s6], [sflag:s4] =	dma.local [hbm:s3], $0xF7A  }
0x26: {  	[smem:$0x3F9F] =	sst s1;
	(tag) =	ssettag s2;
	_ =	strace s9  }
0x27: {  	s1 =	sld [smem:$0x3FAF]  }
0x28: {  	s2 =	sld [smem:$0x3FB0]  }
0x29: {  	s4 =	sld [smem:$0x3FB2]  }
0x2a: {  	p0 =	seq.s32 s5, $0x0;
	s5 =	sld [smem:$0x3FB3]  }
0x2b: {  	s6 =	sld [smem:$0x3FB4]  }
0x2c: {  	s7 =	sld [smem:$0x3FB5]  }
0x2d: {  	s3 =	simm.s32 $0x108;
	s8 =	sld [smem:$0x3FB6]  }
0x2e: {  	s3 =	simm.s32 @!p0 $0x1082;
	s9 =	sld [smem:$0x3FB7]  }
0x2f: {  	lr =	sadd.s32 s0, s3;
	s0 =	sld [smem:$0x3FAE]  }
0x30: {  	s3 =	sld [smem:$0x3FB1]  }
0x31: {  	[smem:$0x3FBA] =	sst s10  }
0x32: {  	s10 =	sld [smem:$0x3FB8];
	_ =	sdelay $0x3  }
0x33: {  	p0 =	seq.s32 s10, $0x1;
	s10 =	sld [smem:$0x3FBA];
	_ =	sdelay $0x3  }
0x34: {  	[smem:$0x3FBA] =	sst s10  }
0x35: {  	s10 =	sld [smem:$0x3FB9];
	_ =	sdelay $0x3  }
0x36: {  	p1 =	seq.s32 s10, $0x1;
	s10 =	sld [smem:$0x3FBA];
	_ =	sdelay $0x3  }
0x37: {  	[smem:$0x3FBA] =	sst s10  }
0x38: {  	s10 =	sld [smem:$0x3FBB]  }
0x39: {  	_ = 	snop;
	(pc) =	sbr.ind lr, $3  }
0x3a: {  	_ = 	snop  }
0x3b: {  	_ = 	snop  }
0x3c: {  	p2 =	seq.s32 s10, $0x1;
	s10 =	sld [smem:$0x3FBA]  }
0x3d: {  	_ =	shalt  }
0x3e: {  	_ =	shalt  }
0x3f: {  	_ =	shalt  }
0x40: {  	_ =	shalt  }
0x41: {  	_ =	shalt  }
0x42: {  	_ =	shalt  }
0x43: {  	_ =	shalt  }
0x44: {  	_ =	shalt  }
0x45: {  	_ =	shalt  }
0x46: {  	_ =	shalt  }
0x47: {  	_ =	shalt  }
0x48: {  	_ =	shalt  }
0x49: {  	_ =	shalt  }
0x4a: {  	_ =	shalt  }
0x4b: {  	_ =	shalt  }
0x4c: {  	_ =	shalt  }
0x4d: {  	_ =	shalt  }
0x4e: {  	_ =	shalt  }
0x4f: {  	_ =	shalt  }
0x50: {  	_ =	shalt  }
0x51: {  	_ =	shalt  }
0x52: {  	_ =	shalt  }
0x53: {  	_ =	shalt  }
0x54: {  	_ =	shalt  }
0x55: {  	_ =	shalt  }
0x56: {  	_ =	shalt  }
0x57: {  	_ =	shalt  }
0x58: {  	_ =	shalt  }
0x59: {  	_ =	shalt  }
0x5a: {  	_ =	shalt  }
0x5b: {  	_ =	shalt  }
0x5c: {  	_ =	shalt  }
0x5d: {  	_ =	shalt  }
0x5e: {  	_ =	shalt  }
0x5f: {  	_ =	shalt  }
0x60: {  	_ =	shalt  }
0x61: {  	_ =	shalt  }
0x62: {  	_ =	shalt  }
0x63: {  	_ =	shalt  }
0x64: {  	_ =	shalt  }
0x65: {  	_ =	shalt  }
0x66: {  	_ =	shalt  }
0x67: {  	_ =	shalt  }
0x68: {  	_ =	shalt  }
0x69: {  	_ =	shalt  }
0x6a: {  	_ =	shalt  }
0x6b: {  	_ =	shalt  }
0x6c: {  	_ =	shalt  }
0x6d: {  	_ =	shalt  }
0x6e: {  	_ =	shalt  }
0x6f: {  	_ =	shalt  }
0x70: {  	_ =	shalt  }
0x71: {  	_ =	shalt  }
0x72: {  	_ =	shalt  }
0x73: {  	_ =	shalt  }
0x74: {  	_ =	shalt  }
0x75: {  	_ =	shalt  }
0x76: {  	_ =	shalt  }
0x77: {  	_ =	shalt  }
0x78: {  	_ =	shalt  }
0x79: {  	_ =	shalt  }
0x7a: {  	_ =	shalt  }
0x7b: {  	_ =	shalt  }
0x7c: {  	_ =	shalt  }
0x7d: {  	_ =	shalt  }
0x7e: {  	_ =	shalt  }
0x7f: {  	_ =	shalt  }
0x80: {  	_ =	shalt  }
0x81: {  	_ =	shalt  }
0x82: {  	_ =	shalt  }
0x83: {  	_ =	shalt  }
0x84: {  	_ =	shalt  }
0x85: {  	_ =	shalt  }
0x86: {  	_ =	shalt  }
0x87: {  	_ =	shalt  }
.Lfunc_end0:
.L_simem_size_0:
called_computation_lowered:
.L_overlay_start_0:
0x88: {  	s2 =	sld [smem:$0x3FD9]  }
0x89: {  	s3 =	sld [smem:$0x3FFE];
	_ =	sdelay $0x1  }
0x8a: {  	s1 =	srdreg.scid  }
0x8b: {  	s0 =	sand.u32 $0x1, s1  }
0x8c: {  	s17 =	sshll.u32 s0, $0xA;
	s2 =	sadd.s32 s3, s2  }
0x8d: {  	s2 =	sadd.s32 s2, s17  }
0x8e: {  	[smem:$0x3FC6] =	sst s2  }
0x8f: {  	_ = 	snop  }
0x90: {  	s2 =	sld [smem:$0x3FD0];
	(tm) =	ssettm $0x1  }
0x91: {  	s18 =	sld [smem:$0x3FFB];
	_ =	sdelay $0x3  }
0x92: {  	_ =	strace s18  }
0x93: {  	s3 =	sld [smem:$0x3FFC];
	_ =	sdelay $0x3  }
0x94: {  	_ =	strace s3  }
0x95: {  	s3 =	sld [smem:$0x3FFD];
	_ =	sdelay $0x3  }
0x96: {  	_ =	strace s3  }
0x97: {  	_ =	strace $0x8FFFFFFF  }
0x98: {  	s19 =	sld [smem:$0x3FDB];
	_ =	sdelay $0x1  }
0x99: {  	s4 =	simm.s32 $_scs_section_size  }
0x9a: {  	s5 =	simm.s32 $_size__tile_overlayer_lowered;
	s6 =	simm.s32 $_tile_overlayer_lowered  }
0x9b: {  	s22 =	simm.s32 $0x1BFF;
	s21 =	sshll.u32 s6, $0x1;
	s3 =	sadd.s32 s4, s19  }
0x9c: {  	s7 =	simm.s32 $0x0;
	s20 =	sshll.u32 s5, $0x1;
	s5 =	sadd.s32 s21, s3  }
0x9d: {  	[timem:s7], [sflag:s22] =	dma.local [hbm:s5], s20  }
0x9e: {  	_ =	swait.ge [sflag:s22], s20  }
0x9f: {  	s4 =	ssub.s32 $0x0, s20;
	[sflag:s22] =	ssyncset.done $0x0  }
0xa0: {  	[sflag:s22] =	ssyncadd.s32 s4;
	_ =	sdelay $0x1  }
0xa1: {  	s23 =	simm.s32 $0x1B8B  }
0xa2: {  	_ =	swait.ge [sflag:s23], $0x1  }
0xa3: {  	[sflag:s23] =	ssyncset.done $0x0  }
0xa4: {  	s25 =	simm.s32 $0x1B8E;
	s24 =	sld [smem:$0x3FFE];
	[sflag:s23] =	ssyncadd.s32 $0xFFFFFFFF  }
0xa5: {  	s26 =	simm.s32 $execute0_lowered;
	[smem:$0x3FD2] =	sst s25  }
0xa6: {  	s5 =	sshll.u32 s26, $0x1;
	_ =	strace $0x80000046;
	[dreg:$0x1] =	wrdreg $0xFFFFFFFF  }
0xa7: {  	s28 =	simm.s32 $_size_execute0_lowered;
	s3 =	sadd.s32 s3, s5;
	[dreg:$0x0] =	wrdreg $0x0  }
0xa8: {  	s5 =	sshll.u32 s28, $0x1;
	[dreg:$0x2] =	wrdreg s3  }
0xa9: {  	[dreg:$0x3] =	wrdreg s5  }
0xaa: {  	[dreg:$0x4] =	wrdreg $0xC0  }
0xab: {  	_ =	task [dreg:s7], $0x5FFFF  }
0xac: {  	[dreg:$0x1] =	wrdreg $0xFFFFFFFF  }
0xad: {  	[dreg:$0x0] =	wrdreg $0x60  }
0xae: {  	[dreg:$0x2] =	wrdreg s24  }
0xaf: {  	[dreg:$0x3] =	wrdreg s2  }
0xb0: {  	[dreg:$0x4] =	wrdreg $0x9  }
0xb1: {  	_ =	task.clear_ibuf [dreg:s7], $0x5FFFF;
	_ =	strace $0x90000046  }
0xb2: {  	s29 =	simm.s32 $0x9;
	_ =	strace $0x80000048  }
0xb3: {  	_ =	swait.ge [sflag:s29], $0x1  }
0xb4: {  	[sflag:s29] =	ssyncadd.s32 $0xFFFFFFFF  }
0xb5: {  	_ =	strace $0x90000048  }
0xb6: {  	_ =	sfence  }
0xb7: {  	s30 =	sld [smem:$0x0];
	_ =	sdelay $0x2  }
0xb8: {  	s31 =	sshll.u32 s1, $0xD;
	s1 =	sshrl.u32 s1, $0x2  }
0xb9: {  	s3 =	sand.u32 $0x4000, s31;
	s1 =	sadd.s32 s1, s30  }
0xba: {  	s0 =	sor.u32 s3, s0;
	s1 =	sshll.u32 s1, $0x11  }
0xbb: {  	s0 =	sor.u32 s1, s0  }
0xbc: {  	s0 =	sadd.s32 $0x8F2B, s0  }
0xbd: {  	[sflag:s0] =	ssyncadd.remote.s32 $0x1  }
0xbe: {  	_ =	sfence.sel $0xFFFF  }
0xbf: {  	[dreg:$0x0] =	wrdreg $0xFFFFFFFF;
	(pc) =	sbr.abs _section_cstart, $3  }
0xc0: {  	[dreg:$0x1] =	wrdreg $0xFFFFFFFF  }
0xc1: {  	_ =	task.clear_ibuf [dreg:s7], $0x2FFFF;
	_ =	strace $0x9FFFFFFF  }
0xc2: {  	(tm) =	ssettm $0x7FFFFFFF  }
0xc3: {  	_ =	shalt  }
tec
execute0_lowered:
.L_overlay_start_1:
0x0: {  	(tag) =	ssettag $0x1  }
0x1: {  	s0 =	rddreg [dreg:$0x0]  }
0x2: {  	s1 =	rddreg [dreg:$0x1];
	s2 =	srdreg.scid  }
0x3: {  	s3 =	rddreg [dreg:$0x2];
	s4 =	simm.s32 $0x0;
	s2 =	sand.u32 $0x1, s2  }
0x4: {  	[smem:$0x7FF] =	sst s4;
	s4 =	stileid.u32;
	p0 =	seq.s32 s2, $0x1  }
0x5: {  	_ =	strace $0x80000047;
	s1 =	sadd.s32 @!p0 s1, s4;
	s2 =	simm.s32 @!p0 $0x0  }
0x6: {  	[tilespmem:s2], [sflag:$0x2] =	stream.linear.gather @!p0 [hbm4b:s1+s2], $0x8, $0x38;
	[tilespmem:$0x100] =	vst v63  }
0x7: {  	s1 =	simm.s32 @!p0 $0x2  }
0x8: {  	_ =	swait.ge @!p0 [sflag:s1], $0x8  }
0x9: {  	s5 =	sadd.s32 $0x1600, s0;
	[sflag:s1] =	ssyncset.done @!p0 $0x0  }
0xa: {  	s6 =	simm.s32 @!p0 $0x8;
	s7 =	simm.s32 @!p0 $0x80;
	[sflag:s1] =	ssyncadd.s32 @!p0 $0xFFFFFFF8  }
0xb: {  	[tilespmem:s7], [sflag:$0x1] =	stream.indirect.gather @!p0 [hbm4b:s5+s6], $0x1, s2, s6, $0xb8;
	[tilespmem:$0x100] =	vst v63  }
0xc: {  	s5 =	simm.s32 @!p0 $0x1  }
0xd: {  	_ =	swait.ge @!p0 [sflag:s5], $0x8  }
0xe: {  	s0 =	sadd.s32 $0x81600, s0;
	[sflag:s5] =	ssyncset.done @!p0 $0x0  }
0xf: {  	s0 =	sadd.s32 @!p0 s0, s4;
	[sflag:s5] =	ssyncadd.s32 @!p0 $0xFFFFFFF8  }
0x10: {  	[hbm4b:s0+s2] =	stream.linear.scatter @!p0 [tilespmem:s7], [sflag:$0x2], $0x8, $0x38;
	[tilespmem:$0x100] =	vst v63  }
0x11: {  	_ =	swait.ge @!p0 [sflag:s1], $0x8  }
0x12: {  	[sflag:s1] =	ssyncset.done @!p0 $0x0  }
0x13: {  	[sflag:s1] =	ssyncadd.s32 @!p0 $0xFFFFFFF8  }
0x14: {  	_ =	sfence.sel $0x180000  }
0x15: {  	[bflag:$0x0] =	sbarrier.arrive $0xFFFF  }
0x16: {  	p0 =	sne.s32 s4, $0x0;
	_ =	strace $0x90000047  }
0x17: {  	s0 =	sadd.s32 @!p0 $0x100000, s3;
	[bflag:$0x2] =	sbarrier.arrive $0xFFFF  }
0x18: {  	[sflag:s0] =	ssyncadd.tile.s32 @!p0 $0x1;
	_ =	shalt  }
.Lfunc_end2:
_tile_overlayer_lowered:
.L_overlay_start_2:
0x19: {  	(tag) =	ssettag $0x2  }
0x1a: {  	s0 =	rddreg [dreg:$0x0];
	s2 =	stileid.u32  }
0x1b: {  	s1 =	rddreg [dreg:$0x1];
	p0 =	sne.s32 s2, $0x0  }
0x1c: {  	s3 =	rddreg [dreg:$0x2];
	[bflag:$0x3] =	sbarrier.arrive $0xFFFF;
	s2 =	simm.s32 @!p0 $0x1C02  }
0x1d: {  	[timem:s3], [sflag:s2] =	dma.local @!p0 [hbm:s0], s1  }
0x1e: {  	s0 =	simm.s32 @!p0 $0x2  }
0x1f: {  	_ =	swait.ge @!p0 [sflag:s0], s1  }
0x20: {  	s1 =	ssub.s32 @!p0 $0x0, s1;
	[sflag:s0] =	ssyncset.done @!p0 $0x0  }
0x21: {  	[sflag:s0] =	ssyncadd.s32 @!p0 s1  }
0x22: {  	[bflag:$0x3] =	sbarrier.arrive $0xFFFF  }
0x23: {  	_ =	shalt  }

</sc_bundles>
